<compile_context>
chip_gen: v7x
topology: tpu7x:2x2x1
jax: 0.10.2.dev20260603
libtpu: 0.0.44.dev20260713+nightly
codegen_flags: <defaults>
</compile_context>

<pallas_src>
import functools

import jax
import jax.numpy as jnp
from jax import lax
from jax.experimental import pallas as pl
from jax.experimental.pallas import tpu as pltpu
from jax.experimental.pallas import tpu_sc as plsc

N = 32768
D_IN = 256
D_HALF = D_IN // 2
D_HID = 128
D_ATT = 64
B = 16
BLK = 2048
NBLK = N // BLK

_NC = 2
_NS = 16
_TILES = _NC * _NS
_RPT = N // _TILES
_LANE = 16



def _enc_body(x1_ref, x2_ref, x3_ref, x4_ref, W_enc_ref, b_enc_ref, V_ref,
              w_att_ref, W_bag_ref, g_ref):
    W = W_enc_ref[...].astype(jnp.bfloat16)
    Wa, Wb = W[:D_HALF], W[D_HALF:]
    h_top = jnp.dot(x1_ref[...].astype(jnp.bfloat16), Wa,
                    preferred_element_type=jnp.float32)
    h_top = h_top + jnp.dot(x2_ref[...].astype(jnp.bfloat16), Wb,
                            preferred_element_type=jnp.float32)
    h_bot = jnp.dot(x3_ref[...].astype(jnp.bfloat16), Wa,
                    preferred_element_type=jnp.float32)
    h_bot = h_bot + jnp.dot(x4_ref[...].astype(jnp.bfloat16), Wb,
                            preferred_element_type=jnp.float32)
    h = jnp.concatenate([h_top, h_bot], axis=0)
    h = h + b_enc_ref[...]
    t = jnp.tanh(jnp.dot(h.astype(jnp.bfloat16),
                         V_ref[...].astype(jnp.bfloat16),
                         preferred_element_type=jnp.float32))
    a_row = lax.dot_general(w_att_ref[...], t, (((0,), (1,)), ((), ())),
                            preferred_element_type=jnp.float32)
    e_row = jnp.exp(a_row)
    p_row = lax.dot_general(W_bag_ref[...], h, (((0,), (1,)), ((), ())),
                            preferred_element_type=jnp.float32)
    g_ref[...] = jnp.concatenate([e_row * p_row, e_row], axis=0)


def _encode(x, W_enc, b_enc, V, w_att, W_bag):
    return pl.pallas_call(
        _enc_body,
        grid=(NBLK,),
        in_specs=[
            pl.BlockSpec((BLK // 2, D_HALF), lambda i: (2 * i, 0)),
            pl.BlockSpec((BLK // 2, D_HALF), lambda i: (2 * i, 1)),
            pl.BlockSpec((BLK // 2, D_HALF), lambda i: (2 * i + 1, 0)),
            pl.BlockSpec((BLK // 2, D_HALF), lambda i: (2 * i + 1, 1)),
            pl.BlockSpec((D_IN, D_HID), lambda i: (0, 0)),
            pl.BlockSpec((1, D_HID), lambda i: (0, 0)),
            pl.BlockSpec((D_HID, D_ATT), lambda i: (0, 0)),
            pl.BlockSpec((D_ATT, 1), lambda i: (0, 0)),
            pl.BlockSpec((D_HID, 1), lambda i: (0, 0)),
        ],
        out_specs=pl.BlockSpec((2, BLK), lambda i: (0, i)),
        out_shape=jax.ShapeDtypeStruct((2, N), jnp.float32),
    )(x, x, x, x, W_enc, b_enc.reshape(1, D_HID), V, w_att, W_bag)



_SC_MESH = plsc.VectorSubcoreMesh(core_axis_name="c", subcore_axis_name="s",
                                  num_cores=_NC, num_subcores=_NS)


@functools.partial(
    pl.kernel,
    out_type=jax.ShapeDtypeStruct((_TILES, 2, B, _LANE), jnp.float32),
    mesh=_SC_MESH,
    scratch_types=[
        pltpu.VMEM((_RPT,), jnp.float32),
        pltpu.VMEM((_RPT,), jnp.float32),
        pltpu.VMEM((B, _LANE), jnp.float32),
        pltpu.VMEM((B, _LANE), jnp.float32),
        pltpu.VMEM((2 * B,), jnp.int32),
        pltpu.SemaphoreType.DMA,
        pltpu.SemaphoreType.DMA,
        pltpu.SemaphoreType.DMA,
    ],
)
def _sc_bag_sums(g_hbm, bs_hbm, out_hbm, wbuf, ebuf, acc_w, acc_e, bs_v,
                 s0, s1, s2):
    cid = lax.axis_index("c")
    sid = lax.axis_index("s")
    wid = sid * _NC + cid
    lo = wid * _RPT

    d0 = pltpu.async_copy(bs_hbm, bs_v, s0)
    d1 = pltpu.async_copy(g_hbm.at[0, pl.ds(lo, _RPT)], wbuf, s1)
    d2 = pltpu.async_copy(g_hbm.at[1, pl.ds(lo, _RPT)], ebuf, s2)

    lane = lax.iota(jnp.int32, _LANE)
    zero = jnp.zeros((_LANE,), jnp.float32)
    for j in range(B):
        acc_w[j] = zero
        acc_e[j] = zero

    d0.wait()
    d1.wait()
    d2.wait()
    bs_lo = bs_v[pl.ds(0, B)]
    bs_hi = bs_v[pl.ds(B, B)]

    for j in range(B):
        r0 = jnp.maximum(lo, bs_lo[j])
        r1 = jnp.minimum(lo + _RPT, bs_hi[j])

        @pl.when(r1 > r0)
        def _(j=j, r0=r0, r1=r1):
            v0 = (r0 - lo) // _LANE
            v1 = (r1 - lo + _LANE - 1) // _LANE

            def body(v, accs):
                aw, ae = accs
                base = v * _LANE
                idx = lo + base + lane
                m = (idx >= r0) & (idx < r1)
                wv = wbuf[pl.ds(base, _LANE)]
                ev = ebuf[pl.ds(base, _LANE)]
                return (aw + jnp.where(m, wv, 0.0),
                        ae + jnp.where(m, ev, 0.0))

            aw, ae = lax.fori_loop(v0, v1, body, (zero, zero))
            acc_w[j] = aw
            acc_e[j] = ae

    pltpu.sync_copy(acc_w, out_hbm.at[wid, 0])
    pltpu.sync_copy(acc_e, out_hbm.at[wid, 1])



def _fin_body(zp_ref, b_bag_ref, out_ref):
    zp = zp_ref[...]
    num = jnp.sum(zp[:, 0, :, :], axis=(0, 2))
    den = jnp.sum(zp[:, 1, :, :], axis=(0, 2))
    yhat = num / jnp.where(den > 0, den, 1.0) + b_bag_ref[0, 0]
    out_ref[...] = yhat.reshape(B, 1)


def _finalize(zp, b_bag):
    return pl.pallas_call(
        _fin_body,
        out_shape=jax.ShapeDtypeStruct((B, 1), jnp.float32),
    )(zp, b_bag.reshape(1, 1))



def kernel(x, bag_sizes, W_enc, b_enc, V, w_att, W_ins, b_ins, W_bag, b_bag):
    bs_pad = jnp.concatenate([bag_sizes[:B], bag_sizes[1:]])
    g = _encode(x, W_enc, b_enc, V, w_att, W_bag)
    zp = _sc_bag_sums(g, bs_pad)
    return _finalize(zp, b_bag)

# --- scband reference (transcript-rebuilt; emitter-appended) ---
"""Pipeline reference for scband-embedding-bag-model-3375844295424 (READ-ONLY COPY).

The authoritative reference and input builder live on the scoring server;
editing this copy changes nothing except your own understanding.
"""

import jax, jax.numpy as jnp
import numpy as np

N, D_IN, D_HID, D_ATT, C, B = 32768, 256, 128, 64, 1, 16


def setup_inputs(seed: int = 0) -> dict:
    key = jax.random.key(seed)
    ks = jax.random.split(key, 10)
    x = jax.random.normal(ks[0], (N, D_IN), dtype=jnp.float32)
    inner = jnp.sort(jax.random.randint(ks[1], (B - 1,), 0, N)).astype(jnp.int32)
    bag_sizes = jnp.concatenate([jnp.array([0], jnp.int32), inner, jnp.array([N], jnp.int32)])
    W_enc = jax.random.normal(ks[2], (D_IN, D_HID), dtype=jnp.float32) * 0.02
    b_enc = jnp.zeros((D_HID,), dtype=jnp.float32)
    V = jax.random.normal(ks[3], (D_HID, D_ATT), dtype=jnp.float32) * 0.02
    w_att = jax.random.normal(ks[4], (D_ATT, 1), dtype=jnp.float32) * 0.02
    W_ins = jax.random.normal(ks[5], (D_HID, C), dtype=jnp.float32) * 0.02
    b_ins = jnp.zeros((C,), dtype=jnp.float32)
    W_bag = jax.random.normal(ks[6], (D_HID, C), dtype=jnp.float32) * 0.02
    b_bag = jnp.zeros((C,), dtype=jnp.float32)
    return {"x": x, "bag_sizes": bag_sizes, "W_enc": W_enc, "b_enc": b_enc, "V": V, "w_att": w_att, "W_ins": W_ins, "b_ins": b_ins, "W_bag": W_bag, "b_bag": b_bag}


def reference(x, bag_sizes, W_enc, b_enc, V, w_att, W_ins, b_ins, W_bag, b_bag):
    # encoder: h = encoder(x)
    h = x @ W_enc + b_enc                      # [N, D_HID]
    # h = h.view(h.size(0), -1, h.size(1))
    h = h.reshape(h.shape[0], -1, D_HID)       # [N, 1, D_HID]
    num_bags = bag_sizes.shape[0] - 1
    inst = h.reshape(-1, D_HID)                # [N, D_HID]
    idx = jnp.arange(inst.shape[0])
    a_all = jnp.tanh(inst @ V) @ w_att         # [N, 1]
    logits = []
    for j in range(num_bags):
        start, end = bag_sizes[j], bag_sizes[j + 1]
        mask = ((idx >= start) & (idx < end))[:, None]   # [N, 1]
        # gated-attention MIL aggregator -> (yhat_bag, saliency, yhat_instances, att_scores)
        a = jnp.where(mask, a_all, -jnp.inf)             # [N, 1]
        m = jnp.max(a, axis=0, keepdims=True)            # [1, 1]
        e = jnp.where(mask, jnp.exp(a_all - m), 0.0)     # [N, 1]
        denom = jnp.sum(e, axis=0, keepdims=True)        # [1, 1]
        att = e / jnp.where(denom > 0, denom, 1.0)       # [N, 1]
        yhat_ins = jax.nn.sigmoid(inst @ W_ins + b_ins)  # [N, C]
        sm = att * inst                        # saliency map [N, D_HID]
        z = jnp.sum(att * inst, axis=0)        # [D_HID]
        yhat_bag = z @ W_bag + b_bag           # [C]
        logits.append(yhat_bag)
    return jnp.stack(logits, axis=0)           # [num_bags, C]

if __name__ == "__main__":
    import jax
    _d = setup_inputs()
    print(jax.jit(kernel)(*tuple(_d.values())))

</pallas_src>

<mosaic_0001>
#map = affine_map<(d0, d1) -> (0, 0)>
#map1 = affine_map<(d0, d1) -> (0)>
#map2 = affine_map<(d0, d1) -> (0, 0, 0, 0)>
module attributes {stable_mosaic.version = 14 : i64} {
  func.func @_sc_bag_sums(%arg0: i32, %arg1: i32, %arg2: memref<2x32768xf32, #tpu.memory_space<hbm>>, %arg3: memref<32xi32, #tpu.memory_space<hbm>>, %arg4: memref<32x2x16x16xf32, #tpu.memory_space<hbm>>, %arg5: memref<1024xf32, #tpu.memory_space<vmem>>, %arg6: memref<1024xf32, #tpu.memory_space<vmem>>, %arg7: memref<16x16xf32, #tpu.memory_space<vmem>>, %arg8: memref<16x16xf32, #tpu.memory_space<vmem>>, %arg9: memref<32xi32, #tpu.memory_space<vmem>>, %arg10: memref<!tpu.dma_semaphore, #tpu.memory_space<semaphore_mem>>, %arg11: memref<!tpu.dma_semaphore, #tpu.memory_space<semaphore_mem>>, %arg12: memref<!tpu.dma_semaphore, #tpu.memory_space<semaphore_mem>>) attributes {dimension_semantics = [#tpu.dimension_semantics<core_parallel>, #tpu.dimension_semantics<subcore_parallel>], iteration_bounds = array<i64: 2, 16>, scalar_prefetch = 0 : i64, scratch_operands = 8 : i64, tpu.core_type = #tpu.core_type<sc_vector_subcore>, window_params = [{transform_indices = #map}, {transform_indices = #map1}, {transform_indices = #map2}]} {
    %mul3A = arith.constant 2 : i32
    %mul3A_0 = arith.muli %arg1, %mul3A : i32
    %add3A = arith.addi %mul3A_0, %arg0 : i32
    %mul3A_1 = arith.constant 1024 : i32
    %mul3A_2 = arith.muli %add3A, %mul3A_1 : i32
    tpu.enqueue_dma source(%arg3 : memref<32xi32, #tpu.memory_space<hbm>>) target(%arg9 : memref<32xi32, #tpu.memory_space<vmem>>) target_semaphore(%arg10 : memref<!tpu.dma_semaphore, #tpu.memory_space<semaphore_mem>>)
    %dma_start3A = arith.constant 0 : i32
    %dma_start3A_3 = tpu.memref_slice %arg2[%dma_start3A, %mul3A_2] : memref<2x32768xf32, #tpu.memory_space<hbm>> -> memref<1x1024xf32, #tpu.memory_space<hbm>>
    %dma_start3A_4 = tpu.memref_squeeze %dma_start3A_3 : memref<1x1024xf32, #tpu.memory_space<hbm>> -> memref<1024xf32, #tpu.memory_space<hbm>>
    %dma_start3A_5 = tpu.memref_slice %arg2[%dma_start3A, %mul3A_2] : memref<2x32768xf32, #tpu.memory_space<hbm>> -> memref<1x1024xf32, #tpu.memory_space<hbm>>
    %dma_start3A_6 = tpu.memref_squeeze %dma_start3A_5 : memref<1x1024xf32, #tpu.memory_space<hbm>> -> memref<1024xf32, #tpu.memory_space<hbm>>
    tpu.enqueue_dma source(%dma_start3A_6 : memref<1024xf32, #tpu.memory_space<hbm>>) target(%arg5 : memref<1024xf32, #tpu.memory_space<vmem>>) target_semaphore(%arg11 : memref<!tpu.dma_semaphore, #tpu.memory_space<semaphore_mem>>)
    %dma_start3A_7 = arith.constant 1 : i32
    %dma_start3A_8 = tpu.memref_slice %arg2[%dma_start3A_7, %mul3A_2] : memref<2x32768xf32, #tpu.memory_space<hbm>> -> memref<1x1024xf32, #tpu.memory_space<hbm>>
    %dma_start3A_9 = tpu.memref_squeeze %dma_start3A_8 : memref<1x1024xf32, #tpu.memory_space<hbm>> -> memref<1024xf32, #tpu.memory_space<hbm>>
    %dma_start3A_10 = tpu.memref_slice %arg2[%dma_start3A_7, %mul3A_2] : memref<2x32768xf32, #tpu.memory_space<hbm>> -> memref<1x1024xf32, #tpu.memory_space<hbm>>
    %dma_start3A_11 = tpu.memref_squeeze %dma_start3A_10 : memref<1x1024xf32, #tpu.memory_space<hbm>> -> memref<1024xf32, #tpu.memory_space<hbm>>
    tpu.enqueue_dma source(%dma_start3A_11 : memref<1024xf32, #tpu.memory_space<hbm>>) target(%arg6 : memref<1024xf32, #tpu.memory_space<vmem>>) target_semaphore(%arg12 : memref<!tpu.dma_semaphore, #tpu.memory_space<semaphore_mem>>)
    %iota3A = tpu.iota {dimensions = array<i32: 0>} : vector<16xi32>
    %broadcast_in_dim3A = arith.constant 0.000000e+00 : f32
    %broadcast_in_dim3A_12 = vector.broadcast %broadcast_in_dim3A : f32 to vector<16xf32>
    %swap3A = arith.constant 0 : i32
    %swap3A_13 = arith.index_cast %swap3A : i32 to index
    %swap3A_14 = arith.constant 0 : index
    %swap3A_15 = tpu.vector_load %arg7[%swap3A_13, %swap3A_14] {strides = array<i32>} : memref<16x16xf32, #tpu.memory_space<vmem>>, vector<1x16xf32>,
    %swap3A_16 = vector.shape_cast %swap3A_15 : vector<1x16xf32> to vector<16xf32>
    %swap3A_17 = vector.shape_cast %broadcast_in_dim3A_12 : vector<16xf32> to vector<1x16xf32>
    tpu.vector_store %arg7[%swap3A_13, %swap3A_14], %swap3A_17 {strides = array<i32>} : memref<16x16xf32, #tpu.memory_space<vmem>>, vector<1x16xf32>,
    %swap3A_18 = arith.constant 0 : i32
    %swap3A_19 = arith.index_cast %swap3A_18 : i32 to index
    %swap3A_20 = arith.constant 0 : index
    %swap3A_21 = tpu.vector_load %arg8[%swap3A_19, %swap3A_20] {strides = array<i32>} : memref<16x16xf32, #tpu.memory_space<vmem>>, vector<1x16xf32>,
    %swap3A_22 = vector.shape_cast %swap3A_21 : vector<1x16xf32> to vector<16xf32>
    %swap3A_23 = vector.shape_cast %broadcast_in_dim3A_12 : vector<16xf32> to vector<1x16xf32>
    tpu.vector_store %arg8[%swap3A_19, %swap3A_20], %swap3A_23 {strides = array<i32>} : memref<16x16xf32, #tpu.memory_space<vmem>>, vector<1x16xf32>,
    %swap3A_24 = arith.constant 1 : i32
    %swap3A_25 = arith.index_cast %swap3A_24 : i32 to index
    %swap3A_26 = arith.constant 0 : index
    %swap3A_27 = tpu.vector_load %arg7[%swap3A_25, %swap3A_26] {strides = array<i32>} : memref<16x16xf32, #tpu.memory_space<vmem>>, vector<1x16xf32>,
    %swap3A_28 = vector.shape_cast %swap3A_27 : vector<1x16xf32> to vector<16xf32>
    %swap3A_29 = vector.shape_cast %broadcast_in_dim3A_12 : vector<16xf32> to vector<1x16xf32>
    tpu.vector_store %arg7[%swap3A_25, %swap3A_26], %swap3A_29 {strides = array<i32>} : memref<16x16xf32, #tpu.memory_space<vmem>>, vector<1x16xf32>,
    %swap3A_30 = arith.constant 1 : i32
    %swap3A_31 = arith.index_cast %swap3A_30 : i32 to index
    %swap3A_32 = arith.constant 0 : index
    %swap3A_33 = tpu.vector_load %arg8[%swap3A_31, %swap3A_32] {strides = array<i32>} : memref<16x16xf32, #tpu.memory_space<vmem>>, vector<1x16xf32>,
    %swap3A_34 = vector.shape_cast %swap3A_33 : vector<1x16xf32> to vector<16xf32>
    %swap3A_35 = vector.shape_cast %broadcast_in_dim3A_12 : vector<16xf32> to vector<1x16xf32>
    tpu.vector_store %arg8[%swap3A_31, %swap3A_32], %swap3A_35 {strides = array<i32>} : memref<16x16xf32, #tpu.memory_space<vmem>>, vector<1x16xf32>,
    %swap3A_36 = arith.constant 2 : i32
    %swap3A_37 = arith.index_cast %swap3A_36 : i32 to index
    %swap3A_38 = arith.constant 0 : index
    %swap3A_39 = tpu.vector_load %arg7[%swap3A_37, %swap3A_38] {strides = array<i32>} : memref<16x16xf32, #tpu.memory_space<vmem>>, vector<1x16xf32>,
    %swap3A_40 = vector.shape_cast %swap3A_39 : vector<1x16xf32> to vector<16xf32>
    %swap3A_41 = vector.shape_cast %broadcast_in_dim3A_12 : vector<16xf32> to vector<1x16xf32>
    tpu.vector_store %arg7[%swap3A_37, %swap3A_38], %swap3A_41 {strides = array<i32>} : memref<16x16xf32, #tpu.memory_space<vmem>>, vector<1x16xf32>,
    %swap3A_42 = arith.constant 2 : i32
    %swap3A_43 = arith.index_cast %swap3A_42 : i32 to index
    %swap3A_44 = arith.constant 0 : index
    %swap3A_45 = tpu.vector_load %arg8[%swap3A_43, %swap3A_44] {strides = array<i32>} : memref<16x16xf32, #tpu.memory_space<vmem>>, vector<1x16xf32>,
    %swap3A_46 = vector.shape_cast %swap3A_45 : vector<1x16xf32> to vector<16xf32>
    %swap3A_47 = vector.shape_cast %broadcast_in_dim3A_12 : vector<16xf32> to vector<1x16xf32>
    tpu.vector_store %arg8[%swap3A_43, %swap3A_44], %swap3A_47 {strides = array<i32>} : memref<16x16xf32, #tpu.memory_space<vmem>>, vector<1x16xf32>,
    %swap3A_48 = arith.constant 3 : i32
    %swap3A_49 = arith.index_cast %swap3A_48 : i32 to index
    %swap3A_50 = arith.constant 0 : index
    %swap3A_51 = tpu.vector_load %arg7[%swap3A_49, %swap3A_50] {strides = array<i32>} : memref<16x16xf32, #tpu.memory_space<vmem>>, vector<1x16xf32>,
    %swap3A_52 = vector.shape_cast %swap3A_51 : vector<1x16xf32> to vector<16xf32>
    %swap3A_53 = vector.shape_cast %broadcast_in_dim3A_12 : vector<16xf32> to vector<1x16xf32>
    tpu.vector_store %arg7[%swap3A_49, %swap3A_50], %swap3A_53 {strides = array<i32>} : memref<16x16xf32, #tpu.memory_space<vmem>>, vector<1x16xf32>,
    %swap3A_54 = arith.constant 3 : i32
    %swap3A_55 = arith.index_cast %swap3A_54 : i32 to index
    %swap3A_56 = arith.constant 0 : index
    %swap3A_57 = tpu.vector_load %arg8[%swap3A_55, %swap3A_56] {strides = array<i32>} : memref<16x16xf32, #tpu.memory_space<vmem>>, vector<1x16xf32>,
    %swap3A_58 = vector.shape_cast %swap3A_57 : vector<1x16xf32> to vector<16xf32>
    %swap3A_59 = vector.shape_cast %broadcast_in_dim3A_12 : vector<16xf32> to vector<1x16xf32>
    tpu.vector_store %arg8[%swap3A_55, %swap3A_56], %swap3A_59 {strides = array<i32>} : memref<16x16xf32, #tpu.memory_space<vmem>>, vector<1x16xf32>,
    %swap3A_60 = arith.constant 4 : i32
    %swap3A_61 = arith.index_cast %swap3A_60 : i32 to index
    %swap3A_62 = arith.constant 0 : index
    %swap3A_63 = tpu.vector_load %arg7[%swap3A_61, %swap3A_62] {strides = array<i32>} : memref<16x16xf32, #tpu.memory_space<vmem>>, vector<1x16xf32>,
    %swap3A_64 = vector.shape_cast %swap3A_63 : vector<1x16xf32> to vector<16xf32>
    %swap3A_65 = vector.shape_cast %broadcast_in_dim3A_12 : vector<16xf32> to vector<1x16xf32>
    tpu.vector_store %arg7[%swap3A_61, %swap3A_62], %swap3A_65 {strides = array<i32>} : memref<16x16xf32, #tpu.memory_space<vmem>>, vector<1x16xf32>,
    %swap3A_66 = arith.constant 4 : i32
    %swap3A_67 = arith.index_cast %swap3A_66 : i32 to index
    %swap3A_68 = arith.constant 0 : index
    %swap3A_69 = tpu.vector_load %arg8[%swap3A_67, %swap3A_68] {strides = array<i32>} : memref<16x16xf32, #tpu.memory_space<vmem>>, vector<1x16xf32>,
    %swap3A_70 = vector.shape_cast %swap3A_69 : vector<1x16xf32> to vector<16xf32>
    %swap3A_71 = vector.shape_cast %broadcast_in_dim3A_12 : vector<16xf32> to vector<1x16xf32>
    tpu.vector_store %arg8[%swap3A_67, %swap3A_68], %swap3A_71 {strides = array<i32>} : memref<16x16xf32, #tpu.memory_space<vmem>>, vector<1x16xf32>,
    %swap3A_72 = arith.constant 5 : i32
    %swap3A_73 = arith.index_cast %swap3A_72 : i32 to index
    %swap3A_74 = arith.constant 0 : index
    %swap3A_75 = tpu.vector_load %arg7[%swap3A_73, %swap3A_74] {strides = array<i32>} : memref<16x16xf32, #tpu.memory_space<vmem>>, vector<1x16xf32>,
    %swap3A_76 = vector.shape_cast %swap3A_75 : vector<1x16xf32> to vector<16xf32>
    %swap3A_77 = vector.shape_cast %broadcast_in_dim3A_12 : vector<16xf32> to vector<1x16xf32>
    tpu.vector_store %arg7[%swap3A_73, %swap3A_74], %swap3A_77 {strides = array<i32>} : memref<16x16xf32, #tpu.memory_space<vmem>>, vector<1x16xf32>,
    %swap3A_78 = arith.constant 5 : i32
    %swap3A_79 = arith.index_cast %swap3A_78 : i32 to index
    %swap3A_80 = arith.constant 0 : index
    %swap3A_81 = tpu.vector_load %arg8[%swap3A_79, %swap3A_80] {strides = array<i32>} : memref<16x16xf32, #tpu.memory_space<vmem>>, vector<1x16xf32>,
    %swap3A_82 = vector.shape_cast %swap3A_81 : vector<1x16xf32> to vector<16xf32>
    %swap3A_83 = vector.shape_cast %broadcast_in_dim3A_12 : vector<16xf32> to vector<1x16xf32>
    tpu.vector_store %arg8[%swap3A_79, %swap3A_80], %swap3A_83 {strides = array<i32>} : memref<16x16xf32, #tpu.memory_space<vmem>>, vector<1x16xf32>,
    %swap3A_84 = arith.constant 6 : i32
    %swap3A_85 = arith.index_cast %swap3A_84 : i32 to index
    %swap3A_86 = arith.constant 0 : index
    %swap3A_87 = tpu.vector_load %arg7[%swap3A_85, %swap3A_86] {strides = array<i32>} : memref<16x16xf32, #tpu.memory_space<vmem>>, vector<1x16xf32>,
    %swap3A_88 = vector.shape_cast %swap3A_87 : vector<1x16xf32> to vector<16xf32>
    %swap3A_89 = vector.shape_cast %broadcast_in_dim3A_12 : vector<16xf32> to vector<1x16xf32>
    tpu.vector_store %arg7[%swap3A_85, %swap3A_86], %swap3A_89 {strides = array<i32>} : memref<16x16xf32, #tpu.memory_space<vmem>>, vector<1x16xf32>,
    %swap3A_90 = arith.constant 6 : i32
    %swap3A_91 = arith.index_cast %swap3A_90 : i32 to index
    %swap3A_92 = arith.constant 0 : index
    %swap3A_93 = tpu.vector_load %arg8[%swap3A_91, %swap3A_92] {strides = array<i32>} : memref<16x16xf32, #tpu.memory_space<vmem>>, vector<1x16xf32>,
    %swap3A_94 = vector.shape_cast %swap3A_93 : vector<1x16xf32> to vector<16xf32>
    %swap3A_95 = vector.shape_cast %broadcast_in_dim3A_12 : vector<16xf32> to vector<1x16xf32>
    tpu.vector_store %arg8[%swap3A_91, %swap3A_92], %swap3A_95 {strides = array<i32>} : memref<16x16xf32, #tpu.memory_space<vmem>>, vector<1x16xf32>,
    %swap3A_96 = arith.constant 7 : i32
    %swap3A_97 = arith.index_cast %swap3A_96 : i32 to index
    %swap3A_98 = arith.constant 0 : index
    %swap3A_99 = tpu.vector_load %arg7[%swap3A_97, %swap3A_98] {strides = array<i32>} : memref<16x16xf32, #tpu.memory_space<vmem>>, vector<1x16xf32>,
    %swap3A_100 = vector.shape_cast %swap3A_99 : vector<1x16xf32> to vector<16xf32>
    %swap3A_101 = vector.shape_cast %broadcast_in_dim3A_12 : vector<16xf32> to vector<1x16xf32>
    tpu.vector_store %arg7[%swap3A_97, %swap3A_98], %swap3A_101 {strides = array<i32>} : memref<16x16xf32, #tpu.memory_space<vmem>>, vector<1x16xf32>,
    %swap3A_102 = arith.constant 7 : i32
    %swap3A_103 = arith.index_cast %swap3A_102 : i32 to index
    %swap3A_104 = arith.constant 0 : index
    %swap3A_105 = tpu.vector_load %arg8[%swap3A_103, %swap3A_104] {strides = array<i32>} : memref<16x16xf32, #tpu.memory_space<vmem>>, vector<1x16xf32>,
    %swap3A_106 = vector.shape_cast %swap3A_105 : vector<1x16xf32> to vector<16xf32>
    %swap3A_107 = vector.shape_cast %broadcast_in_dim3A_12 : vector<16xf32> to vector<1x16xf32>
    tpu.vector_store %arg8[%swap3A_103, %swap3A_104], %swap3A_107 {strides = array<i32>} : memref<16x16xf32, #tpu.memory_space<vmem>>, vector<1x16xf32>,
    %swap3A_108 = arith.constant 8 : i32
    %swap3A_109 = arith.index_cast %swap3A_108 : i32 to index
    %swap3A_110 = arith.constant 0 : index
    %swap3A_111 = tpu.vector_load %arg7[%swap3A_109, %swap3A_110] {strides = array<i32>} : memref<16x16xf32, #tpu.memory_space<vmem>>, vector<1x16xf32>,
    %swap3A_112 = vector.shape_cast %swap3A_111 : vector<1x16xf32> to vector<16xf32>
    %swap3A_113 = vector.shape_cast %broadcast_in_dim3A_12 : vector<16xf32> to vector<1x16xf32>
    tpu.vector_store %arg7[%swap3A_109, %swap3A_110], %swap3A_113 {strides = array<i32>} : memref<16x16xf32, #tpu.memory_space<vmem>>, vector<1x16xf32>,
    %swap3A_114 = arith.constant 8 : i32
    %swap3A_115 = arith.index_cast %swap3A_114 : i32 to index
    %swap3A_116 = arith.constant 0 : index
    %swap3A_117 = tpu.vector_load %arg8[%swap3A_115, %swap3A_116] {strides = array<i32>} : memref<16x16xf32, #tpu.memory_space<vmem>>, vector<1x16xf32>,
    %swap3A_118 = vector.shape_cast %swap3A_117 : vector<1x16xf32> to vector<16xf32>
    %swap3A_119 = vector.shape_cast %broadcast_in_dim3A_12 : vector<16xf32> to vector<1x16xf32>
    tpu.vector_store %arg8[%swap3A_115, %swap3A_116], %swap3A_119 {strides = array<i32>} : memref<16x16xf32, #tpu.memory_space<vmem>>, vector<1x16xf32>,
    %swap3A_120 = arith.constant 9 : i32
    %swap3A_121 = arith.index_cast %swap3A_120 : i32 to index
    %swap3A_122 = arith.constant 0 : index
    %swap3A_123 = tpu.vector_load %arg7[%swap3A_121, %swap3A_122] {strides = array<i32>} : memref<16x16xf32, #tpu.memory_space<vmem>>, vector<1x16xf32>,
    %swap3A_124 = vector.shape_cast %swap3A_123 : vector<1x16xf32> to vector<16xf32>
    %swap3A_125 = vector.shape_cast %broadcast_in_dim3A_12 : vector<16xf32> to vector<1x16xf32>
    tpu.vector_store %arg7[%swap3A_121, %swap3A_122], %swap3A_125 {strides = array<i32>} : memref<16x16xf32, #tpu.memory_space<vmem>>, vector<1x16xf32>,
    %swap3A_126 = arith.constant 9 : i32
    %swap3A_127 = arith.index_cast %swap3A_126 : i32 to index
    %swap3A_128 = arith.constant 0 : index
    %swap3A_129 = tpu.vector_load %arg8[%swap3A_127, %swap3A_128] {strides = array<i32>} : memref<16x16xf32, #tpu.memory_space<vmem>>, vector<1x16xf32>,
    %swap3A_130 = vector.shape_cast %swap3A_129 : vector<1x16xf32> to vector<16xf32>
    %swap3A_131 = vector.shape_cast %broadcast_in_dim3A_12 : vector<16xf32> to vector<1x16xf32>
    tpu.vector_store %arg8[%swap3A_127, %swap3A_128], %swap3A_131 {strides = array<i32>} : memref<16x16xf32, #tpu.memory_space<vmem>>, vector<1x16xf32>,
    %swap3A_132 = arith.constant 10 : i32
    %swap3A_133 = arith.index_cast %swap3A_132 : i32 to index
    %swap3A_134 = arith.constant 0 : index
    %swap3A_135 = tpu.vector_load %arg7[%swap3A_133, %swap3A_134] {strides = array<i32>} : memref<16x16xf32, #tpu.memory_space<vmem>>, vector<1x16xf32>,
    %swap3A_136 = vector.shape_cast %swap3A_135 : vector<1x16xf32> to vector<16xf32>
    %swap3A_137 = vector.shape_cast %broadcast_in_dim3A_12 : vector<16xf32> to vector<1x16xf32>
    tpu.vector_store %arg7[%swap3A_133, %swap3A_134], %swap3A_137 {strides = array<i32>} : memref<16x16xf32, #tpu.memory_space<vmem>>, vector<1x16xf32>,
    %swap3A_138 = arith.constant 10 : i32
    %swap3A_139 = arith.index_cast %swap3A_138 : i32 to index
    %swap3A_140 = arith.constant 0 : index
    %swap3A_141 = tpu.vector_load %arg8[%swap3A_139, %swap3A_140] {strides = array<i32>} : memref<16x16xf32, #tpu.memory_space<vmem>>, vector<1x16xf32>,
    %swap3A_142 = vector.shape_cast %swap3A_141 : vector<1x16xf32> to vector<16xf32>
    %swap3A_143 = vector.shape_cast %broadcast_in_dim3A_12 : vector<16xf32> to vector<1x16xf32>
    tpu.vector_store %arg8[%swap3A_139, %swap3A_140], %swap3A_143 {strides = array<i32>} : memref<16x16xf32, #tpu.memory_space<vmem>>, vector<1x16xf32>,
    %swap3A_144 = arith.constant 11 : i32
    %swap3A_145 = arith.index_cast %swap3A_144 : i32 to index
    %swap3A_146 = arith.constant 0 : index
    %swap3A_147 = tpu.vector_load %arg7[%swap3A_145, %swap3A_146] {strides = array<i32>} : memref<16x16xf32, #tpu.memory_space<vmem>>, vector<1x16xf32>,
    %swap3A_148 = vector.shape_cast %swap3A_147 : vector<1x16xf32> to vector<16xf32>
    %swap3A_149 = vector.shape_cast %broadcast_in_dim3A_12 : vector<16xf32> to vector<1x16xf32>
    tpu.vector_store %arg7[%swap3A_145, %swap3A_146], %swap3A_149 {strides = array<i32>} : memref<16x16xf32, #tpu.memory_space<vmem>>, vector<1x16xf32>,
    %swap3A_150 = arith.constant 11 : i32
    %swap3A_151 = arith.index_cast %swap3A_150 : i32 to index
    %swap3A_152 = arith.constant 0 : index
    %swap3A_153 = tpu.vector_load %arg8[%swap3A_151, %swap3A_152] {strides = array<i32>} : memref<16x16xf32, #tpu.memory_space<vmem>>, vector<1x16xf32>,
    %swap3A_154 = vector.shape_cast %swap3A_153 : vector<1x16xf32> to vector<16xf32>
    %swap3A_155 = vector.shape_cast %broadcast_in_dim3A_12 : vector<16xf32> to vector<1x16xf32>
    tpu.vector_store %arg8[%swap3A_151, %swap3A_152], %swap3A_155 {strides = array<i32>} : memref<16x16xf32, #tpu.memory_space<vmem>>, vector<1x16xf32>,
    %swap3A_156 = arith.constant 12 : i32
    %swap3A_157 = arith.index_cast %swap3A_156 : i32 to index
    %swap3A_158 = arith.constant 0 : index
    %swap3A_159 = tpu.vector_load %arg7[%swap3A_157, %swap3A_158] {strides = array<i32>} : memref<16x16xf32, #tpu.memory_space<vmem>>, vector<1x16xf32>,
    %swap3A_160 = vector.shape_cast %swap3A_159 : vector<1x16xf32> to vector<16xf32>
    %swap3A_161 = vector.shape_cast %broadcast_in_dim3A_12 : vector<16xf32> to vector<1x16xf32>
    tpu.vector_store %arg7[%swap3A_157, %swap3A_158], %swap3A_161 {strides = array<i32>} : memref<16x16xf32, #tpu.memory_space<vmem>>, vector<1x16xf32>,
    %swap3A_162 = arith.constant 12 : i32
    %swap3A_163 = arith.index_cast %swap3A_162 : i32 to index
    %swap3A_164 = arith.constant 0 : index
    %swap3A_165 = tpu.vector_load %arg8[%swap3A_163, %swap3A_164] {strides = array<i32>} : memref<16x16xf32, #tpu.memory_space<vmem>>, vector<1x16xf32>,
    %swap3A_166 = vector.shape_cast %swap3A_165 : vector<1x16xf32> to vector<16xf32>
    %swap3A_167 = vector.shape_cast %broadcast_in_dim3A_12 : vector<16xf32> to vector<1x16xf32>
    tpu.vector_store %arg8[%swap3A_163, %swap3A_164], %swap3A_167 {strides = array<i32>} : memref<16x16xf32, #tpu.memory_space<vmem>>, vector<1x16xf32>,
    %swap3A_168 = arith.constant 13 : i32
    %swap3A_169 = arith.index_cast %swap3A_168 : i32 to index
    %swap3A_170 = arith.constant 0 : index
    %swap3A_171 = tpu.vector_load %arg7[%swap3A_169, %swap3A_170] {strides = array<i32>} : memref<16x16xf32, #tpu.memory_space<vmem>>, vector<1x16xf32>,
    %swap3A_172 = vector.shape_cast %swap3A_171 : vector<1x16xf32> to vector<16xf32>
    %swap3A_173 = vector.shape_cast %broadcast_in_dim3A_12 : vector<16xf32> to vector<1x16xf32>
    tpu.vector_store %arg7[%swap3A_169, %swap3A_170], %swap3A_173 {strides = array<i32>} : memref<16x16xf32, #tpu.memory_space<vmem>>, vector<1x16xf32>,
    %swap3A_174 = arith.constant 13 : i32
    %swap3A_175 = arith.index_cast %swap3A_174 : i32 to index
    %swap3A_176 = arith.constant 0 : index
    %swap3A_177 = tpu.vector_load %arg8[%swap3A_175, %swap3A_176] {strides = array<i32>} : memref<16x16xf32, #tpu.memory_space<vmem>>, vector<1x16xf32>,
    %swap3A_178 = vector.shape_cast %swap3A_177 : vector<1x16xf32> to vector<16xf32>
    %swap3A_179 = vector.shape_cast %broadcast_in_dim3A_12 : vector<16xf32> to vector<1x16xf32>
    tpu.vector_store %arg8[%swap3A_175, %swap3A_176], %swap3A_179 {strides = array<i32>} : memref<16x16xf32, #tpu.memory_space<vmem>>, vector<1x16xf32>,
    %swap3A_180 = arith.constant 14 : i32
    %swap3A_181 = arith.index_cast %swap3A_180 : i32 to index
    %swap3A_182 = arith.constant 0 : index
    %swap3A_183 = tpu.vector_load %arg7[%swap3A_181, %swap3A_182] {strides = array<i32>} : memref<16x16xf32, #tpu.memory_space<vmem>>, vector<1x16xf32>,
    %swap3A_184 = vector.shape_cast %swap3A_183 : vector<1x16xf32> to vector<16xf32>
    %swap3A_185 = vector.shape_cast %broadcast_in_dim3A_12 : vector<16xf32> to vector<1x16xf32>
    tpu.vector_store %arg7[%swap3A_181, %swap3A_182], %swap3A_185 {strides = array<i32>} : memref<16x16xf32, #tpu.memory_space<vmem>>, vector<1x16xf32>,
    %swap3A_186 = arith.constant 14 : i32
    %swap3A_187 = arith.index_cast %swap3A_186 : i32 to index
    %swap3A_188 = arith.constant 0 : index
    %swap3A_189 = tpu.vector_load %arg8[%swap3A_187, %swap3A_188] {strides = array<i32>} : memref<16x16xf32, #tpu.memory_space<vmem>>, vector<1x16xf32>,
    %swap3A_190 = vector.shape_cast %swap3A_189 : vector<1x16xf32> to vector<16xf32>
    %swap3A_191 = vector.shape_cast %broadcast_in_dim3A_12 : vector<16xf32> to vector<1x16xf32>
    tpu.vector_store %arg8[%swap3A_187, %swap3A_188], %swap3A_191 {strides = array<i32>} : memref<16x16xf32, #tpu.memory_space<vmem>>, vector<1x16xf32>,
    %swap3A_192 = arith.constant 15 : i32
    %swap3A_193 = arith.index_cast %swap3A_192 : i32 to index
    %swap3A_194 = arith.constant 0 : index
    %swap3A_195 = tpu.vector_load %arg7[%swap3A_193, %swap3A_194] {strides = array<i32>} : memref<16x16xf32, #tpu.memory_space<vmem>>, vector<1x16xf32>,
    %swap3A_196 = vector.shape_cast %swap3A_195 : vector<1x16xf32> to vector<16xf32>
    %swap3A_197 = vector.shape_cast %broadcast_in_dim3A_12 : vector<16xf32> to vector<1x16xf32>
    tpu.vector_store %arg7[%swap3A_193, %swap3A_194], %swap3A_197 {strides = array<i32>} : memref<16x16xf32, #tpu.memory_space<vmem>>, vector<1x16xf32>,
    %swap3A_198 = arith.constant 15 : i32
    %swap3A_199 = arith.index_cast %swap3A_198 : i32 to index
    %swap3A_200 = arith.constant 0 : index
    %swap3A_201 = tpu.vector_load %arg8[%swap3A_199, %swap3A_200] {strides = array<i32>} : memref<16x16xf32, #tpu.memory_space<vmem>>, vector<1x16xf32>,
    %swap3A_202 = vector.shape_cast %swap3A_201 : vector<1x16xf32> to vector<16xf32>
    %swap3A_203 = vector.shape_cast %broadcast_in_dim3A_12 : vector<16xf32> to vector<1x16xf32>
    tpu.vector_store %arg8[%swap3A_199, %swap3A_200], %swap3A_203 {strides = array<i32>} : memref<16x16xf32, #tpu.memory_space<vmem>>, vector<1x16xf32>,
    tpu.wait_dma2 semaphore(%arg10 : memref<!tpu.dma_semaphore, #tpu.memory_space<semaphore_mem>>) src(%arg3 : memref<32xi32, #tpu.memory_space<hbm>>) dst(%arg9 : memref<32xi32, #tpu.memory_space<vmem>>)
    %dma_wait3A = arith.constant 0 : i32
    %dma_wait3A_204 = tpu.memref_slice %arg2[%dma_wait3A, %mul3A_2] : memref<2x32768xf32, #tpu.memory_space<hbm>> -> memref<1x1024xf32, #tpu.memory_space<hbm>>
    %dma_wait3A_205 = tpu.memref_squeeze %dma_wait3A_204 : memref<1x1024xf32, #tpu.memory_space<hbm>> -> memref<1024xf32, #tpu.memory_space<hbm>>
    %dma_wait3A_206 = tpu.memref_slice %arg2[%dma_wait3A, %mul3A_2] : memref<2x32768xf32, #tpu.memory_space<hbm>> -> memref<1x1024xf32, #tpu.memory_space<hbm>>
    %dma_wait3A_207 = tpu.memref_squeeze %dma_wait3A_206 : memref<1x1024xf32, #tpu.memory_space<hbm>> -> memref<1024xf32, #tpu.memory_space<hbm>>
    tpu.wait_dma2 semaphore(%arg11 : memref<!tpu.dma_semaphore, #tpu.memory_space<semaphore_mem>>) src(%dma_wait3A_207 : memref<1024xf32, #tpu.memory_space<hbm>>) dst(%arg5 : memref<1024xf32, #tpu.memory_space<vmem>>)
    %dma_wait3A_208 = arith.constant 1 : i32
    %dma_wait3A_209 = tpu.memref_slice %arg2[%dma_wait3A_208, %mul3A_2] : memref<2x32768xf32, #tpu.memory_space<hbm>> -> memref<1x1024xf32, #tpu.memory_space<hbm>>
    %dma_wait3A_210 = tpu.memref_squeeze %dma_wait3A_209 : memref<1x1024xf32, #tpu.memory_space<hbm>> -> memref<1024xf32, #tpu.memory_space<hbm>>
    %dma_wait3A_211 = tpu.memref_slice %arg2[%dma_wait3A_208, %mul3A_2] : memref<2x32768xf32, #tpu.memory_space<hbm>> -> memref<1x1024xf32, #tpu.memory_space<hbm>>
    %dma_wait3A_212 = tpu.memref_squeeze %dma_wait3A_211 : memref<1x1024xf32, #tpu.memory_space<hbm>> -> memref<1024xf32, #tpu.memory_space<hbm>>
    tpu.wait_dma2 semaphore(%arg12 : memref<!tpu.dma_semaphore, #tpu.memory_space<semaphore_mem>>) src(%dma_wait3A_212 : memref<1024xf32, #tpu.memory_space<hbm>>) dst(%arg6 : memref<1024xf32, #tpu.memory_space<vmem>>)
    %get3A = arith.constant 0 : index
    %get3A_213 = tpu.vector_load %arg9[%get3A] {strides = array<i32>} : memref<32xi32, #tpu.memory_space<vmem>>, vector<16xi32>,
    %get3A_214 = vector.shape_cast %get3A_213 : vector<16xi32> to vector<16xi32>
    %get3A_215 = arith.constant 16 : index
    %get3A_216 = tpu.vector_load %arg9[%get3A_215] {strides = array<i32>} : memref<32xi32, #tpu.memory_space<vmem>>, vector<16xi32>,
    %get3A_217 = vector.shape_cast %get3A_216 : vector<16xi32> to vector<16xi32>
    %slice3A = vector.extract_strided_slice %get3A_214 {offsets = [0], sizes = [1], strides = [1]} : vector<16xi32> to vector<1xi32>
    %squeeze3A = vector.extract %slice3A[0] : i32 from vector<1xi32>
    %max3A = arith.maxsi %mul3A_2, %squeeze3A : i32
    %add3A_218 = arith.constant 1024 : i32
    %add3A_219 = arith.addi %mul3A_2, %add3A_218 : i32
    %slice3A_220 = vector.extract_strided_slice %get3A_217 {offsets = [0], sizes = [1], strides = [1]} : vector<16xi32> to vector<1xi32>
    %squeeze3A_221 = vector.extract %slice3A_220[0] : i32 from vector<1xi32>
    %min3A = arith.minsi %add3A_219, %squeeze3A_221 : i32
    %gt3A = arith.cmpi sgt, %min3A, %max3A : i32
    %convert_element_type3A = arith.extui %gt3A : i1 to i32
    %cond3A = arith.constant 0 : i32
    %cond3A_222 = arith.cmpi ne, %convert_element_type3A, %cond3A : i32
    scf.if %cond3A_222 {
      %sub3A = arith.subi %max3A, %mul3A_2 : i32
      %jit3A = arith.constant 16 : i32
      %div3A = arith.divsi %sub3A, %jit3A : i32
      %sign3A = arith.constant 0 : i32
      %sign3A_404 = arith.cmpi sgt, %sub3A, %sign3A : i32
      %sign3A_405 = arith.extui %sign3A_404 : i1 to i32
      %sign3A_406 = arith.constant 0 : i32
      %sign3A_407 = arith.cmpi slt, %sub3A, %sign3A_406 : i32
      %sign3A_408 = arith.extui %sign3A_407 : i1 to i32
      %sign3A_409 = arith.subi %sign3A_405, %sign3A_408 : i32
      %sign3A_410 = arith.constant 0 : i32
      %sign3A_411 = arith.cmpi sgt, %jit3A, %sign3A_410 : i32
      %sign3A_412 = arith.extui %sign3A_411 : i1 to i32
      %sign3A_413 = arith.constant 0 : i32
      %sign3A_414 = arith.cmpi slt, %jit3A, %sign3A_413 : i32
      %sign3A_415 = arith.extui %sign3A_414 : i1 to i32
      %sign3A_416 = arith.subi %sign3A_412, %sign3A_415 : i32
      %ne3A = arith.cmpi ne, %sign3A_409, %sign3A_416 : i32
      %rem3A = arith.remsi %sub3A, %jit3A : i32
      %ne3A_417 = arith.constant 0 : i32
      %ne3A_418 = arith.cmpi ne, %rem3A, %ne3A_417 : i32
      %and3A = arith.andi %ne3A, %ne3A_418 : i1
      %sub3A_419 = arith.constant 1 : i32
      %sub3A_420 = arith.subi %div3A, %sub3A_419 : i32
      %select_n3A = arith.select %and3A, %sub3A_420, %div3A : i32
      %sub3A_421 = arith.subi %min3A, %mul3A_2 : i32
      %add3A_422 = arith.constant 16 : i32
      %add3A_423 = arith.addi %sub3A_421, %add3A_422 : i32
      %sub3A_424 = arith.constant 1 : i32
      %sub3A_425 = arith.subi %add3A_423, %sub3A_424 : i32
      %jit3A_426 = arith.constant 16 : i32
      %div3A_427 = arith.divsi %sub3A_425, %jit3A_426 : i32
      %sign3A_428 = arith.constant 0 : i32
      %sign3A_429 = arith.cmpi sgt, %sub3A_425, %sign3A_428 : i32
      %sign3A_430 = arith.extui %sign3A_429 : i1 to i32
      %sign3A_431 = arith.constant 0 : i32
      %sign3A_432 = arith.cmpi slt, %sub3A_425, %sign3A_431 : i32
      %sign3A_433 = arith.extui %sign3A_432 : i1 to i32
      %sign3A_434 = arith.subi %sign3A_430, %sign3A_433 : i32
      %sign3A_435 = arith.constant 0 : i32
      %sign3A_436 = arith.cmpi sgt, %jit3A_426, %sign3A_435 : i32
      %sign3A_437 = arith.extui %sign3A_436 : i1 to i32
      %sign3A_438 = arith.constant 0 : i32
      %sign3A_439 = arith.cmpi slt, %jit3A_426, %sign3A_438 : i32
      %sign3A_440 = arith.extui %sign3A_439 : i1 to i32
      %sign3A_441 = arith.subi %sign3A_437, %sign3A_440 : i32
      %ne3A_442 = arith.cmpi ne, %sign3A_434, %sign3A_441 : i32
      %rem3A_443 = arith.remsi %sub3A_425, %jit3A_426 : i32
      %ne3A_444 = arith.constant 0 : i32
      %ne3A_445 = arith.cmpi ne, %rem3A_443, %ne3A_444 : i32
      %and3A_446 = arith.andi %ne3A_442, %ne3A_445 : i1
      %sub3A_447 = arith.constant 1 : i32
      %sub3A_448 = arith.subi %div3A_427, %sub3A_447 : i32
      %select_n3A_449 = arith.select %and3A_446, %sub3A_448, %div3A_427 : i32
      %while3A = arith.subi %select_n3A_449, %select_n3A : i32
      %while3A_450 = arith.addi %select_n3A, %while3A : i32
      %while3A_451 = arith.constant 1 : i32
      %while3A_452 = arith.divsi %while3A, %while3A_451 : i32
      %while3A_453 = arith.muli %while3A_452, %while3A_451 : i32
      %while3A_454 = arith.addi %select_n3A, %while3A_453 : i32
      %while3A_455 = arith.constant 1 : i32
      %while3A_456:2 = scf.for %while3A_471 = %select_n3A to %while3A_454 step %while3A_455 iter_args(%while3A_472 = %broadcast_in_dim3A_12, %while3A_473 = %broadcast_in_dim3A_12) -> (vector<16xf32>, vector<16xf32>)  : i32 {
        %mul3A_474 = arith.constant 16 : i32
        %mul3A_475 = arith.muli %while3A_471, %mul3A_474 : i32
        %add3A_476 = arith.addi %mul3A_2, %mul3A_475 : i32
        %add3A_477 = vector.broadcast %add3A_476 : i32 to vector<16xi32>
        %add3A_478 = arith.addi %add3A_477, %iota3A : vector<16xi32>
        %ge3A = vector.broadcast %max3A : i32 to vector<16xi32>
        %ge3A_479 = arith.cmpi sge, %add3A_478, %ge3A : vector<16xi32>
        %lt3A = vector.broadcast %min3A : i32 to vector<16xi32>
        %lt3A_480 = arith.cmpi slt, %add3A_478, %lt3A : vector<16xi32>
        %and3A_481 = arith.andi %ge3A_479, %lt3A_480 : vector<16xi1>
        %get3A_482 = arith.index_cast %mul3A_475 : i32 to index
        %get3A_483 = tpu.vector_load %arg5[%get3A_482] {strides = array<i32>} : memref<1024xf32, #tpu.memory_space<vmem>>, vector<16xf32>,
        %get3A_484 = vector.shape_cast %get3A_483 : vector<16xf32> to vector<16xf32>
        %get3A_485 = arith.index_cast %mul3A_475 : i32 to index
        %get3A_486 = tpu.vector_load %arg6[%get3A_485] {strides = array<i32>} : memref<1024xf32, #tpu.memory_space<vmem>>, vector<16xf32>,
        %get3A_487 = vector.shape_cast %get3A_486 : vector<16xf32> to vector<16xf32>
        %jit3A_488 = arith.constant 0.000000e+00 : f32
        %broadcast_in_dim3A_489 = vector.broadcast %jit3A_488 : f32 to vector<16xf32>
        %select_n3A_490 = arith.select %and3A_481, %get3A_484, %broadcast_in_dim3A_489 : vector<16xi1>, vector<16xf32>
        %add3A_491 = arith.addf %while3A_472, %select_n3A_490 : vector<16xf32>
        %jit3A_492 = arith.constant 0.000000e+00 : f32
        %broadcast_in_dim3A_493 = vector.broadcast %jit3A_492 : f32 to vector<16xf32>
        %select_n3A_494 = arith.select %and3A_481, %get3A_487, %broadcast_in_dim3A_493 : vector<16xi1>, vector<16xf32>
        %add3A_495 = arith.addf %while3A_473, %select_n3A_494 : vector<16xf32>
        scf.yield %add3A_491, %add3A_495 : vector<16xf32>, vector<16xf32>
      }
      %while3A_457 = arith.constant 1 : i32
      %while3A_458:2 = scf.for %while3A_471 = %while3A_454 to %while3A_450 step %while3A_457 iter_args(%while3A_472 = %while3A_456#0, %while3A_473 = %while3A_456#1) -> (vector<16xf32>, vector<16xf32>)  : i32 {
        %mul3A_474 = arith.constant 16 : i32
        %mul3A_475 = arith.muli %while3A_471, %mul3A_474 : i32
        %add3A_476 = arith.addi %mul3A_2, %mul3A_475 : i32
        %add3A_477 = vector.broadcast %add3A_476 : i32 to vector<16xi32>
        %add3A_478 = arith.addi %add3A_477, %iota3A : vector<16xi32>
        %ge3A = vector.broadcast %max3A : i32 to vector<16xi32>
        %ge3A_479 = arith.cmpi sge, %add3A_478, %ge3A : vector<16xi32>
        %lt3A = vector.broadcast %min3A : i32 to vector<16xi32>
        %lt3A_480 = arith.cmpi slt, %add3A_478, %lt3A : vector<16xi32>
        %and3A_481 = arith.andi %ge3A_479, %lt3A_480 : vector<16xi1>
        %get3A_482 = arith.index_cast %mul3A_475 : i32 to index
        %get3A_483 = tpu.vector_load %arg5[%get3A_482] {strides = array<i32>} : memref<1024xf32, #tpu.memory_space<vmem>>, vector<16xf32>,
        %get3A_484 = vector.shape_cast %get3A_483 : vector<16xf32> to vector<16xf32>
        %get3A_485 = arith.index_cast %mul3A_475 : i32 to index
        %get3A_486 = tpu.vector_load %arg6[%get3A_485] {strides = array<i32>} : memref<1024xf32, #tpu.memory_space<vmem>>, vector<16xf32>,
        %get3A_487 = vector.shape_cast %get3A_486 : vector<16xf32> to vector<16xf32>
        %jit3A_488 = arith.constant 0.000000e+00 : f32
        %broadcast_in_dim3A_489 = vector.broadcast %jit3A_488 : f32 to vector<16xf32>
        %select_n3A_490 = arith.select %and3A_481, %get3A_484, %broadcast_in_dim3A_489 : vector<16xi1>, vector<16xf32>
        %add3A_491 = arith.addf %while3A_472, %select_n3A_490 : vector<16xf32>
        %jit3A_492 = arith.constant 0.000000e+00 : f32
        %broadcast_in_dim3A_493 = vector.broadcast %jit3A_492 : f32 to vector<16xf32>
        %select_n3A_494 = arith.select %and3A_481, %get3A_487, %broadcast_in_dim3A_493 : vector<16xi1>, vector<16xf32>
        %add3A_495 = arith.addf %while3A_473, %select_n3A_494 : vector<16xf32>
        scf.yield %add3A_491, %add3A_495 : vector<16xf32>, vector<16xf32>
      }
      %swap3A_459 = arith.constant 0 : i32
      %swap3A_460 = arith.index_cast %swap3A_459 : i32 to index
      %swap3A_461 = arith.constant 0 : index
      %swap3A_462 = tpu.vector_load %arg7[%swap3A_460, %swap3A_461] {strides = array<i32>} : memref<16x16xf32, #tpu.memory_space<vmem>>, vector<1x16xf32>,
      %swap3A_463 = vector.shape_cast %swap3A_462 : vector<1x16xf32> to vector<16xf32>
      %swap3A_464 = vector.shape_cast %while3A_458#0 : vector<16xf32> to vector<1x16xf32>
      tpu.vector_store %arg7[%swap3A_460, %swap3A_461], %swap3A_464 {strides = array<i32>} : memref<16x16xf32, #tpu.memory_space<vmem>>, vector<1x16xf32>,
      %swap3A_465 = arith.constant 0 : i32
      %swap3A_466 = arith.index_cast %swap3A_465 : i32 to index
      %swap3A_467 = arith.constant 0 : index
      %swap3A_468 = tpu.vector_load %arg8[%swap3A_466, %swap3A_467] {strides = array<i32>} : memref<16x16xf32, #tpu.memory_space<vmem>>, vector<1x16xf32>,
      %swap3A_469 = vector.shape_cast %swap3A_468 : vector<1x16xf32> to vector<16xf32>
      %swap3A_470 = vector.shape_cast %while3A_458#1 : vector<16xf32> to vector<1x16xf32>
      tpu.vector_store %arg8[%swap3A_466, %swap3A_467], %swap3A_470 {strides = array<i32>} : memref<16x16xf32, #tpu.memory_space<vmem>>, vector<1x16xf32>,
    } else {
    }
    %slice3A_223 = vector.extract_strided_slice %get3A_214 {offsets = [1], sizes = [1], strides = [1]} : vector<16xi32> to vector<1xi32>
    %squeeze3A_224 = vector.extract %slice3A_223[0] : i32 from vector<1xi32>
    %max3A_225 = arith.maxsi %mul3A_2, %squeeze3A_224 : i32
    %add3A_226 = arith.constant 1024 : i32
    %add3A_227 = arith.addi %mul3A_2, %add3A_226 : i32
    %slice3A_228 = vector.extract_strided_slice %get3A_217 {offsets = [1], sizes = [1], strides = [1]} : vector<16xi32> to vector<1xi32>
    %squeeze3A_229 = vector.extract %slice3A_228[0] : i32 from vector<1xi32>
    %min3A_230 = arith.minsi %add3A_227, %squeeze3A_229 : i32
    %gt3A_231 = arith.cmpi sgt, %min3A_230, %max3A_225 : i32
    %convert_element_type3A_232 = arith.extui %gt3A_231 : i1 to i32
    %cond3A_233 = arith.constant 0 : i32
    %cond3A_234 = arith.cmpi ne, %convert_element_type3A_232, %cond3A_233 : i32
    scf.if %cond3A_234 {
      %sub3A = arith.subi %max3A_225, %mul3A_2 : i32
      %jit3A = arith.constant 16 : i32
      %div3A = arith.divsi %sub3A, %jit3A : i32
      %sign3A = arith.constant 0 : i32
      %sign3A_404 = arith.cmpi sgt, %sub3A, %sign3A : i32
      %sign3A_405 = arith.extui %sign3A_404 : i1 to i32
      %sign3A_406 = arith.constant 0 : i32
      %sign3A_407 = arith.cmpi slt, %sub3A, %sign3A_406 : i32
      %sign3A_408 = arith.extui %sign3A_407 : i1 to i32
      %sign3A_409 = arith.subi %sign3A_405, %sign3A_408 : i32
      %sign3A_410 = arith.constant 0 : i32
      %sign3A_411 = arith.cmpi sgt, %jit3A, %sign3A_410 : i32
      %sign3A_412 = arith.extui %sign3A_411 : i1 to i32
      %sign3A_413 = arith.constant 0 : i32
      %sign3A_414 = arith.cmpi slt, %jit3A, %sign3A_413 : i32
      %sign3A_415 = arith.extui %sign3A_414 : i1 to i32
      %sign3A_416 = arith.subi %sign3A_412, %sign3A_415 : i32
      %ne3A = arith.cmpi ne, %sign3A_409, %sign3A_416 : i32
      %rem3A = arith.remsi %sub3A, %jit3A : i32
      %ne3A_417 = arith.constant 0 : i32
      %ne3A_418 = arith.cmpi ne, %rem3A, %ne3A_417 : i32
      %and3A = arith.andi %ne3A, %ne3A_418 : i1
      %sub3A_419 = arith.constant 1 : i32
      %sub3A_420 = arith.subi %div3A, %sub3A_419 : i32
      %select_n3A = arith.select %and3A, %sub3A_420, %div3A : i32
      %sub3A_421 = arith.subi %min3A_230, %mul3A_2 : i32
      %add3A_422 = arith.constant 16 : i32
      %add3A_423 = arith.addi %sub3A_421, %add3A_422 : i32
      %sub3A_424 = arith.constant 1 : i32
      %sub3A_425 = arith.subi %add3A_423, %sub3A_424 : i32
      %jit3A_426 = arith.constant 16 : i32
      %div3A_427 = arith.divsi %sub3A_425, %jit3A_426 : i32
      %sign3A_428 = arith.constant 0 : i32
      %sign3A_429 = arith.cmpi sgt, %sub3A_425, %sign3A_428 : i32
      %sign3A_430 = arith.extui %sign3A_429 : i1 to i32
      %sign3A_431 = arith.constant 0 : i32
      %sign3A_432 = arith.cmpi slt, %sub3A_425, %sign3A_431 : i32
      %sign3A_433 = arith.extui %sign3A_432 : i1 to i32
      %sign3A_434 = arith.subi %sign3A_430, %sign3A_433 : i32
      %sign3A_435 = arith.constant 0 : i32
      %sign3A_436 = arith.cmpi sgt, %jit3A_426, %sign3A_435 : i32
      %sign3A_437 = arith.extui %sign3A_436 : i1 to i32
      %sign3A_438 = arith.constant 0 : i32
      %sign3A_439 = arith.cmpi slt, %jit3A_426, %sign3A_438 : i32
      %sign3A_440 = arith.extui %sign3A_439 : i1 to i32
      %sign3A_441 = arith.subi %sign3A_437, %sign3A_440 : i32
      %ne3A_442 = arith.cmpi ne, %sign3A_434, %sign3A_441 : i32
      %rem3A_443 = arith.remsi %sub3A_425, %jit3A_426 : i32
      %ne3A_444 = arith.constant 0 : i32
      %ne3A_445 = arith.cmpi ne, %rem3A_443, %ne3A_444 : i32
      %and3A_446 = arith.andi %ne3A_442, %ne3A_445 : i1
      %sub3A_447 = arith.constant 1 : i32
      %sub3A_448 = arith.subi %div3A_427, %sub3A_447 : i32
      %select_n3A_449 = arith.select %and3A_446, %sub3A_448, %div3A_427 : i32
      %while3A = arith.subi %select_n3A_449, %select_n3A : i32
      %while3A_450 = arith.addi %select_n3A, %while3A : i32
      %while3A_451 = arith.constant 1 : i32
      %while3A_452 = arith.divsi %while3A, %while3A_451 : i32
      %while3A_453 = arith.muli %while3A_452, %while3A_451 : i32
      %while3A_454 = arith.addi %select_n3A, %while3A_453 : i32
      %while3A_455 = arith.constant 1 : i32
      %while3A_456:2 = scf.for %while3A_471 = %select_n3A to %while3A_454 step %while3A_455 iter_args(%while3A_472 = %broadcast_in_dim3A_12, %while3A_473 = %broadcast_in_dim3A_12) -> (vector<16xf32>, vector<16xf32>)  : i32 {
        %mul3A_474 = arith.constant 16 : i32
        %mul3A_475 = arith.muli %while3A_471, %mul3A_474 : i32
        %add3A_476 = arith.addi %mul3A_2, %mul3A_475 : i32
        %add3A_477 = vector.broadcast %add3A_476 : i32 to vector<16xi32>
        %add3A_478 = arith.addi %add3A_477, %iota3A : vector<16xi32>
        %ge3A = vector.broadcast %max3A_225 : i32 to vector<16xi32>
        %ge3A_479 = arith.cmpi sge, %add3A_478, %ge3A : vector<16xi32>
        %lt3A = vector.broadcast %min3A_230 : i32 to vector<16xi32>
        %lt3A_480 = arith.cmpi slt, %add3A_478, %lt3A : vector<16xi32>
        %and3A_481 = arith.andi %ge3A_479, %lt3A_480 : vector<16xi1>
        %get3A_482 = arith.index_cast %mul3A_475 : i32 to index
        %get3A_483 = tpu.vector_load %arg5[%get3A_482] {strides = array<i32>} : memref<1024xf32, #tpu.memory_space<vmem>>, vector<16xf32>,
        %get3A_484 = vector.shape_cast %get3A_483 : vector<16xf32> to vector<16xf32>
        %get3A_485 = arith.index_cast %mul3A_475 : i32 to index
        %get3A_486 = tpu.vector_load %arg6[%get3A_485] {strides = array<i32>} : memref<1024xf32, #tpu.memory_space<vmem>>, vector<16xf32>,
        %get3A_487 = vector.shape_cast %get3A_486 : vector<16xf32> to vector<16xf32>
        %jit3A_488 = arith.constant 0.000000e+00 : f32
        %broadcast_in_dim3A_489 = vector.broadcast %jit3A_488 : f32 to vector<16xf32>
        %select_n3A_490 = arith.select %and3A_481, %get3A_484, %broadcast_in_dim3A_489 : vector<16xi1>, vector<16xf32>
        %add3A_491 = arith.addf %while3A_472, %select_n3A_490 : vector<16xf32>
        %jit3A_492 = arith.constant 0.000000e+00 : f32
        %broadcast_in_dim3A_493 = vector.broadcast %jit3A_492 : f32 to vector<16xf32>
        %select_n3A_494 = arith.select %and3A_481, %get3A_487, %broadcast_in_dim3A_493 : vector<16xi1>, vector<16xf32>
        %add3A_495 = arith.addf %while3A_473, %select_n3A_494 : vector<16xf32>
        scf.yield %add3A_491, %add3A_495 : vector<16xf32>, vector<16xf32>
      }
      %while3A_457 = arith.constant 1 : i32
      %while3A_458:2 = scf.for %while3A_471 = %while3A_454 to %while3A_450 step %while3A_457 iter_args(%while3A_472 = %while3A_456#0, %while3A_473 = %while3A_456#1) -> (vector<16xf32>, vector<16xf32>)  : i32 {
        %mul3A_474 = arith.constant 16 : i32
        %mul3A_475 = arith.muli %while3A_471, %mul3A_474 : i32
        %add3A_476 = arith.addi %mul3A_2, %mul3A_475 : i32
        %add3A_477 = vector.broadcast %add3A_476 : i32 to vector<16xi32>
        %add3A_478 = arith.addi %add3A_477, %iota3A : vector<16xi32>
        %ge3A = vector.broadcast %max3A_225 : i32 to vector<16xi32>
        %ge3A_479 = arith.cmpi sge, %add3A_478, %ge3A : vector<16xi32>
        %lt3A = vector.broadcast %min3A_230 : i32 to vector<16xi32>
        %lt3A_480 = arith.cmpi slt, %add3A_478, %lt3A : vector<16xi32>
        %and3A_481 = arith.andi %ge3A_479, %lt3A_480 : vector<16xi1>
        %get3A_482 = arith.index_cast %mul3A_475 : i32 to index
        %get3A_483 = tpu.vector_load %arg5[%get3A_482] {strides = array<i32>} : memref<1024xf32, #tpu.memory_space<vmem>>, vector<16xf32>,
        %get3A_484 = vector.shape_cast %get3A_483 : vector<16xf32> to vector<16xf32>
        %get3A_485 = arith.index_cast %mul3A_475 : i32 to index
        %get3A_486 = tpu.vector_load %arg6[%get3A_485] {strides = array<i32>} : memref<1024xf32, #tpu.memory_space<vmem>>, vector<16xf32>,
        %get3A_487 = vector.shape_cast %get3A_486 : vector<16xf32> to vector<16xf32>
        %jit3A_488 = arith.constant 0.000000e+00 : f32
        %broadcast_in_dim3A_489 = vector.broadcast %jit3A_488 : f32 to vector<16xf32>
        %select_n3A_490 = arith.select %and3A_481, %get3A_484, %broadcast_in_dim3A_489 : vector<16xi1>, vector<16xf32>
        %add3A_491 = arith.addf %while3A_472, %select_n3A_490 : vector<16xf32>
        %jit3A_492 = arith.constant 0.000000e+00 : f32
        %broadcast_in_dim3A_493 = vector.broadcast %jit3A_492 : f32 to vector<16xf32>
        %select_n3A_494 = arith.select %and3A_481, %get3A_487, %broadcast_in_dim3A_493 : vector<16xi1>, vector<16xf32>
        %add3A_495 = arith.addf %while3A_473, %select_n3A_494 : vector<16xf32>
        scf.yield %add3A_491, %add3A_495 : vector<16xf32>, vector<16xf32>
      }
      %swap3A_459 = arith.constant 1 : i32
      %swap3A_460 = arith.index_cast %swap3A_459 : i32 to index
      %swap3A_461 = arith.constant 0 : index
      %swap3A_462 = tpu.vector_load %arg7[%swap3A_460, %swap3A_461] {strides = array<i32>} : memref<16x16xf32, #tpu.memory_space<vmem>>, vector<1x16xf32>,
      %swap3A_463 = vector.shape_cast %swap3A_462 : vector<1x16xf32> to vector<16xf32>
      %swap3A_464 = vector.shape_cast %while3A_458#0 : vector<16xf32> to vector<1x16xf32>
      tpu.vector_store %arg7[%swap3A_460, %swap3A_461], %swap3A_464 {strides = array<i32>} : memref<16x16xf32, #tpu.memory_space<vmem>>, vector<1x16xf32>,
      %swap3A_465 = arith.constant 1 : i32
      %swap3A_466 = arith.index_cast %swap3A_465 : i32 to index
      %swap3A_467 = arith.constant 0 : index
      %swap3A_468 = tpu.vector_load %arg8[%swap3A_466, %swap3A_467] {strides = array<i32>} : memref<16x16xf32, #tpu.memory_space<vmem>>, vector<1x16xf32>,
      %swap3A_469 = vector.shape_cast %swap3A_468 : vector<1x16xf32> to vector<16xf32>
      %swap3A_470 = vector.shape_cast %while3A_458#1 : vector<16xf32> to vector<1x16xf32>
      tpu.vector_store %arg8[%swap3A_466, %swap3A_467], %swap3A_470 {strides = array<i32>} : memref<16x16xf32, #tpu.memory_space<vmem>>, vector<1x16xf32>,
    } else {
    }
    %slice3A_235 = vector.extract_strided_slice %get3A_214 {offsets = [2], sizes = [1], strides = [1]} : vector<16xi32> to vector<1xi32>
    %squeeze3A_236 = vector.extract %slice3A_235[0] : i32 from vector<1xi32>
    %max3A_237 = arith.maxsi %mul3A_2, %squeeze3A_236 : i32
    %add3A_238 = arith.constant 1024 : i32
    %add3A_239 = arith.addi %mul3A_2, %add3A_238 : i32
    %slice3A_240 = vector.extract_strided_slice %get3A_217 {offsets = [2], sizes = [1], strides = [1]} : vector<16xi32> to vector<1xi32>
    %squeeze3A_241 = vector.extract %slice3A_240[0] : i32 from vector<1xi32>
    %min3A_242 = arith.minsi %add3A_239, %squeeze3A_241 : i32
    %gt3A_243 = arith.cmpi sgt, %min3A_242, %max3A_237 : i32
    %convert_element_type3A_244 = arith.extui %gt3A_243 : i1 to i32
    %cond3A_245 = arith.constant 0 : i32
    %cond3A_246 = arith.cmpi ne, %convert_element_type3A_244, %cond3A_245 : i32
    scf.if %cond3A_246 {
      %sub3A = arith.subi %max3A_237, %mul3A_2 : i32
      %jit3A = arith.constant 16 : i32
      %div3A = arith.divsi %sub3A, %jit3A : i32
      %sign3A = arith.constant 0 : i32
      %sign3A_404 = arith.cmpi sgt, %sub3A, %sign3A : i32
      %sign3A_405 = arith.extui %sign3A_404 : i1 to i32
      %sign3A_406 = arith.constant 0 : i32
      %sign3A_407 = arith.cmpi slt, %sub3A, %sign3A_406 : i32
      %sign3A_408 = arith.extui %sign3A_407 : i1 to i32
      %sign3A_409 = arith.subi %sign3A_405, %sign3A_408 : i32
      %sign3A_410 = arith.constant 0 : i32
      %sign3A_411 = arith.cmpi sgt, %jit3A, %sign3A_410 : i32
      %sign3A_412 = arith.extui %sign3A_411 : i1 to i32
      %sign3A_413 = arith.constant 0 : i32
      %sign3A_414 = arith.cmpi slt, %jit3A, %sign3A_413 : i32
      %sign3A_415 = arith.extui %sign3A_414 : i1 to i32
      %sign3A_416 = arith.subi %sign3A_412, %sign3A_415 : i32
      %ne3A = arith.cmpi ne, %sign3A_409, %sign3A_416 : i32
      %rem3A = arith.remsi %sub3A, %jit3A : i32
      %ne3A_417 = arith.constant 0 : i32
      %ne3A_418 = arith.cmpi ne, %rem3A, %ne3A_417 : i32
      %and3A = arith.andi %ne3A, %ne3A_418 : i1
      %sub3A_419 = arith.constant 1 : i32
      %sub3A_420 = arith.subi %div3A, %sub3A_419 : i32
      %select_n3A = arith.select %and3A, %sub3A_420, %div3A : i32
      %sub3A_421 = arith.subi %min3A_242, %mul3A_2 : i32
      %add3A_422 = arith.constant 16 : i32
      %add3A_423 = arith.addi %sub3A_421, %add3A_422 : i32
      %sub3A_424 = arith.constant 1 : i32
      %sub3A_425 = arith.subi %add3A_423, %sub3A_424 : i32
      %jit3A_426 = arith.constant 16 : i32
      %div3A_427 = arith.divsi %sub3A_425, %jit3A_426 : i32
      %sign3A_428 = arith.constant 0 : i32
      %sign3A_429 = arith.cmpi sgt, %sub3A_425, %sign3A_428 : i32
      %sign3A_430 = arith.extui %sign3A_429 : i1 to i32
      %sign3A_431 = arith.constant 0 : i32
      %sign3A_432 = arith.cmpi slt, %sub3A_425, %sign3A_431 : i32
      %sign3A_433 = arith.extui %sign3A_432 : i1 to i32
      %sign3A_434 = arith.subi %sign3A_430, %sign3A_433 : i32
      %sign3A_435 = arith.constant 0 : i32
      %sign3A_436 = arith.cmpi sgt, %jit3A_426, %sign3A_435 : i32
      %sign3A_437 = arith.extui %sign3A_436 : i1 to i32
      %sign3A_438 = arith.constant 0 : i32
      %sign3A_439 = arith.cmpi slt, %jit3A_426, %sign3A_438 : i32
      %sign3A_440 = arith.extui %sign3A_439 : i1 to i32
      %sign3A_441 = arith.subi %sign3A_437, %sign3A_440 : i32
      %ne3A_442 = arith.cmpi ne, %sign3A_434, %sign3A_441 : i32
      %rem3A_443 = arith.remsi %sub3A_425, %jit3A_426 : i32
      %ne3A_444 = arith.constant 0 : i32
      %ne3A_445 = arith.cmpi ne, %rem3A_443, %ne3A_444 : i32
      %and3A_446 = arith.andi %ne3A_442, %ne3A_445 : i1
      %sub3A_447 = arith.constant 1 : i32
      %sub3A_448 = arith.subi %div3A_427, %sub3A_447 : i32
      %select_n3A_449 = arith.select %and3A_446, %sub3A_448, %div3A_427 : i32
      %while3A = arith.subi %select_n3A_449, %select_n3A : i32
      %while3A_450 = arith.addi %select_n3A, %while3A : i32
      %while3A_451 = arith.constant 1 : i32
      %while3A_452 = arith.divsi %while3A, %while3A_451 : i32
      %while3A_453 = arith.muli %while3A_452, %while3A_451 : i32
      %while3A_454 = arith.addi %select_n3A, %while3A_453 : i32
      %while3A_455 = arith.constant 1 : i32
      %while3A_456:2 = scf.for %while3A_471 = %select_n3A to %while3A_454 step %while3A_455 iter_args(%while3A_472 = %broadcast_in_dim3A_12, %while3A_473 = %broadcast_in_dim3A_12) -> (vector<16xf32>, vector<16xf32>)  : i32 {
        %mul3A_474 = arith.constant 16 : i32
        %mul3A_475 = arith.muli %while3A_471, %mul3A_474 : i32
        %add3A_476 = arith.addi %mul3A_2, %mul3A_475 : i32
        %add3A_477 = vector.broadcast %add3A_476 : i32 to vector<16xi32>
        %add3A_478 = arith.addi %add3A_477, %iota3A : vector<16xi32>
        %ge3A = vector.broadcast %max3A_237 : i32 to vector<16xi32>
        %ge3A_479 = arith.cmpi sge, %add3A_478, %ge3A : vector<16xi32>
        %lt3A = vector.broadcast %min3A_242 : i32 to vector<16xi32>
        %lt3A_480 = arith.cmpi slt, %add3A_478, %lt3A : vector<16xi32>
        %and3A_481 = arith.andi %ge3A_479, %lt3A_480 : vector<16xi1>
        %get3A_482 = arith.index_cast %mul3A_475 : i32 to index
        %get3A_483 = tpu.vector_load %arg5[%get3A_482] {strides = array<i32>} : memref<1024xf32, #tpu.memory_space<vmem>>, vector<16xf32>,
        %get3A_484 = vector.shape_cast %get3A_483 : vector<16xf32> to vector<16xf32>
        %get3A_485 = arith.index_cast %mul3A_475 : i32 to index
        %get3A_486 = tpu.vector_load %arg6[%get3A_485] {strides = array<i32>} : memref<1024xf32, #tpu.memory_space<vmem>>, vector<16xf32>,
        %get3A_487 = vector.shape_cast %get3A_486 : vector<16xf32> to vector<16xf32>
        %jit3A_488 = arith.constant 0.000000e+00 : f32
        %broadcast_in_dim3A_489 = vector.broadcast %jit3A_488 : f32 to vector<16xf32>
        %select_n3A_490 = arith.select %and3A_481, %get3A_484, %broadcast_in_dim3A_489 : vector<16xi1>, vector<16xf32>
        %add3A_491 = arith.addf %while3A_472, %select_n3A_490 : vector<16xf32>
        %jit3A_492 = arith.constant 0.000000e+00 : f32
        %broadcast_in_dim3A_493 = vector.broadcast %jit3A_492 : f32 to vector<16xf32>
        %select_n3A_494 = arith.select %and3A_481, %get3A_487, %broadcast_in_dim3A_493 : vector<16xi1>, vector<16xf32>
        %add3A_495 = arith.addf %while3A_473, %select_n3A_494 : vector<16xf32>
        scf.yield %add3A_491, %add3A_495 : vector<16xf32>, vector<16xf32>
      }
      %while3A_457 = arith.constant 1 : i32
      %while3A_458:2 = scf.for %while3A_471 = %while3A_454 to %while3A_450 step %while3A_457 iter_args(%while3A_472 = %while3A_456#0, %while3A_473 = %while3A_456#1) -> (vector<16xf32>, vector<16xf32>)  : i32 {
        %mul3A_474 = arith.constant 16 : i32
        %mul3A_475 = arith.muli %while3A_471, %mul3A_474 : i32
        %add3A_476 = arith.addi %mul3A_2, %mul3A_475 : i32
        %add3A_477 = vector.broadcast %add3A_476 : i32 to vector<16xi32>
        %add3A_478 = arith.addi %add3A_477, %iota3A : vector<16xi32>
        %ge3A = vector.broadcast %max3A_237 : i32 to vector<16xi32>
        %ge3A_479 = arith.cmpi sge, %add3A_478, %ge3A : vector<16xi32>
        %lt3A = vector.broadcast %min3A_242 : i32 to vector<16xi32>
        %lt3A_480 = arith.cmpi slt, %add3A_478, %lt3A : vector<16xi32>
        %and3A_481 = arith.andi %ge3A_479, %lt3A_480 : vector<16xi1>
        %get3A_482 = arith.index_cast %mul3A_475 : i32 to index
        %get3A_483 = tpu.vector_load %arg5[%get3A_482] {strides = array<i32>} : memref<1024xf32, #tpu.memory_space<vmem>>, vector<16xf32>,
        %get3A_484 = vector.shape_cast %get3A_483 : vector<16xf32> to vector<16xf32>
        %get3A_485 = arith.index_cast %mul3A_475 : i32 to index
        %get3A_486 = tpu.vector_load %arg6[%get3A_485] {strides = array<i32>} : memref<1024xf32, #tpu.memory_space<vmem>>, vector<16xf32>,
        %get3A_487 = vector.shape_cast %get3A_486 : vector<16xf32> to vector<16xf32>
        %jit3A_488 = arith.constant 0.000000e+00 : f32
        %broadcast_in_dim3A_489 = vector.broadcast %jit3A_488 : f32 to vector<16xf32>
        %select_n3A_490 = arith.select %and3A_481, %get3A_484, %broadcast_in_dim3A_489 : vector<16xi1>, vector<16xf32>
        %add3A_491 = arith.addf %while3A_472, %select_n3A_490 : vector<16xf32>
        %jit3A_492 = arith.constant 0.000000e+00 : f32
        %broadcast_in_dim3A_493 = vector.broadcast %jit3A_492 : f32 to vector<16xf32>
        %select_n3A_494 = arith.select %and3A_481, %get3A_487, %broadcast_in_dim3A_493 : vector<16xi1>, vector<16xf32>
        %add3A_495 = arith.addf %while3A_473, %select_n3A_494 : vector<16xf32>
        scf.yield %add3A_491, %add3A_495 : vector<16xf32>, vector<16xf32>
      }
      %swap3A_459 = arith.constant 2 : i32
      %swap3A_460 = arith.index_cast %swap3A_459 : i32 to index
      %swap3A_461 = arith.constant 0 : index
      %swap3A_462 = tpu.vector_load %arg7[%swap3A_460, %swap3A_461] {strides = array<i32>} : memref<16x16xf32, #tpu.memory_space<vmem>>, vector<1x16xf32>,
      %swap3A_463 = vector.shape_cast %swap3A_462 : vector<1x16xf32> to vector<16xf32>
      %swap3A_464 = vector.shape_cast %while3A_458#0 : vector<16xf32> to vector<1x16xf32>
      tpu.vector_store %arg7[%swap3A_460, %swap3A_461], %swap3A_464 {strides = array<i32>} : memref<16x16xf32, #tpu.memory_space<vmem>>, vector<1x16xf32>,
      %swap3A_465 = arith.constant 2 : i32
      %swap3A_466 = arith.index_cast %swap3A_465 : i32 to index
      %swap3A_467 = arith.constant 0 : index
      %swap3A_468 = tpu.vector_load %arg8[%swap3A_466, %swap3A_467] {strides = array<i32>} : memref<16x16xf32, #tpu.memory_space<vmem>>, vector<1x16xf32>,
      %swap3A_469 = vector.shape_cast %swap3A_468 : vector<1x16xf32> to vector<16xf32>
      %swap3A_470 = vector.shape_cast %while3A_458#1 : vector<16xf32> to vector<1x16xf32>
      tpu.vector_store %arg8[%swap3A_466, %swap3A_467], %swap3A_470 {strides = array<i32>} : memref<16x16xf32, #tpu.memory_space<vmem>>, vector<1x16xf32>,
    } else {
    }
    %slice3A_247 = vector.extract_strided_slice %get3A_214 {offsets = [3], sizes = [1], strides = [1]} : vector<16xi32> to vector<1xi32>
    %squeeze3A_248 = vector.extract %slice3A_247[0] : i32 from vector<1xi32>
    %max3A_249 = arith.maxsi %mul3A_2, %squeeze3A_248 : i32
    %add3A_250 = arith.constant 1024 : i32
    %add3A_251 = arith.addi %mul3A_2, %add3A_250 : i32
    %slice3A_252 = vector.extract_strided_slice %get3A_217 {offsets = [3], sizes = [1], strides = [1]} : vector<16xi32> to vector<1xi32>
    %squeeze3A_253 = vector.extract %slice3A_252[0] : i32 from vector<1xi32>
    %min3A_254 = arith.minsi %add3A_251, %squeeze3A_253 : i32
    %gt3A_255 = arith.cmpi sgt, %min3A_254, %max3A_249 : i32
    %convert_element_type3A_256 = arith.extui %gt3A_255 : i1 to i32
    %cond3A_257 = arith.constant 0 : i32
    %cond3A_258 = arith.cmpi ne, %convert_element_type3A_256, %cond3A_257 : i32
    scf.if %cond3A_258 {
      %sub3A = arith.subi %max3A_249, %mul3A_2 : i32
      %jit3A = arith.constant 16 : i32
      %div3A = arith.divsi %sub3A, %jit3A : i32
      %sign3A = arith.constant 0 : i32
      %sign3A_404 = arith.cmpi sgt, %sub3A, %sign3A : i32
      %sign3A_405 = arith.extui %sign3A_404 : i1 to i32
      %sign3A_406 = arith.constant 0 : i32
      %sign3A_407 = arith.cmpi slt, %sub3A, %sign3A_406 : i32
      %sign3A_408 = arith.extui %sign3A_407 : i1 to i32
      %sign3A_409 = arith.subi %sign3A_405, %sign3A_408 : i32
      %sign3A_410 = arith.constant 0 : i32
      %sign3A_411 = arith.cmpi sgt, %jit3A, %sign3A_410 : i32
      %sign3A_412 = arith.extui %sign3A_411 : i1 to i32
      %sign3A_413 = arith.constant 0 : i32
      %sign3A_414 = arith.cmpi slt, %jit3A, %sign3A_413 : i32
      %sign3A_415 = arith.extui %sign3A_414 : i1 to i32
      %sign3A_416 = arith.subi %sign3A_412, %sign3A_415 : i32
      %ne3A = arith.cmpi ne, %sign3A_409, %sign3A_416 : i32
      %rem3A = arith.remsi %sub3A, %jit3A : i32
      %ne3A_417 = arith.constant 0 : i32
      %ne3A_418 = arith.cmpi ne, %rem3A, %ne3A_417 : i32
      %and3A = arith.andi %ne3A, %ne3A_418 : i1
      %sub3A_419 = arith.constant 1 : i32
      %sub3A_420 = arith.subi %div3A, %sub3A_419 : i32
      %select_n3A = arith.select %and3A, %sub3A_420, %div3A : i32
      %sub3A_421 = arith.subi %min3A_254, %mul3A_2 : i32
      %add3A_422 = arith.constant 16 : i32
      %add3A_423 = arith.addi %sub3A_421, %add3A_422 : i32
      %sub3A_424 = arith.constant 1 : i32
      %sub3A_425 = arith.subi %add3A_423, %sub3A_424 : i32
      %jit3A_426 = arith.constant 16 : i32
      %div3A_427 = arith.divsi %sub3A_425, %jit3A_426 : i32
      %sign3A_428 = arith.constant 0 : i32
      %sign3A_429 = arith.cmpi sgt, %sub3A_425, %sign3A_428 : i32
      %sign3A_430 = arith.extui %sign3A_429 : i1 to i32
      %sign3A_431 = arith.constant 0 : i32
      %sign3A_432 = arith.cmpi slt, %sub3A_425, %sign3A_431 : i32
      %sign3A_433 = arith.extui %sign3A_432 : i1 to i32
      %sign3A_434 = arith.subi %sign3A_430, %sign3A_433 : i32
      %sign3A_435 = arith.constant 0 : i32
      %sign3A_436 = arith.cmpi sgt, %jit3A_426, %sign3A_435 : i32
      %sign3A_437 = arith.extui %sign3A_436 : i1 to i32
      %sign3A_438 = arith.constant 0 : i32
      %sign3A_439 = arith.cmpi slt, %jit3A_426, %sign3A_438 : i32
      %sign3A_440 = arith.extui %sign3A_439 : i1 to i32
      %sign3A_441 = arith.subi %sign3A_437, %sign3A_440 : i32
      %ne3A_442 = arith.cmpi ne, %sign3A_434, %sign3A_441 : i32
      %rem3A_443 = arith.remsi %sub3A_425, %jit3A_426 : i32
      %ne3A_444 = arith.constant 0 : i32
      %ne3A_445 = arith.cmpi ne, %rem3A_443, %ne3A_444 : i32
      %and3A_446 = arith.andi %ne3A_442, %ne3A_445 : i1
      %sub3A_447 = arith.constant 1 : i32
      %sub3A_448 = arith.subi %div3A_427, %sub3A_447 : i32
      %select_n3A_449 = arith.select %and3A_446, %sub3A_448, %div3A_427 : i32
      %while3A = arith.subi %select_n3A_449, %select_n3A : i32
      %while3A_450 = arith.addi %select_n3A, %while3A : i32
      %while3A_451 = arith.constant 1 : i32
      %while3A_452 = arith.divsi %while3A, %while3A_451 : i32
      %while3A_453 = arith.muli %while3A_452, %while3A_451 : i32
      %while3A_454 = arith.addi %select_n3A, %while3A_453 : i32
      %while3A_455 = arith.constant 1 : i32
      %while3A_456:2 = scf.for %while3A_471 = %select_n3A to %while3A_454 step %while3A_455 iter_args(%while3A_472 = %broadcast_in_dim3A_12, %while3A_473 = %broadcast_in_dim3A_12) -> (vector<16xf32>, vector<16xf32>)  : i32 {
        %mul3A_474 = arith.constant 16 : i32
        %mul3A_475 = arith.muli %while3A_471, %mul3A_474 : i32
        %add3A_476 = arith.addi %mul3A_2, %mul3A_475 : i32
        %add3A_477 = vector.broadcast %add3A_476 : i32 to vector<16xi32>
        %add3A_478 = arith.addi %add3A_477, %iota3A : vector<16xi32>
        %ge3A = vector.broadcast %max3A_249 : i32 to vector<16xi32>
        %ge3A_479 = arith.cmpi sge, %add3A_478, %ge3A : vector<16xi32>
        %lt3A = vector.broadcast %min3A_254 : i32 to vector<16xi32>
        %lt3A_480 = arith.cmpi slt, %add3A_478, %lt3A : vector<16xi32>
        %and3A_481 = arith.andi %ge3A_479, %lt3A_480 : vector<16xi1>
        %get3A_482 = arith.index_cast %mul3A_475 : i32 to index
        %get3A_483 = tpu.vector_load %arg5[%get3A_482] {strides = array<i32>} : memref<1024xf32, #tpu.memory_space<vmem>>, vector<16xf32>,
        %get3A_484 = vector.shape_cast %get3A_483 : vector<16xf32> to vector<16xf32>
        %get3A_485 = arith.index_cast %mul3A_475 : i32 to index
        %get3A_486 = tpu.vector_load %arg6[%get3A_485] {strides = array<i32>} : memref<1024xf32, #tpu.memory_space<vmem>>, vector<16xf32>,
        %get3A_487 = vector.shape_cast %get3A_486 : vector<16xf32> to vector<16xf32>
        %jit3A_488 = arith.constant 0.000000e+00 : f32
        %broadcast_in_dim3A_489 = vector.broadcast %jit3A_488 : f32 to vector<16xf32>
        %select_n3A_490 = arith.select %and3A_481, %get3A_484, %broadcast_in_dim3A_489 : vector<16xi1>, vector<16xf32>
        %add3A_491 = arith.addf %while3A_472, %select_n3A_490 : vector<16xf32>
        %jit3A_492 = arith.constant 0.000000e+00 : f32
        %broadcast_in_dim3A_493 = vector.broadcast %jit3A_492 : f32 to vector<16xf32>
        %select_n3A_494 = arith.select %and3A_481, %get3A_487, %broadcast_in_dim3A_493 : vector<16xi1>, vector<16xf32>
        %add3A_495 = arith.addf %while3A_473, %select_n3A_494 : vector<16xf32>
        scf.yield %add3A_491, %add3A_495 : vector<16xf32>, vector<16xf32>
      }
      %while3A_457 = arith.constant 1 : i32
      %while3A_458:2 = scf.for %while3A_471 = %while3A_454 to %while3A_450 step %while3A_457 iter_args(%while3A_472 = %while3A_456#0, %while3A_473 = %while3A_456#1) -> (vector<16xf32>, vector<16xf32>)  : i32 {
        %mul3A_474 = arith.constant 16 : i32
        %mul3A_475 = arith.muli %while3A_471, %mul3A_474 : i32
        %add3A_476 = arith.addi %mul3A_2, %mul3A_475 : i32
        %add3A_477 = vector.broadcast %add3A_476 : i32 to vector<16xi32>
        %add3A_478 = arith.addi %add3A_477, %iota3A : vector<16xi32>
        %ge3A = vector.broadcast %max3A_249 : i32 to vector<16xi32>
        %ge3A_479 = arith.cmpi sge, %add3A_478, %ge3A : vector<16xi32>
        %lt3A = vector.broadcast %min3A_254 : i32 to vector<16xi32>
        %lt3A_480 = arith.cmpi slt, %add3A_478, %lt3A : vector<16xi32>
        %and3A_481 = arith.andi %ge3A_479, %lt3A_480 : vector<16xi1>
        %get3A_482 = arith.index_cast %mul3A_475 : i32 to index
        %get3A_483 = tpu.vector_load %arg5[%get3A_482] {strides = array<i32>} : memref<1024xf32, #tpu.memory_space<vmem>>, vector<16xf32>,
        %get3A_484 = vector.shape_cast %get3A_483 : vector<16xf32> to vector<16xf32>
        %get3A_485 = arith.index_cast %mul3A_475 : i32 to index
        %get3A_486 = tpu.vector_load %arg6[%get3A_485] {strides = array<i32>} : memref<1024xf32, #tpu.memory_space<vmem>>, vector<16xf32>,
        %get3A_487 = vector.shape_cast %get3A_486 : vector<16xf32> to vector<16xf32>
        %jit3A_488 = arith.constant 0.000000e+00 : f32
        %broadcast_in_dim3A_489 = vector.broadcast %jit3A_488 : f32 to vector<16xf32>
        %select_n3A_490 = arith.select %and3A_481, %get3A_484, %broadcast_in_dim3A_489 : vector<16xi1>, vector<16xf32>
        %add3A_491 = arith.addf %while3A_472, %select_n3A_490 : vector<16xf32>
        %jit3A_492 = arith.constant 0.000000e+00 : f32
        %broadcast_in_dim3A_493 = vector.broadcast %jit3A_492 : f32 to vector<16xf32>
        %select_n3A_494 = arith.select %and3A_481, %get3A_487, %broadcast_in_dim3A_493 : vector<16xi1>, vector<16xf32>
        %add3A_495 = arith.addf %while3A_473, %select_n3A_494 : vector<16xf32>
        scf.yield %add3A_491, %add3A_495 : vector<16xf32>, vector<16xf32>
      }
      %swap3A_459 = arith.constant 3 : i32
      %swap3A_460 = arith.index_cast %swap3A_459 : i32 to index
      %swap3A_461 = arith.constant 0 : index
      %swap3A_462 = tpu.vector_load %arg7[%swap3A_460, %swap3A_461] {strides = array<i32>} : memref<16x16xf32, #tpu.memory_space<vmem>>, vector<1x16xf32>,
      %swap3A_463 = vector.shape_cast %swap3A_462 : vector<1x16xf32> to vector<16xf32>
      %swap3A_464 = vector.shape_cast %while3A_458#0 : vector<16xf32> to vector<1x16xf32>
      tpu.vector_store %arg7[%swap3A_460, %swap3A_461], %swap3A_464 {strides = array<i32>} : memref<16x16xf32, #tpu.memory_space<vmem>>, vector<1x16xf32>,
      %swap3A_465 = arith.constant 3 : i32
      %swap3A_466 = arith.index_cast %swap3A_465 : i32 to index
      %swap3A_467 = arith.constant 0 : index
      %swap3A_468 = tpu.vector_load %arg8[%swap3A_466, %swap3A_467] {strides = array<i32>} : memref<16x16xf32, #tpu.memory_space<vmem>>, vector<1x16xf32>,
      %swap3A_469 = vector.shape_cast %swap3A_468 : vector<1x16xf32> to vector<16xf32>
      %swap3A_470 = vector.shape_cast %while3A_458#1 : vector<16xf32> to vector<1x16xf32>
      tpu.vector_store %arg8[%swap3A_466, %swap3A_467], %swap3A_470 {strides = array<i32>} : memref<16x16xf32, #tpu.memory_space<vmem>>, vector<1x16xf32>,
    } else {
    }
    %slice3A_259 = vector.extract_strided_slice %get3A_214 {offsets = [4], sizes = [1], strides = [1]} : vector<16xi32> to vector<1xi32>
    %squeeze3A_260 = vector.extract %slice3A_259[0] : i32 from vector<1xi32>
    %max3A_261 = arith.maxsi %mul3A_2, %squeeze3A_260 : i32
    %add3A_262 = arith.constant 1024 : i32
    %add3A_263 = arith.addi %mul3A_2, %add3A_262 : i32
    %slice3A_264 = vector.extract_strided_slice %get3A_217 {offsets = [4], sizes = [1], strides = [1]} : vector<16xi32> to vector<1xi32>
    %squeeze3A_265 = vector.extract %slice3A_264[0] : i32 from vector<1xi32>
    %min3A_266 = arith.minsi %add3A_263, %squeeze3A_265 : i32
    %gt3A_267 = arith.cmpi sgt, %min3A_266, %max3A_261 : i32
    %convert_element_type3A_268 = arith.extui %gt3A_267 : i1 to i32
    %cond3A_269 = arith.constant 0 : i32
    %cond3A_270 = arith.cmpi ne, %convert_element_type3A_268, %cond3A_269 : i32
    scf.if %cond3A_270 {
      %sub3A = arith.subi %max3A_261, %mul3A_2 : i32
      %jit3A = arith.constant 16 : i32
      %div3A = arith.divsi %sub3A, %jit3A : i32
      %sign3A = arith.constant 0 : i32
      %sign3A_404 = arith.cmpi sgt, %sub3A, %sign3A : i32
      %sign3A_405 = arith.extui %sign3A_404 : i1 to i32
      %sign3A_406 = arith.constant 0 : i32
      %sign3A_407 = arith.cmpi slt, %sub3A, %sign3A_406 : i32
      %sign3A_408 = arith.extui %sign3A_407 : i1 to i32
      %sign3A_409 = arith.subi %sign3A_405, %sign3A_408 : i32
      %sign3A_410 = arith.constant 0 : i32
      %sign3A_411 = arith.cmpi sgt, %jit3A, %sign3A_410 : i32
      %sign3A_412 = arith.extui %sign3A_411 : i1 to i32
      %sign3A_413 = arith.constant 0 : i32
      %sign3A_414 = arith.cmpi slt, %jit3A, %sign3A_413 : i32
      %sign3A_415 = arith.extui %sign3A_414 : i1 to i32
      %sign3A_416 = arith.subi %sign3A_412, %sign3A_415 : i32
      %ne3A = arith.cmpi ne, %sign3A_409, %sign3A_416 : i32
      %rem3A = arith.remsi %sub3A, %jit3A : i32
      %ne3A_417 = arith.constant 0 : i32
      %ne3A_418 = arith.cmpi ne, %rem3A, %ne3A_417 : i32
      %and3A = arith.andi %ne3A, %ne3A_418 : i1
      %sub3A_419 = arith.constant 1 : i32
      %sub3A_420 = arith.subi %div3A, %sub3A_419 : i32
      %select_n3A = arith.select %and3A, %sub3A_420, %div3A : i32
      %sub3A_421 = arith.subi %min3A_266, %mul3A_2 : i32
      %add3A_422 = arith.constant 16 : i32
      %add3A_423 = arith.addi %sub3A_421, %add3A_422 : i32
      %sub3A_424 = arith.constant 1 : i32
      %sub3A_425 = arith.subi %add3A_423, %sub3A_424 : i32
      %jit3A_426 = arith.constant 16 : i32
      %div3A_427 = arith.divsi %sub3A_425, %jit3A_426 : i32
      %sign3A_428 = arith.constant 0 : i32
      %sign3A_429 = arith.cmpi sgt, %sub3A_425, %sign3A_428 : i32
      %sign3A_430 = arith.extui %sign3A_429 : i1 to i32
      %sign3A_431 = arith.constant 0 : i32
      %sign3A_432 = arith.cmpi slt, %sub3A_425, %sign3A_431 : i32
      %sign3A_433 = arith.extui %sign3A_432 : i1 to i32
      %sign3A_434 = arith.subi %sign3A_430, %sign3A_433 : i32
      %sign3A_435 = arith.constant 0 : i32
      %sign3A_436 = arith.cmpi sgt, %jit3A_426, %sign3A_435 : i32
      %sign3A_437 = arith.extui %sign3A_436 : i1 to i32
      %sign3A_438 = arith.constant 0 : i32
      %sign3A_439 = arith.cmpi slt, %jit3A_426, %sign3A_438 : i32
      %sign3A_440 = arith.extui %sign3A_439 : i1 to i32
      %sign3A_441 = arith.subi %sign3A_437, %sign3A_440 : i32
      %ne3A_442 = arith.cmpi ne, %sign3A_434, %sign3A_441 : i32
      %rem3A_443 = arith.remsi %sub3A_425, %jit3A_426 : i32
      %ne3A_444 = arith.constant 0 : i32
      %ne3A_445 = arith.cmpi ne, %rem3A_443, %ne3A_444 : i32
      %and3A_446 = arith.andi %ne3A_442, %ne3A_445 : i1
      %sub3A_447 = arith.constant 1 : i32
      %sub3A_448 = arith.subi %div3A_427, %sub3A_447 : i32
      %select_n3A_449 = arith.select %and3A_446, %sub3A_448, %div3A_427 : i32
      %while3A = arith.subi %select_n3A_449, %select_n3A : i32
      %while3A_450 = arith.addi %select_n3A, %while3A : i32
      %while3A_451 = arith.constant 1 : i32
      %while3A_452 = arith.divsi %while3A, %while3A_451 : i32
      %while3A_453 = arith.muli %while3A_452, %while3A_451 : i32
      %while3A_454 = arith.addi %select_n3A, %while3A_453 : i32
      %while3A_455 = arith.constant 1 : i32
      %while3A_456:2 = scf.for %while3A_471 = %select_n3A to %while3A_454 step %while3A_455 iter_args(%while3A_472 = %broadcast_in_dim3A_12, %while3A_473 = %broadcast_in_dim3A_12) -> (vector<16xf32>, vector<16xf32>)  : i32 {
        %mul3A_474 = arith.constant 16 : i32
        %mul3A_475 = arith.muli %while3A_471, %mul3A_474 : i32
        %add3A_476 = arith.addi %mul3A_2, %mul3A_475 : i32
        %add3A_477 = vector.broadcast %add3A_476 : i32 to vector<16xi32>
        %add3A_478 = arith.addi %add3A_477, %iota3A : vector<16xi32>
        %ge3A = vector.broadcast %max3A_261 : i32 to vector<16xi32>
        %ge3A_479 = arith.cmpi sge, %add3A_478, %ge3A : vector<16xi32>
        %lt3A = vector.broadcast %min3A_266 : i32 to vector<16xi32>
        %lt3A_480 = arith.cmpi slt, %add3A_478, %lt3A : vector<16xi32>
        %and3A_481 = arith.andi %ge3A_479, %lt3A_480 : vector<16xi1>
        %get3A_482 = arith.index_cast %mul3A_475 : i32 to index
        %get3A_483 = tpu.vector_load %arg5[%get3A_482] {strides = array<i32>} : memref<1024xf32, #tpu.memory_space<vmem>>, vector<16xf32>,
        %get3A_484 = vector.shape_cast %get3A_483 : vector<16xf32> to vector<16xf32>
        %get3A_485 = arith.index_cast %mul3A_475 : i32 to index
        %get3A_486 = tpu.vector_load %arg6[%get3A_485] {strides = array<i32>} : memref<1024xf32, #tpu.memory_space<vmem>>, vector<16xf32>,
        %get3A_487 = vector.shape_cast %get3A_486 : vector<16xf32> to vector<16xf32>
        %jit3A_488 = arith.constant 0.000000e+00 : f32
        %broadcast_in_dim3A_489 = vector.broadcast %jit3A_488 : f32 to vector<16xf32>
        %select_n3A_490 = arith.select %and3A_481, %get3A_484, %broadcast_in_dim3A_489 : vector<16xi1>, vector<16xf32>
        %add3A_491 = arith.addf %while3A_472, %select_n3A_490 : vector<16xf32>
        %jit3A_492 = arith.constant 0.000000e+00 : f32
        %broadcast_in_dim3A_493 = vector.broadcast %jit3A_492 : f32 to vector<16xf32>
        %select_n3A_494 = arith.select %and3A_481, %get3A_487, %broadcast_in_dim3A_493 : vector<16xi1>, vector<16xf32>
        %add3A_495 = arith.addf %while3A_473, %select_n3A_494 : vector<16xf32>
        scf.yield %add3A_491, %add3A_495 : vector<16xf32>, vector<16xf32>
      }
      %while3A_457 = arith.constant 1 : i32
      %while3A_458:2 = scf.for %while3A_471 = %while3A_454 to %while3A_450 step %while3A_457 iter_args(%while3A_472 = %while3A_456#0, %while3A_473 = %while3A_456#1) -> (vector<16xf32>, vector<16xf32>)  : i32 {
        %mul3A_474 = arith.constant 16 : i32
        %mul3A_475 = arith.muli %while3A_471, %mul3A_474 : i32
        %add3A_476 = arith.addi %mul3A_2, %mul3A_475 : i32
        %add3A_477 = vector.broadcast %add3A_476 : i32 to vector<16xi32>
        %add3A_478 = arith.addi %add3A_477, %iota3A : vector<16xi32>
        %ge3A = vector.broadcast %max3A_261 : i32 to vector<16xi32>
        %ge3A_479 = arith.cmpi sge, %add3A_478, %ge3A : vector<16xi32>
        %lt3A = vector.broadcast %min3A_266 : i32 to vector<16xi32>
        %lt3A_480 = arith.cmpi slt, %add3A_478, %lt3A : vector<16xi32>
        %and3A_481 = arith.andi %ge3A_479, %lt3A_480 : vector<16xi1>
        %get3A_482 = arith.index_cast %mul3A_475 : i32 to index
        %get3A_483 = tpu.vector_load %arg5[%get3A_482] {strides = array<i32>} : memref<1024xf32, #tpu.memory_space<vmem>>, vector<16xf32>,
        %get3A_484 = vector.shape_cast %get3A_483 : vector<16xf32> to vector<16xf32>
        %get3A_485 = arith.index_cast %mul3A_475 : i32 to index
        %get3A_486 = tpu.vector_load %arg6[%get3A_485] {strides = array<i32>} : memref<1024xf32, #tpu.memory_space<vmem>>, vector<16xf32>,
        %get3A_487 = vector.shape_cast %get3A_486 : vector<16xf32> to vector<16xf32>
        %jit3A_488 = arith.constant 0.000000e+00 : f32
        %broadcast_in_dim3A_489 = vector.broadcast %jit3A_488 : f32 to vector<16xf32>
        %select_n3A_490 = arith.select %and3A_481, %get3A_484, %broadcast_in_dim3A_489 : vector<16xi1>, vector<16xf32>
        %add3A_491 = arith.addf %while3A_472, %select_n3A_490 : vector<16xf32>
        %jit3A_492 = arith.constant 0.000000e+00 : f32
        %broadcast_in_dim3A_493 = vector.broadcast %jit3A_492 : f32 to vector<16xf32>
        %select_n3A_494 = arith.select %and3A_481, %get3A_487, %broadcast_in_dim3A_493 : vector<16xi1>, vector<16xf32>
        %add3A_495 = arith.addf %while3A_473, %select_n3A_494 : vector<16xf32>
        scf.yield %add3A_491, %add3A_495 : vector<16xf32>, vector<16xf32>
      }
      %swap3A_459 = arith.constant 4 : i32
      %swap3A_460 = arith.index_cast %swap3A_459 : i32 to index
      %swap3A_461 = arith.constant 0 : index
      %swap3A_462 = tpu.vector_load %arg7[%swap3A_460, %swap3A_461] {strides = array<i32>} : memref<16x16xf32, #tpu.memory_space<vmem>>, vector<1x16xf32>,
      %swap3A_463 = vector.shape_cast %swap3A_462 : vector<1x16xf32> to vector<16xf32>
      %swap3A_464 = vector.shape_cast %while3A_458#0 : vector<16xf32> to vector<1x16xf32>
      tpu.vector_store %arg7[%swap3A_460, %swap3A_461], %swap3A_464 {strides = array<i32>} : memref<16x16xf32, #tpu.memory_space<vmem>>, vector<1x16xf32>,
      %swap3A_465 = arith.constant 4 : i32
      %swap3A_466 = arith.index_cast %swap3A_465 : i32 to index
      %swap3A_467 = arith.constant 0 : index
      %swap3A_468 = tpu.vector_load %arg8[%swap3A_466, %swap3A_467] {strides = array<i32>} : memref<16x16xf32, #tpu.memory_space<vmem>>, vector<1x16xf32>,
      %swap3A_469 = vector.shape_cast %swap3A_468 : vector<1x16xf32> to vector<16xf32>
      %swap3A_470 = vector.shape_cast %while3A_458#1 : vector<16xf32> to vector<1x16xf32>
      tpu.vector_store %arg8[%swap3A_466, %swap3A_467], %swap3A_470 {strides = array<i32>} : memref<16x16xf32, #tpu.memory_space<vmem>>, vector<1x16xf32>,
    } else {
    }
    %slice3A_271 = vector.extract_strided_slice %get3A_214 {offsets = [5], sizes = [1], strides = [1]} : vector<16xi32> to vector<1xi32>
    %squeeze3A_272 = vector.extract %slice3A_271[0] : i32 from vector<1xi32>
    %max3A_273 = arith.maxsi %mul3A_2, %squeeze3A_272 : i32
    %add3A_274 = arith.constant 1024 : i32
    %add3A_275 = arith.addi %mul3A_2, %add3A_274 : i32
    %slice3A_276 = vector.extract_strided_slice %get3A_217 {offsets = [5], sizes = [1], strides = [1]} : vector<16xi32> to vector<1xi32>
    %squeeze3A_277 = vector.extract %slice3A_276[0] : i32 from vector<1xi32>
    %min3A_278 = arith.minsi %add3A_275, %squeeze3A_277 : i32
    %gt3A_279 = arith.cmpi sgt, %min3A_278, %max3A_273 : i32
    %convert_element_type3A_280 = arith.extui %gt3A_279 : i1 to i32
    %cond3A_281 = arith.constant 0 : i32
    %cond3A_282 = arith.cmpi ne, %convert_element_type3A_280, %cond3A_281 : i32
    scf.if %cond3A_282 {
      %sub3A = arith.subi %max3A_273, %mul3A_2 : i32
      %jit3A = arith.constant 16 : i32
      %div3A = arith.divsi %sub3A, %jit3A : i32
      %sign3A = arith.constant 0 : i32
      %sign3A_404 = arith.cmpi sgt, %sub3A, %sign3A : i32
      %sign3A_405 = arith.extui %sign3A_404 : i1 to i32
      %sign3A_406 = arith.constant 0 : i32
      %sign3A_407 = arith.cmpi slt, %sub3A, %sign3A_406 : i32
      %sign3A_408 = arith.extui %sign3A_407 : i1 to i32
      %sign3A_409 = arith.subi %sign3A_405, %sign3A_408 : i32
      %sign3A_410 = arith.constant 0 : i32
      %sign3A_411 = arith.cmpi sgt, %jit3A, %sign3A_410 : i32
      %sign3A_412 = arith.extui %sign3A_411 : i1 to i32
      %sign3A_413 = arith.constant 0 : i32
      %sign3A_414 = arith.cmpi slt, %jit3A, %sign3A_413 : i32
      %sign3A_415 = arith.extui %sign3A_414 : i1 to i32
      %sign3A_416 = arith.subi %sign3A_412, %sign3A_415 : i32
      %ne3A = arith.cmpi ne, %sign3A_409, %sign3A_416 : i32
      %rem3A = arith.remsi %sub3A, %jit3A : i32
      %ne3A_417 = arith.constant 0 : i32
      %ne3A_418 = arith.cmpi ne, %rem3A, %ne3A_417 : i32
      %and3A = arith.andi %ne3A, %ne3A_418 : i1
      %sub3A_419 = arith.constant 1 : i32
      %sub3A_420 = arith.subi %div3A, %sub3A_419 : i32
      %select_n3A = arith.select %and3A, %sub3A_420, %div3A : i32
      %sub3A_421 = arith.subi %min3A_278, %mul3A_2 : i32
      %add3A_422 = arith.constant 16 : i32
      %add3A_423 = arith.addi %sub3A_421, %add3A_422 : i32
      %sub3A_424 = arith.constant 1 : i32
      %sub3A_425 = arith.subi %add3A_423, %sub3A_424 : i32
      %jit3A_426 = arith.constant 16 : i32
      %div3A_427 = arith.divsi %sub3A_425, %jit3A_426 : i32
      %sign3A_428 = arith.constant 0 : i32
      %sign3A_429 = arith.cmpi sgt, %sub3A_425, %sign3A_428 : i32
      %sign3A_430 = arith.extui %sign3A_429 : i1 to i32
      %sign3A_431 = arith.constant 0 : i32
      %sign3A_432 = arith.cmpi slt, %sub3A_425, %sign3A_431 : i32
      %sign3A_433 = arith.extui %sign3A_432 : i1 to i32
      %sign3A_434 = arith.subi %sign3A_430, %sign3A_433 : i32
      %sign3A_435 = arith.constant 0 : i32
      %sign3A_436 = arith.cmpi sgt, %jit3A_426, %sign3A_435 : i32
      %sign3A_437 = arith.extui %sign3A_436 : i1 to i32
      %sign3A_438 = arith.constant 0 : i32
      %sign3A_439 = arith.cmpi slt, %jit3A_426, %sign3A_438 : i32
      %sign3A_440 = arith.extui %sign3A_439 : i1 to i32
      %sign3A_441 = arith.subi %sign3A_437, %sign3A_440 : i32
      %ne3A_442 = arith.cmpi ne, %sign3A_434, %sign3A_441 : i32
      %rem3A_443 = arith.remsi %sub3A_425, %jit3A_426 : i32
      %ne3A_444 = arith.constant 0 : i32
      %ne3A_445 = arith.cmpi ne, %rem3A_443, %ne3A_444 : i32
      %and3A_446 = arith.andi %ne3A_442, %ne3A_445 : i1
      %sub3A_447 = arith.constant 1 : i32
      %sub3A_448 = arith.subi %div3A_427, %sub3A_447 : i32
      %select_n3A_449 = arith.select %and3A_446, %sub3A_448, %div3A_427 : i32
      %while3A = arith.subi %select_n3A_449, %select_n3A : i32
      %while3A_450 = arith.addi %select_n3A, %while3A : i32
      %while3A_451 = arith.constant 1 : i32
      %while3A_452 = arith.divsi %while3A, %while3A_451 : i32
      %while3A_453 = arith.muli %while3A_452, %while3A_451 : i32
      %while3A_454 = arith.addi %select_n3A, %while3A_453 : i32
      %while3A_455 = arith.constant 1 : i32
      %while3A_456:2 = scf.for %while3A_471 = %select_n3A to %while3A_454 step %while3A_455 iter_args(%while3A_472 = %broadcast_in_dim3A_12, %while3A_473 = %broadcast_in_dim3A_12) -> (vector<16xf32>, vector<16xf32>)  : i32 {
        %mul3A_474 = arith.constant 16 : i32
        %mul3A_475 = arith.muli %while3A_471, %mul3A_474 : i32
        %add3A_476 = arith.addi %mul3A_2, %mul3A_475 : i32
        %add3A_477 = vector.broadcast %add3A_476 : i32 to vector<16xi32>
        %add3A_478 = arith.addi %add3A_477, %iota3A : vector<16xi32>
        %ge3A = vector.broadcast %max3A_273 : i32 to vector<16xi32>
        %ge3A_479 = arith.cmpi sge, %add3A_478, %ge3A : vector<16xi32>
        %lt3A = vector.broadcast %min3A_278 : i32 to vector<16xi32>
        %lt3A_480 = arith.cmpi slt, %add3A_478, %lt3A : vector<16xi32>
        %and3A_481 = arith.andi %ge3A_479, %lt3A_480 : vector<16xi1>
        %get3A_482 = arith.index_cast %mul3A_475 : i32 to index
        %get3A_483 = tpu.vector_load %arg5[%get3A_482] {strides = array<i32>} : memref<1024xf32, #tpu.memory_space<vmem>>, vector<16xf32>,
        %get3A_484 = vector.shape_cast %get3A_483 : vector<16xf32> to vector<16xf32>
        %get3A_485 = arith.index_cast %mul3A_475 : i32 to index
        %get3A_486 = tpu.vector_load %arg6[%get3A_485] {strides = array<i32>} : memref<1024xf32, #tpu.memory_space<vmem>>, vector<16xf32>,
        %get3A_487 = vector.shape_cast %get3A_486 : vector<16xf32> to vector<16xf32>
        %jit3A_488 = arith.constant 0.000000e+00 : f32
        %broadcast_in_dim3A_489 = vector.broadcast %jit3A_488 : f32 to vector<16xf32>
        %select_n3A_490 = arith.select %and3A_481, %get3A_484, %broadcast_in_dim3A_489 : vector<16xi1>, vector<16xf32>
        %add3A_491 = arith.addf %while3A_472, %select_n3A_490 : vector<16xf32>
        %jit3A_492 = arith.constant 0.000000e+00 : f32
        %broadcast_in_dim3A_493 = vector.broadcast %jit3A_492 : f32 to vector<16xf32>
        %select_n3A_494 = arith.select %and3A_481, %get3A_487, %broadcast_in_dim3A_493 : vector<16xi1>, vector<16xf32>
        %add3A_495 = arith.addf %while3A_473, %select_n3A_494 : vector<16xf32>
        scf.yield %add3A_491, %add3A_495 : vector<16xf32>, vector<16xf32>
      }
      %while3A_457 = arith.constant 1 : i32
      %while3A_458:2 = scf.for %while3A_471 = %while3A_454 to %while3A_450 step %while3A_457 iter_args(%while3A_472 = %while3A_456#0, %while3A_473 = %while3A_456#1) -> (vector<16xf32>, vector<16xf32>)  : i32 {
        %mul3A_474 = arith.constant 16 : i32
        %mul3A_475 = arith.muli %while3A_471, %mul3A_474 : i32
        %add3A_476 = arith.addi %mul3A_2, %mul3A_475 : i32
        %add3A_477 = vector.broadcast %add3A_476 : i32 to vector<16xi32>
        %add3A_478 = arith.addi %add3A_477, %iota3A : vector<16xi32>
        %ge3A = vector.broadcast %max3A_273 : i32 to vector<16xi32>
        %ge3A_479 = arith.cmpi sge, %add3A_478, %ge3A : vector<16xi32>
        %lt3A = vector.broadcast %min3A_278 : i32 to vector<16xi32>
        %lt3A_480 = arith.cmpi slt, %add3A_478, %lt3A : vector<16xi32>
        %and3A_481 = arith.andi %ge3A_479, %lt3A_480 : vector<16xi1>
        %get3A_482 = arith.index_cast %mul3A_475 : i32 to index
        %get3A_483 = tpu.vector_load %arg5[%get3A_482] {strides = array<i32>} : memref<1024xf32, #tpu.memory_space<vmem>>, vector<16xf32>,
        %get3A_484 = vector.shape_cast %get3A_483 : vector<16xf32> to vector<16xf32>
        %get3A_485 = arith.index_cast %mul3A_475 : i32 to index
        %get3A_486 = tpu.vector_load %arg6[%get3A_485] {strides = array<i32>} : memref<1024xf32, #tpu.memory_space<vmem>>, vector<16xf32>,
        %get3A_487 = vector.shape_cast %get3A_486 : vector<16xf32> to vector<16xf32>
        %jit3A_488 = arith.constant 0.000000e+00 : f32
        %broadcast_in_dim3A_489 = vector.broadcast %jit3A_488 : f32 to vector<16xf32>
        %select_n3A_490 = arith.select %and3A_481, %get3A_484, %broadcast_in_dim3A_489 : vector<16xi1>, vector<16xf32>
        %add3A_491 = arith.addf %while3A_472, %select_n3A_490 : vector<16xf32>
        %jit3A_492 = arith.constant 0.000000e+00 : f32
        %broadcast_in_dim3A_493 = vector.broadcast %jit3A_492 : f32 to vector<16xf32>
        %select_n3A_494 = arith.select %and3A_481, %get3A_487, %broadcast_in_dim3A_493 : vector<16xi1>, vector<16xf32>
        %add3A_495 = arith.addf %while3A_473, %select_n3A_494 : vector<16xf32>
        scf.yield %add3A_491, %add3A_495 : vector<16xf32>, vector<16xf32>
      }
      %swap3A_459 = arith.constant 5 : i32
      %swap3A_460 = arith.index_cast %swap3A_459 : i32 to index
      %swap3A_461 = arith.constant 0 : index
      %swap3A_462 = tpu.vector_load %arg7[%swap3A_460, %swap3A_461] {strides = array<i32>} : memref<16x16xf32, #tpu.memory_space<vmem>>, vector<1x16xf32>,
      %swap3A_463 = vector.shape_cast %swap3A_462 : vector<1x16xf32> to vector<16xf32>
      %swap3A_464 = vector.shape_cast %while3A_458#0 : vector<16xf32> to vector<1x16xf32>
      tpu.vector_store %arg7[%swap3A_460, %swap3A_461], %swap3A_464 {strides = array<i32>} : memref<16x16xf32, #tpu.memory_space<vmem>>, vector<1x16xf32>,
      %swap3A_465 = arith.constant 5 : i32
      %swap3A_466 = arith.index_cast %swap3A_465 : i32 to index
      %swap3A_467 = arith.constant 0 : index
      %swap3A_468 = tpu.vector_load %arg8[%swap3A_466, %swap3A_467] {strides = array<i32>} : memref<16x16xf32, #tpu.memory_space<vmem>>, vector<1x16xf32>,
      %swap3A_469 = vector.shape_cast %swap3A_468 : vector<1x16xf32> to vector<16xf32>
      %swap3A_470 = vector.shape_cast %while3A_458#1 : vector<16xf32> to vector<1x16xf32>
      tpu.vector_store %arg8[%swap3A_466, %swap3A_467], %swap3A_470 {strides = array<i32>} : memref<16x16xf32, #tpu.memory_space<vmem>>, vector<1x16xf32>,
    } else {
    }
    %slice3A_283 = vector.extract_strided_slice %get3A_214 {offsets = [6], sizes = [1], strides = [1]} : vector<16xi32> to vector<1xi32>
    %squeeze3A_284 = vector.extract %slice3A_283[0] : i32 from vector<1xi32>
    %max3A_285 = arith.maxsi %mul3A_2, %squeeze3A_284 : i32
    %add3A_286 = arith.constant 1024 : i32
    %add3A_287 = arith.addi %mul3A_2, %add3A_286 : i32
    %slice3A_288 = vector.extract_strided_slice %get3A_217 {offsets = [6], sizes = [1], strides = [1]} : vector<16xi32> to vector<1xi32>
    %squeeze3A_289 = vector.extract %slice3A_288[0] : i32 from vector<1xi32>
    %min3A_290 = arith.minsi %add3A_287, %squeeze3A_289 : i32
    %gt3A_291 = arith.cmpi sgt, %min3A_290, %max3A_285 : i32
    %convert_element_type3A_292 = arith.extui %gt3A_291 : i1 to i32
    %cond3A_293 = arith.constant 0 : i32
    %cond3A_294 = arith.cmpi ne, %convert_element_type3A_292, %cond3A_293 : i32
    scf.if %cond3A_294 {
      %sub3A = arith.subi %max3A_285, %mul3A_2 : i32
      %jit3A = arith.constant 16 : i32
      %div3A = arith.divsi %sub3A, %jit3A : i32
      %sign3A = arith.constant 0 : i32
      %sign3A_404 = arith.cmpi sgt, %sub3A, %sign3A : i32
      %sign3A_405 = arith.extui %sign3A_404 : i1 to i32
      %sign3A_406 = arith.constant 0 : i32
      %sign3A_407 = arith.cmpi slt, %sub3A, %sign3A_406 : i32
      %sign3A_408 = arith.extui %sign3A_407 : i1 to i32
      %sign3A_409 = arith.subi %sign3A_405, %sign3A_408 : i32
      %sign3A_410 = arith.constant 0 : i32
      %sign3A_411 = arith.cmpi sgt, %jit3A, %sign3A_410 : i32
      %sign3A_412 = arith.extui %sign3A_411 : i1 to i32
      %sign3A_413 = arith.constant 0 : i32
      %sign3A_414 = arith.cmpi slt, %jit3A, %sign3A_413 : i32
      %sign3A_415 = arith.extui %sign3A_414 : i1 to i32
      %sign3A_416 = arith.subi %sign3A_412, %sign3A_415 : i32
      %ne3A = arith.cmpi ne, %sign3A_409, %sign3A_416 : i32
      %rem3A = arith.remsi %sub3A, %jit3A : i32
      %ne3A_417 = arith.constant 0 : i32
      %ne3A_418 = arith.cmpi ne, %rem3A, %ne3A_417 : i32
      %and3A = arith.andi %ne3A, %ne3A_418 : i1
      %sub3A_419 = arith.constant 1 : i32
      %sub3A_420 = arith.subi %div3A, %sub3A_419 : i32
      %select_n3A = arith.select %and3A, %sub3A_420, %div3A : i32
      %sub3A_421 = arith.subi %min3A_290, %mul3A_2 : i32
      %add3A_422 = arith.constant 16 : i32
      %add3A_423 = arith.addi %sub3A_421, %add3A_422 : i32
      %sub3A_424 = arith.constant 1 : i32
      %sub3A_425 = arith.subi %add3A_423, %sub3A_424 : i32
      %jit3A_426 = arith.constant 16 : i32
      %div3A_427 = arith.divsi %sub3A_425, %jit3A_426 : i32
      %sign3A_428 = arith.constant 0 : i32
      %sign3A_429 = arith.cmpi sgt, %sub3A_425, %sign3A_428 : i32
      %sign3A_430 = arith.extui %sign3A_429 : i1 to i32
      %sign3A_431 = arith.constant 0 : i32
      %sign3A_432 = arith.cmpi slt, %sub3A_425, %sign3A_431 : i32
      %sign3A_433 = arith.extui %sign3A_432 : i1 to i32
      %sign3A_434 = arith.subi %sign3A_430, %sign3A_433 : i32
      %sign3A_435 = arith.constant 0 : i32
      %sign3A_436 = arith.cmpi sgt, %jit3A_426, %sign3A_435 : i32
      %sign3A_437 = arith.extui %sign3A_436 : i1 to i32
      %sign3A_438 = arith.constant 0 : i32
      %sign3A_439 = arith.cmpi slt, %jit3A_426, %sign3A_438 : i32
      %sign3A_440 = arith.extui %sign3A_439 : i1 to i32
      %sign3A_441 = arith.subi %sign3A_437, %sign3A_440 : i32
      %ne3A_442 = arith.cmpi ne, %sign3A_434, %sign3A_441 : i32
      %rem3A_443 = arith.remsi %sub3A_425, %jit3A_426 : i32
      %ne3A_444 = arith.constant 0 : i32
      %ne3A_445 = arith.cmpi ne, %rem3A_443, %ne3A_444 : i32
      %and3A_446 = arith.andi %ne3A_442, %ne3A_445 : i1
      %sub3A_447 = arith.constant 1 : i32
      %sub3A_448 = arith.subi %div3A_427, %sub3A_447 : i32
      %select_n3A_449 = arith.select %and3A_446, %sub3A_448, %div3A_427 : i32
      %while3A = arith.subi %select_n3A_449, %select_n3A : i32
      %while3A_450 = arith.addi %select_n3A, %while3A : i32
      %while3A_451 = arith.constant 1 : i32
      %while3A_452 = arith.divsi %while3A, %while3A_451 : i32
      %while3A_453 = arith.muli %while3A_452, %while3A_451 : i32
      %while3A_454 = arith.addi %select_n3A, %while3A_453 : i32
      %while3A_455 = arith.constant 1 : i32
      %while3A_456:2 = scf.for %while3A_471 = %select_n3A to %while3A_454 step %while3A_455 iter_args(%while3A_472 = %broadcast_in_dim3A_12, %while3A_473 = %broadcast_in_dim3A_12) -> (vector<16xf32>, vector<16xf32>)  : i32 {
        %mul3A_474 = arith.constant 16 : i32
        %mul3A_475 = arith.muli %while3A_471, %mul3A_474 : i32
        %add3A_476 = arith.addi %mul3A_2, %mul3A_475 : i32
        %add3A_477 = vector.broadcast %add3A_476 : i32 to vector<16xi32>
        %add3A_478 = arith.addi %add3A_477, %iota3A : vector<16xi32>
        %ge3A = vector.broadcast %max3A_285 : i32 to vector<16xi32>
        %ge3A_479 = arith.cmpi sge, %add3A_478, %ge3A : vector<16xi32>
        %lt3A = vector.broadcast %min3A_290 : i32 to vector<16xi32>
        %lt3A_480 = arith.cmpi slt, %add3A_478, %lt3A : vector<16xi32>
        %and3A_481 = arith.andi %ge3A_479, %lt3A_480 : vector<16xi1>
        %get3A_482 = arith.index_cast %mul3A_475 : i32 to index
        %get3A_483 = tpu.vector_load %arg5[%get3A_482] {strides = array<i32>} : memref<1024xf32, #tpu.memory_space<vmem>>, vector<16xf32>,
        %get3A_484 = vector.shape_cast %get3A_483 : vector<16xf32> to vector<16xf32>
        %get3A_485 = arith.index_cast %mul3A_475 : i32 to index
        %get3A_486 = tpu.vector_load %arg6[%get3A_485] {strides = array<i32>} : memref<1024xf32, #tpu.memory_space<vmem>>, vector<16xf32>,
        %get3A_487 = vector.shape_cast %get3A_486 : vector<16xf32> to vector<16xf32>
        %jit3A_488 = arith.constant 0.000000e+00 : f32
        %broadcast_in_dim3A_489 = vector.broadcast %jit3A_488 : f32 to vector<16xf32>
        %select_n3A_490 = arith.select %and3A_481, %get3A_484, %broadcast_in_dim3A_489 : vector<16xi1>, vector<16xf32>
        %add3A_491 = arith.addf %while3A_472, %select_n3A_490 : vector<16xf32>
        %jit3A_492 = arith.constant 0.000000e+00 : f32
        %broadcast_in_dim3A_493 = vector.broadcast %jit3A_492 : f32 to vector<16xf32>
        %select_n3A_494 = arith.select %and3A_481, %get3A_487, %broadcast_in_dim3A_493 : vector<16xi1>, vector<16xf32>
        %add3A_495 = arith.addf %while3A_473, %select_n3A_494 : vector<16xf32>
        scf.yield %add3A_491, %add3A_495 : vector<16xf32>, vector<16xf32>
      }
      %while3A_457 = arith.constant 1 : i32
      %while3A_458:2 = scf.for %while3A_471 = %while3A_454 to %while3A_450 step %while3A_457 iter_args(%while3A_472 = %while3A_456#0, %while3A_473 = %while3A_456#1) -> (vector<16xf32>, vector<16xf32>)  : i32 {
        %mul3A_474 = arith.constant 16 : i32
        %mul3A_475 = arith.muli %while3A_471, %mul3A_474 : i32
        %add3A_476 = arith.addi %mul3A_2, %mul3A_475 : i32
        %add3A_477 = vector.broadcast %add3A_476 : i32 to vector<16xi32>
        %add3A_478 = arith.addi %add3A_477, %iota3A : vector<16xi32>
        %ge3A = vector.broadcast %max3A_285 : i32 to vector<16xi32>
        %ge3A_479 = arith.cmpi sge, %add3A_478, %ge3A : vector<16xi32>
        %lt3A = vector.broadcast %min3A_290 : i32 to vector<16xi32>
        %lt3A_480 = arith.cmpi slt, %add3A_478, %lt3A : vector<16xi32>
        %and3A_481 = arith.andi %ge3A_479, %lt3A_480 : vector<16xi1>
        %get3A_482 = arith.index_cast %mul3A_475 : i32 to index
        %get3A_483 = tpu.vector_load %arg5[%get3A_482] {strides = array<i32>} : memref<1024xf32, #tpu.memory_space<vmem>>, vector<16xf32>,
        %get3A_484 = vector.shape_cast %get3A_483 : vector<16xf32> to vector<16xf32>
        %get3A_485 = arith.index_cast %mul3A_475 : i32 to index
        %get3A_486 = tpu.vector_load %arg6[%get3A_485] {strides = array<i32>} : memref<1024xf32, #tpu.memory_space<vmem>>, vector<16xf32>,
        %get3A_487 = vector.shape_cast %get3A_486 : vector<16xf32> to vector<16xf32>
        %jit3A_488 = arith.constant 0.000000e+00 : f32
        %broadcast_in_dim3A_489 = vector.broadcast %jit3A_488 : f32 to vector<16xf32>
        %select_n3A_490 = arith.select %and3A_481, %get3A_484, %broadcast_in_dim3A_489 : vector<16xi1>, vector<16xf32>
        %add3A_491 = arith.addf %while3A_472, %select_n3A_490 : vector<16xf32>
        %jit3A_492 = arith.constant 0.000000e+00 : f32
        %broadcast_in_dim3A_493 = vector.broadcast %jit3A_492 : f32 to vector<16xf32>
        %select_n3A_494 = arith.select %and3A_481, %get3A_487, %broadcast_in_dim3A_493 : vector<16xi1>, vector<16xf32>
        %add3A_495 = arith.addf %while3A_473, %select_n3A_494 : vector<16xf32>
        scf.yield %add3A_491, %add3A_495 : vector<16xf32>, vector<16xf32>
      }
      %swap3A_459 = arith.constant 6 : i32
      %swap3A_460 = arith.index_cast %swap3A_459 : i32 to index
      %swap3A_461 = arith.constant 0 : index
      %swap3A_462 = tpu.vector_load %arg7[%swap3A_460, %swap3A_461] {strides = array<i32>} : memref<16x16xf32, #tpu.memory_space<vmem>>, vector<1x16xf32>,
      %swap3A_463 = vector.shape_cast %swap3A_462 : vector<1x16xf32> to vector<16xf32>
      %swap3A_464 = vector.shape_cast %while3A_458#0 : vector<16xf32> to vector<1x16xf32>
      tpu.vector_store %arg7[%swap3A_460, %swap3A_461], %swap3A_464 {strides = array<i32>} : memref<16x16xf32, #tpu.memory_space<vmem>>, vector<1x16xf32>,
      %swap3A_465 = arith.constant 6 : i32
      %swap3A_466 = arith.index_cast %swap3A_465 : i32 to index
      %swap3A_467 = arith.constant 0 : index
      %swap3A_468 = tpu.vector_load %arg8[%swap3A_466, %swap3A_467] {strides = array<i32>} : memref<16x16xf32, #tpu.memory_space<vmem>>, vector<1x16xf32>,
      %swap3A_469 = vector.shape_cast %swap3A_468 : vector<1x16xf32> to vector<16xf32>
      %swap3A_470 = vector.shape_cast %while3A_458#1 : vector<16xf32> to vector<1x16xf32>
      tpu.vector_store %arg8[%swap3A_466, %swap3A_467], %swap3A_470 {strides = array<i32>} : memref<16x16xf32, #tpu.memory_space<vmem>>, vector<1x16xf32>,
    } else {
    }
    %slice3A_295 = vector.extract_strided_slice %get3A_214 {offsets = [7], sizes = [1], strides = [1]} : vector<16xi32> to vector<1xi32>
    %squeeze3A_296 = vector.extract %slice3A_295[0] : i32 from vector<1xi32>
    %max3A_297 = arith.maxsi %mul3A_2, %squeeze3A_296 : i32
    %add3A_298 = arith.constant 1024 : i32
    %add3A_299 = arith.addi %mul3A_2, %add3A_298 : i32
    %slice3A_300 = vector.extract_strided_slice %get3A_217 {offsets = [7], sizes = [1], strides = [1]} : vector<16xi32> to vector<1xi32>
    %squeeze3A_301 = vector.extract %slice3A_300[0] : i32 from vector<1xi32>
    %min3A_302 = arith.minsi %add3A_299, %squeeze3A_301 : i32
    %gt3A_303 = arith.cmpi sgt, %min3A_302, %max3A_297 : i32
    %convert_element_type3A_304 = arith.extui %gt3A_303 : i1 to i32
    %cond3A_305 = arith.constant 0 : i32
    %cond3A_306 = arith.cmpi ne, %convert_element_type3A_304, %cond3A_305 : i32
    scf.if %cond3A_306 {
      %sub3A = arith.subi %max3A_297, %mul3A_2 : i32
      %jit3A = arith.constant 16 : i32
      %div3A = arith.divsi %sub3A, %jit3A : i32
      %sign3A = arith.constant 0 : i32
      %sign3A_404 = arith.cmpi sgt, %sub3A, %sign3A : i32
      %sign3A_405 = arith.extui %sign3A_404 : i1 to i32
      %sign3A_406 = arith.constant 0 : i32
      %sign3A_407 = arith.cmpi slt, %sub3A, %sign3A_406 : i32
      %sign3A_408 = arith.extui %sign3A_407 : i1 to i32
      %sign3A_409 = arith.subi %sign3A_405, %sign3A_408 : i32
      %sign3A_410 = arith.constant 0 : i32
      %sign3A_411 = arith.cmpi sgt, %jit3A, %sign3A_410 : i32
      %sign3A_412 = arith.extui %sign3A_411 : i1 to i32
      %sign3A_413 = arith.constant 0 : i32
      %sign3A_414 = arith.cmpi slt, %jit3A, %sign3A_413 : i32
      %sign3A_415 = arith.extui %sign3A_414 : i1 to i32
      %sign3A_416 = arith.subi %sign3A_412, %sign3A_415 : i32
      %ne3A = arith.cmpi ne, %sign3A_409, %sign3A_416 : i32
      %rem3A = arith.remsi %sub3A, %jit3A : i32
      %ne3A_417 = arith.constant 0 : i32
      %ne3A_418 = arith.cmpi ne, %rem3A, %ne3A_417 : i32
      %and3A = arith.andi %ne3A, %ne3A_418 : i1
      %sub3A_419 = arith.constant 1 : i32
      %sub3A_420 = arith.subi %div3A, %sub3A_419 : i32
      %select_n3A = arith.select %and3A, %sub3A_420, %div3A : i32
      %sub3A_421 = arith.subi %min3A_302, %mul3A_2 : i32
      %add3A_422 = arith.constant 16 : i32
      %add3A_423 = arith.addi %sub3A_421, %add3A_422 : i32
      %sub3A_424 = arith.constant 1 : i32
      %sub3A_425 = arith.subi %add3A_423, %sub3A_424 : i32
      %jit3A_426 = arith.constant 16 : i32
      %div3A_427 = arith.divsi %sub3A_425, %jit3A_426 : i32
      %sign3A_428 = arith.constant 0 : i32
      %sign3A_429 = arith.cmpi sgt, %sub3A_425, %sign3A_428 : i32
      %sign3A_430 = arith.extui %sign3A_429 : i1 to i32
      %sign3A_431 = arith.constant 0 : i32
      %sign3A_432 = arith.cmpi slt, %sub3A_425, %sign3A_431 : i32
      %sign3A_433 = arith.extui %sign3A_432 : i1 to i32
      %sign3A_434 = arith.subi %sign3A_430, %sign3A_433 : i32
      %sign3A_435 = arith.constant 0 : i32
      %sign3A_436 = arith.cmpi sgt, %jit3A_426, %sign3A_435 : i32
      %sign3A_437 = arith.extui %sign3A_436 : i1 to i32
      %sign3A_438 = arith.constant 0 : i32
      %sign3A_439 = arith.cmpi slt, %jit3A_426, %sign3A_438 : i32
      %sign3A_440 = arith.extui %sign3A_439 : i1 to i32
      %sign3A_441 = arith.subi %sign3A_437, %sign3A_440 : i32
      %ne3A_442 = arith.cmpi ne, %sign3A_434, %sign3A_441 : i32
      %rem3A_443 = arith.remsi %sub3A_425, %jit3A_426 : i32
      %ne3A_444 = arith.constant 0 : i32
      %ne3A_445 = arith.cmpi ne, %rem3A_443, %ne3A_444 : i32
      %and3A_446 = arith.andi %ne3A_442, %ne3A_445 : i1
      %sub3A_447 = arith.constant 1 : i32
      %sub3A_448 = arith.subi %div3A_427, %sub3A_447 : i32
      %select_n3A_449 = arith.select %and3A_446, %sub3A_448, %div3A_427 : i32
      %while3A = arith.subi %select_n3A_449, %select_n3A : i32
      %while3A_450 = arith.addi %select_n3A, %while3A : i32
      %while3A_451 = arith.constant 1 : i32
      %while3A_452 = arith.divsi %while3A, %while3A_451 : i32
      %while3A_453 = arith.muli %while3A_452, %while3A_451 : i32
      %while3A_454 = arith.addi %select_n3A, %while3A_453 : i32
      %while3A_455 = arith.constant 1 : i32
      %while3A_456:2 = scf.for %while3A_471 = %select_n3A to %while3A_454 step %while3A_455 iter_args(%while3A_472 = %broadcast_in_dim3A_12, %while3A_473 = %broadcast_in_dim3A_12) -> (vector<16xf32>, vector<16xf32>)  : i32 {
        %mul3A_474 = arith.constant 16 : i32
        %mul3A_475 = arith.muli %while3A_471, %mul3A_474 : i32
        %add3A_476 = arith.addi %mul3A_2, %mul3A_475 : i32
        %add3A_477 = vector.broadcast %add3A_476 : i32 to vector<16xi32>
        %add3A_478 = arith.addi %add3A_477, %iota3A : vector<16xi32>
        %ge3A = vector.broadcast %max3A_297 : i32 to vector<16xi32>
        %ge3A_479 = arith.cmpi sge, %add3A_478, %ge3A : vector<16xi32>
        %lt3A = vector.broadcast %min3A_302 : i32 to vector<16xi32>
        %lt3A_480 = arith.cmpi slt, %add3A_478, %lt3A : vector<16xi32>
        %and3A_481 = arith.andi %ge3A_479, %lt3A_480 : vector<16xi1>
        %get3A_482 = arith.index_cast %mul3A_475 : i32 to index
        %get3A_483 = tpu.vector_load %arg5[%get3A_482] {strides = array<i32>} : memref<1024xf32, #tpu.memory_space<vmem>>, vector<16xf32>,
        %get3A_484 = vector.shape_cast %get3A_483 : vector<16xf32> to vector<16xf32>
        %get3A_485 = arith.index_cast %mul3A_475 : i32 to index
        %get3A_486 = tpu.vector_load %arg6[%get3A_485] {strides = array<i32>} : memref<1024xf32, #tpu.memory_space<vmem>>, vector<16xf32>,
        %get3A_487 = vector.shape_cast %get3A_486 : vector<16xf32> to vector<16xf32>
        %jit3A_488 = arith.constant 0.000000e+00 : f32
        %broadcast_in_dim3A_489 = vector.broadcast %jit3A_488 : f32 to vector<16xf32>
        %select_n3A_490 = arith.select %and3A_481, %get3A_484, %broadcast_in_dim3A_489 : vector<16xi1>, vector<16xf32>
        %add3A_491 = arith.addf %while3A_472, %select_n3A_490 : vector<16xf32>
        %jit3A_492 = arith.constant 0.000000e+00 : f32
        %broadcast_in_dim3A_493 = vector.broadcast %jit3A_492 : f32 to vector<16xf32>
        %select_n3A_494 = arith.select %and3A_481, %get3A_487, %broadcast_in_dim3A_493 : vector<16xi1>, vector<16xf32>
        %add3A_495 = arith.addf %while3A_473, %select_n3A_494 : vector<16xf32>
        scf.yield %add3A_491, %add3A_495 : vector<16xf32>, vector<16xf32>
      }
      %while3A_457 = arith.constant 1 : i32
      %while3A_458:2 = scf.for %while3A_471 = %while3A_454 to %while3A_450 step %while3A_457 iter_args(%while3A_472 = %while3A_456#0, %while3A_473 = %while3A_456#1) -> (vector<16xf32>, vector<16xf32>)  : i32 {
        %mul3A_474 = arith.constant 16 : i32
        %mul3A_475 = arith.muli %while3A_471, %mul3A_474 : i32
        %add3A_476 = arith.addi %mul3A_2, %mul3A_475 : i32
        %add3A_477 = vector.broadcast %add3A_476 : i32 to vector<16xi32>
        %add3A_478 = arith.addi %add3A_477, %iota3A : vector<16xi32>
        %ge3A = vector.broadcast %max3A_297 : i32 to vector<16xi32>
        %ge3A_479 = arith.cmpi sge, %add3A_478, %ge3A : vector<16xi32>
        %lt3A = vector.broadcast %min3A_302 : i32 to vector<16xi32>
        %lt3A_480 = arith.cmpi slt, %add3A_478, %lt3A : vector<16xi32>
        %and3A_481 = arith.andi %ge3A_479, %lt3A_480 : vector<16xi1>
        %get3A_482 = arith.index_cast %mul3A_475 : i32 to index
        %get3A_483 = tpu.vector_load %arg5[%get3A_482] {strides = array<i32>} : memref<1024xf32, #tpu.memory_space<vmem>>, vector<16xf32>,
        %get3A_484 = vector.shape_cast %get3A_483 : vector<16xf32> to vector<16xf32>
        %get3A_485 = arith.index_cast %mul3A_475 : i32 to index
        %get3A_486 = tpu.vector_load %arg6[%get3A_485] {strides = array<i32>} : memref<1024xf32, #tpu.memory_space<vmem>>, vector<16xf32>,
        %get3A_487 = vector.shape_cast %get3A_486 : vector<16xf32> to vector<16xf32>
        %jit3A_488 = arith.constant 0.000000e+00 : f32
        %broadcast_in_dim3A_489 = vector.broadcast %jit3A_488 : f32 to vector<16xf32>
        %select_n3A_490 = arith.select %and3A_481, %get3A_484, %broadcast_in_dim3A_489 : vector<16xi1>, vector<16xf32>
        %add3A_491 = arith.addf %while3A_472, %select_n3A_490 : vector<16xf32>
        %jit3A_492 = arith.constant 0.000000e+00 : f32
        %broadcast_in_dim3A_493 = vector.broadcast %jit3A_492 : f32 to vector<16xf32>
        %select_n3A_494 = arith.select %and3A_481, %get3A_487, %broadcast_in_dim3A_493 : vector<16xi1>, vector<16xf32>
        %add3A_495 = arith.addf %while3A_473, %select_n3A_494 : vector<16xf32>
        scf.yield %add3A_491, %add3A_495 : vector<16xf32>, vector<16xf32>
      }
      %swap3A_459 = arith.constant 7 : i32
      %swap3A_460 = arith.index_cast %swap3A_459 : i32 to index
      %swap3A_461 = arith.constant 0 : index
      %swap3A_462 = tpu.vector_load %arg7[%swap3A_460, %swap3A_461] {strides = array<i32>} : memref<16x16xf32, #tpu.memory_space<vmem>>, vector<1x16xf32>,
      %swap3A_463 = vector.shape_cast %swap3A_462 : vector<1x16xf32> to vector<16xf32>
      %swap3A_464 = vector.shape_cast %while3A_458#0 : vector<16xf32> to vector<1x16xf32>
      tpu.vector_store %arg7[%swap3A_460, %swap3A_461], %swap3A_464 {strides = array<i32>} : memref<16x16xf32, #tpu.memory_space<vmem>>, vector<1x16xf32>,
      %swap3A_465 = arith.constant 7 : i32
      %swap3A_466 = arith.index_cast %swap3A_465 : i32 to index
      %swap3A_467 = arith.constant 0 : index
      %swap3A_468 = tpu.vector_load %arg8[%swap3A_466, %swap3A_467] {strides = array<i32>} : memref<16x16xf32, #tpu.memory_space<vmem>>, vector<1x16xf32>,
      %swap3A_469 = vector.shape_cast %swap3A_468 : vector<1x16xf32> to vector<16xf32>
      %swap3A_470 = vector.shape_cast %while3A_458#1 : vector<16xf32> to vector<1x16xf32>
      tpu.vector_store %arg8[%swap3A_466, %swap3A_467], %swap3A_470 {strides = array<i32>} : memref<16x16xf32, #tpu.memory_space<vmem>>, vector<1x16xf32>,
    } else {
    }
    %slice3A_307 = vector.extract_strided_slice %get3A_214 {offsets = [8], sizes = [1], strides = [1]} : vector<16xi32> to vector<1xi32>
    %squeeze3A_308 = vector.extract %slice3A_307[0] : i32 from vector<1xi32>
    %max3A_309 = arith.maxsi %mul3A_2, %squeeze3A_308 : i32
    %add3A_310 = arith.constant 1024 : i32
    %add3A_311 = arith.addi %mul3A_2, %add3A_310 : i32
    %slice3A_312 = vector.extract_strided_slice %get3A_217 {offsets = [8], sizes = [1], strides = [1]} : vector<16xi32> to vector<1xi32>
    %squeeze3A_313 = vector.extract %slice3A_312[0] : i32 from vector<1xi32>
    %min3A_314 = arith.minsi %add3A_311, %squeeze3A_313 : i32
    %gt3A_315 = arith.cmpi sgt, %min3A_314, %max3A_309 : i32
    %convert_element_type3A_316 = arith.extui %gt3A_315 : i1 to i32
    %cond3A_317 = arith.constant 0 : i32
    %cond3A_318 = arith.cmpi ne, %convert_element_type3A_316, %cond3A_317 : i32
    scf.if %cond3A_318 {
      %sub3A = arith.subi %max3A_309, %mul3A_2 : i32
      %jit3A = arith.constant 16 : i32
      %div3A = arith.divsi %sub3A, %jit3A : i32
      %sign3A = arith.constant 0 : i32
      %sign3A_404 = arith.cmpi sgt, %sub3A, %sign3A : i32
      %sign3A_405 = arith.extui %sign3A_404 : i1 to i32
      %sign3A_406 = arith.constant 0 : i32
      %sign3A_407 = arith.cmpi slt, %sub3A, %sign3A_406 : i32
      %sign3A_408 = arith.extui %sign3A_407 : i1 to i32
      %sign3A_409 = arith.subi %sign3A_405, %sign3A_408 : i32
      %sign3A_410 = arith.constant 0 : i32
      %sign3A_411 = arith.cmpi sgt, %jit3A, %sign3A_410 : i32
      %sign3A_412 = arith.extui %sign3A_411 : i1 to i32
      %sign3A_413 = arith.constant 0 : i32
      %sign3A_414 = arith.cmpi slt, %jit3A, %sign3A_413 : i32
      %sign3A_415 = arith.extui %sign3A_414 : i1 to i32
      %sign3A_416 = arith.subi %sign3A_412, %sign3A_415 : i32
      %ne3A = arith.cmpi ne, %sign3A_409, %sign3A_416 : i32
      %rem3A = arith.remsi %sub3A, %jit3A : i32
      %ne3A_417 = arith.constant 0 : i32
      %ne3A_418 = arith.cmpi ne, %rem3A, %ne3A_417 : i32
      %and3A = arith.andi %ne3A, %ne3A_418 : i1
      %sub3A_419 = arith.constant 1 : i32
      %sub3A_420 = arith.subi %div3A, %sub3A_419 : i32
      %select_n3A = arith.select %and3A, %sub3A_420, %div3A : i32
      %sub3A_421 = arith.subi %min3A_314, %mul3A_2 : i32
      %add3A_422 = arith.constant 16 : i32
      %add3A_423 = arith.addi %sub3A_421, %add3A_422 : i32
      %sub3A_424 = arith.constant 1 : i32
      %sub3A_425 = arith.subi %add3A_423, %sub3A_424 : i32
      %jit3A_426 = arith.constant 16 : i32
      %div3A_427 = arith.divsi %sub3A_425, %jit3A_426 : i32
      %sign3A_428 = arith.constant 0 : i32
      %sign3A_429 = arith.cmpi sgt, %sub3A_425, %sign3A_428 : i32
      %sign3A_430 = arith.extui %sign3A_429 : i1 to i32
      %sign3A_431 = arith.constant 0 : i32
      %sign3A_432 = arith.cmpi slt, %sub3A_425, %sign3A_431 : i32
      %sign3A_433 = arith.extui %sign3A_432 : i1 to i32
      %sign3A_434 = arith.subi %sign3A_430, %sign3A_433 : i32
      %sign3A_435 = arith.constant 0 : i32
      %sign3A_436 = arith.cmpi sgt, %jit3A_426, %sign3A_435 : i32
      %sign3A_437 = arith.extui %sign3A_436 : i1 to i32
      %sign3A_438 = arith.constant 0 : i32
      %sign3A_439 = arith.cmpi slt, %jit3A_426, %sign3A_438 : i32
      %sign3A_440 = arith.extui %sign3A_439 : i1 to i32
      %sign3A_441 = arith.subi %sign3A_437, %sign3A_440 : i32
      %ne3A_442 = arith.cmpi ne, %sign3A_434, %sign3A_441 : i32
      %rem3A_443 = arith.remsi %sub3A_425, %jit3A_426 : i32
      %ne3A_444 = arith.constant 0 : i32
      %ne3A_445 = arith.cmpi ne, %rem3A_443, %ne3A_444 : i32
      %and3A_446 = arith.andi %ne3A_442, %ne3A_445 : i1
      %sub3A_447 = arith.constant 1 : i32
      %sub3A_448 = arith.subi %div3A_427, %sub3A_447 : i32
      %select_n3A_449 = arith.select %and3A_446, %sub3A_448, %div3A_427 : i32
      %while3A = arith.subi %select_n3A_449, %select_n3A : i32
      %while3A_450 = arith.addi %select_n3A, %while3A : i32
      %while3A_451 = arith.constant 1 : i32
      %while3A_452 = arith.divsi %while3A, %while3A_451 : i32
      %while3A_453 = arith.muli %while3A_452, %while3A_451 : i32
      %while3A_454 = arith.addi %select_n3A, %while3A_453 : i32
      %while3A_455 = arith.constant 1 : i32
      %while3A_456:2 = scf.for %while3A_471 = %select_n3A to %while3A_454 step %while3A_455 iter_args(%while3A_472 = %broadcast_in_dim3A_12, %while3A_473 = %broadcast_in_dim3A_12) -> (vector<16xf32>, vector<16xf32>)  : i32 {
        %mul3A_474 = arith.constant 16 : i32
        %mul3A_475 = arith.muli %while3A_471, %mul3A_474 : i32
        %add3A_476 = arith.addi %mul3A_2, %mul3A_475 : i32
        %add3A_477 = vector.broadcast %add3A_476 : i32 to vector<16xi32>
        %add3A_478 = arith.addi %add3A_477, %iota3A : vector<16xi32>
        %ge3A = vector.broadcast %max3A_309 : i32 to vector<16xi32>
        %ge3A_479 = arith.cmpi sge, %add3A_478, %ge3A : vector<16xi32>
        %lt3A = vector.broadcast %min3A_314 : i32 to vector<16xi32>
        %lt3A_480 = arith.cmpi slt, %add3A_478, %lt3A : vector<16xi32>
        %and3A_481 = arith.andi %ge3A_479, %lt3A_480 : vector<16xi1>
        %get3A_482 = arith.index_cast %mul3A_475 : i32 to index
        %get3A_483 = tpu.vector_load %arg5[%get3A_482] {strides = array<i32>} : memref<1024xf32, #tpu.memory_space<vmem>>, vector<16xf32>,
        %get3A_484 = vector.shape_cast %get3A_483 : vector<16xf32> to vector<16xf32>
        %get3A_485 = arith.index_cast %mul3A_475 : i32 to index
        %get3A_486 = tpu.vector_load %arg6[%get3A_485] {strides = array<i32>} : memref<1024xf32, #tpu.memory_space<vmem>>, vector<16xf32>,
        %get3A_487 = vector.shape_cast %get3A_486 : vector<16xf32> to vector<16xf32>
        %jit3A_488 = arith.constant 0.000000e+00 : f32
        %broadcast_in_dim3A_489 = vector.broadcast %jit3A_488 : f32 to vector<16xf32>
        %select_n3A_490 = arith.select %and3A_481, %get3A_484, %broadcast_in_dim3A_489 : vector<16xi1>, vector<16xf32>
        %add3A_491 = arith.addf %while3A_472, %select_n3A_490 : vector<16xf32>
        %jit3A_492 = arith.constant 0.000000e+00 : f32
        %broadcast_in_dim3A_493 = vector.broadcast %jit3A_492 : f32 to vector<16xf32>
        %select_n3A_494 = arith.select %and3A_481, %get3A_487, %broadcast_in_dim3A_493 : vector<16xi1>, vector<16xf32>
        %add3A_495 = arith.addf %while3A_473, %select_n3A_494 : vector<16xf32>
        scf.yield %add3A_491, %add3A_495 : vector<16xf32>, vector<16xf32>
      }
      %while3A_457 = arith.constant 1 : i32
      %while3A_458:2 = scf.for %while3A_471 = %while3A_454 to %while3A_450 step %while3A_457 iter_args(%while3A_472 = %while3A_456#0, %while3A_473 = %while3A_456#1) -> (vector<16xf32>, vector<16xf32>)  : i32 {
        %mul3A_474 = arith.constant 16 : i32
        %mul3A_475 = arith.muli %while3A_471, %mul3A_474 : i32
        %add3A_476 = arith.addi %mul3A_2, %mul3A_475 : i32
        %add3A_477 = vector.broadcast %add3A_476 : i32 to vector<16xi32>
        %add3A_478 = arith.addi %add3A_477, %iota3A : vector<16xi32>
        %ge3A = vector.broadcast %max3A_309 : i32 to vector<16xi32>
        %ge3A_479 = arith.cmpi sge, %add3A_478, %ge3A : vector<16xi32>
        %lt3A = vector.broadcast %min3A_314 : i32 to vector<16xi32>
        %lt3A_480 = arith.cmpi slt, %add3A_478, %lt3A : vector<16xi32>
        %and3A_481 = arith.andi %ge3A_479, %lt3A_480 : vector<16xi1>
        %get3A_482 = arith.index_cast %mul3A_475 : i32 to index
        %get3A_483 = tpu.vector_load %arg5[%get3A_482] {strides = array<i32>} : memref<1024xf32, #tpu.memory_space<vmem>>, vector<16xf32>,
        %get3A_484 = vector.shape_cast %get3A_483 : vector<16xf32> to vector<16xf32>
        %get3A_485 = arith.index_cast %mul3A_475 : i32 to index
        %get3A_486 = tpu.vector_load %arg6[%get3A_485] {strides = array<i32>} : memref<1024xf32, #tpu.memory_space<vmem>>, vector<16xf32>,
        %get3A_487 = vector.shape_cast %get3A_486 : vector<16xf32> to vector<16xf32>
        %jit3A_488 = arith.constant 0.000000e+00 : f32
        %broadcast_in_dim3A_489 = vector.broadcast %jit3A_488 : f32 to vector<16xf32>
        %select_n3A_490 = arith.select %and3A_481, %get3A_484, %broadcast_in_dim3A_489 : vector<16xi1>, vector<16xf32>
        %add3A_491 = arith.addf %while3A_472, %select_n3A_490 : vector<16xf32>
        %jit3A_492 = arith.constant 0.000000e+00 : f32
        %broadcast_in_dim3A_493 = vector.broadcast %jit3A_492 : f32 to vector<16xf32>
        %select_n3A_494 = arith.select %and3A_481, %get3A_487, %broadcast_in_dim3A_493 : vector<16xi1>, vector<16xf32>
        %add3A_495 = arith.addf %while3A_473, %select_n3A_494 : vector<16xf32>
        scf.yield %add3A_491, %add3A_495 : vector<16xf32>, vector<16xf32>
      }
      %swap3A_459 = arith.constant 8 : i32
      %swap3A_460 = arith.index_cast %swap3A_459 : i32 to index
      %swap3A_461 = arith.constant 0 : index
      %swap3A_462 = tpu.vector_load %arg7[%swap3A_460, %swap3A_461] {strides = array<i32>} : memref<16x16xf32, #tpu.memory_space<vmem>>, vector<1x16xf32>,
      %swap3A_463 = vector.shape_cast %swap3A_462 : vector<1x16xf32> to vector<16xf32>
      %swap3A_464 = vector.shape_cast %while3A_458#0 : vector<16xf32> to vector<1x16xf32>
      tpu.vector_store %arg7[%swap3A_460, %swap3A_461], %swap3A_464 {strides = array<i32>} : memref<16x16xf32, #tpu.memory_space<vmem>>, vector<1x16xf32>,
      %swap3A_465 = arith.constant 8 : i32
      %swap3A_466 = arith.index_cast %swap3A_465 : i32 to index
      %swap3A_467 = arith.constant 0 : index
      %swap3A_468 = tpu.vector_load %arg8[%swap3A_466, %swap3A_467] {strides = array<i32>} : memref<16x16xf32, #tpu.memory_space<vmem>>, vector<1x16xf32>,
      %swap3A_469 = vector.shape_cast %swap3A_468 : vector<1x16xf32> to vector<16xf32>
      %swap3A_470 = vector.shape_cast %while3A_458#1 : vector<16xf32> to vector<1x16xf32>
      tpu.vector_store %arg8[%swap3A_466, %swap3A_467], %swap3A_470 {strides = array<i32>} : memref<16x16xf32, #tpu.memory_space<vmem>>, vector<1x16xf32>,
    } else {
    }
    %slice3A_319 = vector.extract_strided_slice %get3A_214 {offsets = [9], sizes = [1], strides = [1]} : vector<16xi32> to vector<1xi32>
    %squeeze3A_320 = vector.extract %slice3A_319[0] : i32 from vector<1xi32>
    %max3A_321 = arith.maxsi %mul3A_2, %squeeze3A_320 : i32
    %add3A_322 = arith.constant 1024 : i32
    %add3A_323 = arith.addi %mul3A_2, %add3A_322 : i32
    %slice3A_324 = vector.extract_strided_slice %get3A_217 {offsets = [9], sizes = [1], strides = [1]} : vector<16xi32> to vector<1xi32>
    %squeeze3A_325 = vector.extract %slice3A_324[0] : i32 from vector<1xi32>
    %min3A_326 = arith.minsi %add3A_323, %squeeze3A_325 : i32
    %gt3A_327 = arith.cmpi sgt, %min3A_326, %max3A_321 : i32
    %convert_element_type3A_328 = arith.extui %gt3A_327 : i1 to i32
    %cond3A_329 = arith.constant 0 : i32
    %cond3A_330 = arith.cmpi ne, %convert_element_type3A_328, %cond3A_329 : i32
    scf.if %cond3A_330 {
      %sub3A = arith.subi %max3A_321, %mul3A_2 : i32
      %jit3A = arith.constant 16 : i32
      %div3A = arith.divsi %sub3A, %jit3A : i32
      %sign3A = arith.constant 0 : i32
      %sign3A_404 = arith.cmpi sgt, %sub3A, %sign3A : i32
      %sign3A_405 = arith.extui %sign3A_404 : i1 to i32
      %sign3A_406 = arith.constant 0 : i32
      %sign3A_407 = arith.cmpi slt, %sub3A, %sign3A_406 : i32
      %sign3A_408 = arith.extui %sign3A_407 : i1 to i32
      %sign3A_409 = arith.subi %sign3A_405, %sign3A_408 : i32
      %sign3A_410 = arith.constant 0 : i32
      %sign3A_411 = arith.cmpi sgt, %jit3A, %sign3A_410 : i32
      %sign3A_412 = arith.extui %sign3A_411 : i1 to i32
      %sign3A_413 = arith.constant 0 : i32
      %sign3A_414 = arith.cmpi slt, %jit3A, %sign3A_413 : i32
      %sign3A_415 = arith.extui %sign3A_414 : i1 to i32
      %sign3A_416 = arith.subi %sign3A_412, %sign3A_415 : i32
      %ne3A = arith.cmpi ne, %sign3A_409, %sign3A_416 : i32
      %rem3A = arith.remsi %sub3A, %jit3A : i32
      %ne3A_417 = arith.constant 0 : i32
      %ne3A_418 = arith.cmpi ne, %rem3A, %ne3A_417 : i32
      %and3A = arith.andi %ne3A, %ne3A_418 : i1
      %sub3A_419 = arith.constant 1 : i32
      %sub3A_420 = arith.subi %div3A, %sub3A_419 : i32
      %select_n3A = arith.select %and3A, %sub3A_420, %div3A : i32
      %sub3A_421 = arith.subi %min3A_326, %mul3A_2 : i32
      %add3A_422 = arith.constant 16 : i32
      %add3A_423 = arith.addi %sub3A_421, %add3A_422 : i32
      %sub3A_424 = arith.constant 1 : i32
      %sub3A_425 = arith.subi %add3A_423, %sub3A_424 : i32
      %jit3A_426 = arith.constant 16 : i32
      %div3A_427 = arith.divsi %sub3A_425, %jit3A_426 : i32
      %sign3A_428 = arith.constant 0 : i32
      %sign3A_429 = arith.cmpi sgt, %sub3A_425, %sign3A_428 : i32
      %sign3A_430 = arith.extui %sign3A_429 : i1 to i32
      %sign3A_431 = arith.constant 0 : i32
      %sign3A_432 = arith.cmpi slt, %sub3A_425, %sign3A_431 : i32
      %sign3A_433 = arith.extui %sign3A_432 : i1 to i32
      %sign3A_434 = arith.subi %sign3A_430, %sign3A_433 : i32
      %sign3A_435 = arith.constant 0 : i32
      %sign3A_436 = arith.cmpi sgt, %jit3A_426, %sign3A_435 : i32
      %sign3A_437 = arith.extui %sign3A_436 : i1 to i32
      %sign3A_438 = arith.constant 0 : i32
      %sign3A_439 = arith.cmpi slt, %jit3A_426, %sign3A_438 : i32
      %sign3A_440 = arith.extui %sign3A_439 : i1 to i32
      %sign3A_441 = arith.subi %sign3A_437, %sign3A_440 : i32
      %ne3A_442 = arith.cmpi ne, %sign3A_434, %sign3A_441 : i32
      %rem3A_443 = arith.remsi %sub3A_425, %jit3A_426 : i32
      %ne3A_444 = arith.constant 0 : i32
      %ne3A_445 = arith.cmpi ne, %rem3A_443, %ne3A_444 : i32
      %and3A_446 = arith.andi %ne3A_442, %ne3A_445 : i1
      %sub3A_447 = arith.constant 1 : i32
      %sub3A_448 = arith.subi %div3A_427, %sub3A_447 : i32
      %select_n3A_449 = arith.select %and3A_446, %sub3A_448, %div3A_427 : i32
      %while3A = arith.subi %select_n3A_449, %select_n3A : i32
      %while3A_450 = arith.addi %select_n3A, %while3A : i32
      %while3A_451 = arith.constant 1 : i32
      %while3A_452 = arith.divsi %while3A, %while3A_451 : i32
      %while3A_453 = arith.muli %while3A_452, %while3A_451 : i32
      %while3A_454 = arith.addi %select_n3A, %while3A_453 : i32
      %while3A_455 = arith.constant 1 : i32
      %while3A_456:2 = scf.for %while3A_471 = %select_n3A to %while3A_454 step %while3A_455 iter_args(%while3A_472 = %broadcast_in_dim3A_12, %while3A_473 = %broadcast_in_dim3A_12) -> (vector<16xf32>, vector<16xf32>)  : i32 {
        %mul3A_474 = arith.constant 16 : i32
        %mul3A_475 = arith.muli %while3A_471, %mul3A_474 : i32
        %add3A_476 = arith.addi %mul3A_2, %mul3A_475 : i32
        %add3A_477 = vector.broadcast %add3A_476 : i32 to vector<16xi32>
        %add3A_478 = arith.addi %add3A_477, %iota3A : vector<16xi32>
        %ge3A = vector.broadcast %max3A_321 : i32 to vector<16xi32>
        %ge3A_479 = arith.cmpi sge, %add3A_478, %ge3A : vector<16xi32>
        %lt3A = vector.broadcast %min3A_326 : i32 to vector<16xi32>
        %lt3A_480 = arith.cmpi slt, %add3A_478, %lt3A : vector<16xi32>
        %and3A_481 = arith.andi %ge3A_479, %lt3A_480 : vector<16xi1>
        %get3A_482 = arith.index_cast %mul3A_475 : i32 to index
        %get3A_483 = tpu.vector_load %arg5[%get3A_482] {strides = array<i32>} : memref<1024xf32, #tpu.memory_space<vmem>>, vector<16xf32>,
        %get3A_484 = vector.shape_cast %get3A_483 : vector<16xf32> to vector<16xf32>
        %get3A_485 = arith.index_cast %mul3A_475 : i32 to index
        %get3A_486 = tpu.vector_load %arg6[%get3A_485] {strides = array<i32>} : memref<1024xf32, #tpu.memory_space<vmem>>, vector<16xf32>,
        %get3A_487 = vector.shape_cast %get3A_486 : vector<16xf32> to vector<16xf32>
        %jit3A_488 = arith.constant 0.000000e+00 : f32
        %broadcast_in_dim3A_489 = vector.broadcast %jit3A_488 : f32 to vector<16xf32>
        %select_n3A_490 = arith.select %and3A_481, %get3A_484, %broadcast_in_dim3A_489 : vector<16xi1>, vector<16xf32>
        %add3A_491 = arith.addf %while3A_472, %select_n3A_490 : vector<16xf32>
        %jit3A_492 = arith.constant 0.000000e+00 : f32
        %broadcast_in_dim3A_493 = vector.broadcast %jit3A_492 : f32 to vector<16xf32>
        %select_n3A_494 = arith.select %and3A_481, %get3A_487, %broadcast_in_dim3A_493 : vector<16xi1>, vector<16xf32>
        %add3A_495 = arith.addf %while3A_473, %select_n3A_494 : vector<16xf32>
        scf.yield %add3A_491, %add3A_495 : vector<16xf32>, vector<16xf32>
      }
      %while3A_457 = arith.constant 1 : i32
      %while3A_458:2 = scf.for %while3A_471 = %while3A_454 to %while3A_450 step %while3A_457 iter_args(%while3A_472 = %while3A_456#0, %while3A_473 = %while3A_456#1) -> (vector<16xf32>, vector<16xf32>)  : i32 {
        %mul3A_474 = arith.constant 16 : i32
        %mul3A_475 = arith.muli %while3A_471, %mul3A_474 : i32
        %add3A_476 = arith.addi %mul3A_2, %mul3A_475 : i32
        %add3A_477 = vector.broadcast %add3A_476 : i32 to vector<16xi32>
        %add3A_478 = arith.addi %add3A_477, %iota3A : vector<16xi32>
        %ge3A = vector.broadcast %max3A_321 : i32 to vector<16xi32>
        %ge3A_479 = arith.cmpi sge, %add3A_478, %ge3A : vector<16xi32>
        %lt3A = vector.broadcast %min3A_326 : i32 to vector<16xi32>
        %lt3A_480 = arith.cmpi slt, %add3A_478, %lt3A : vector<16xi32>
        %and3A_481 = arith.andi %ge3A_479, %lt3A_480 : vector<16xi1>
        %get3A_482 = arith.index_cast %mul3A_475 : i32 to index
        %get3A_483 = tpu.vector_load %arg5[%get3A_482] {strides = array<i32>} : memref<1024xf32, #tpu.memory_space<vmem>>, vector<16xf32>,
        %get3A_484 = vector.shape_cast %get3A_483 : vector<16xf32> to vector<16xf32>
        %get3A_485 = arith.index_cast %mul3A_475 : i32 to index
        %get3A_486 = tpu.vector_load %arg6[%get3A_485] {strides = array<i32>} : memref<1024xf32, #tpu.memory_space<vmem>>, vector<16xf32>,
        %get3A_487 = vector.shape_cast %get3A_486 : vector<16xf32> to vector<16xf32>
        %jit3A_488 = arith.constant 0.000000e+00 : f32
        %broadcast_in_dim3A_489 = vector.broadcast %jit3A_488 : f32 to vector<16xf32>
        %select_n3A_490 = arith.select %and3A_481, %get3A_484, %broadcast_in_dim3A_489 : vector<16xi1>, vector<16xf32>
        %add3A_491 = arith.addf %while3A_472, %select_n3A_490 : vector<16xf32>
        %jit3A_492 = arith.constant 0.000000e+00 : f32
        %broadcast_in_dim3A_493 = vector.broadcast %jit3A_492 : f32 to vector<16xf32>
        %select_n3A_494 = arith.select %and3A_481, %get3A_487, %broadcast_in_dim3A_493 : vector<16xi1>, vector<16xf32>
        %add3A_495 = arith.addf %while3A_473, %select_n3A_494 : vector<16xf32>
        scf.yield %add3A_491, %add3A_495 : vector<16xf32>, vector<16xf32>
      }
      %swap3A_459 = arith.constant 9 : i32
      %swap3A_460 = arith.index_cast %swap3A_459 : i32 to index
      %swap3A_461 = arith.constant 0 : index
      %swap3A_462 = tpu.vector_load %arg7[%swap3A_460, %swap3A_461] {strides = array<i32>} : memref<16x16xf32, #tpu.memory_space<vmem>>, vector<1x16xf32>,
      %swap3A_463 = vector.shape_cast %swap3A_462 : vector<1x16xf32> to vector<16xf32>
      %swap3A_464 = vector.shape_cast %while3A_458#0 : vector<16xf32> to vector<1x16xf32>
      tpu.vector_store %arg7[%swap3A_460, %swap3A_461], %swap3A_464 {strides = array<i32>} : memref<16x16xf32, #tpu.memory_space<vmem>>, vector<1x16xf32>,
      %swap3A_465 = arith.constant 9 : i32
      %swap3A_466 = arith.index_cast %swap3A_465 : i32 to index
      %swap3A_467 = arith.constant 0 : index
      %swap3A_468 = tpu.vector_load %arg8[%swap3A_466, %swap3A_467] {strides = array<i32>} : memref<16x16xf32, #tpu.memory_space<vmem>>, vector<1x16xf32>,
      %swap3A_469 = vector.shape_cast %swap3A_468 : vector<1x16xf32> to vector<16xf32>
      %swap3A_470 = vector.shape_cast %while3A_458#1 : vector<16xf32> to vector<1x16xf32>
      tpu.vector_store %arg8[%swap3A_466, %swap3A_467], %swap3A_470 {strides = array<i32>} : memref<16x16xf32, #tpu.memory_space<vmem>>, vector<1x16xf32>,
    } else {
    }
    %slice3A_331 = vector.extract_strided_slice %get3A_214 {offsets = [10], sizes = [1], strides = [1]} : vector<16xi32> to vector<1xi32>
    %squeeze3A_332 = vector.extract %slice3A_331[0] : i32 from vector<1xi32>
    %max3A_333 = arith.maxsi %mul3A_2, %squeeze3A_332 : i32
    %add3A_334 = arith.constant 1024 : i32
    %add3A_335 = arith.addi %mul3A_2, %add3A_334 : i32
    %slice3A_336 = vector.extract_strided_slice %get3A_217 {offsets = [10], sizes = [1], strides = [1]} : vector<16xi32> to vector<1xi32>
    %squeeze3A_337 = vector.extract %slice3A_336[0] : i32 from vector<1xi32>
    %min3A_338 = arith.minsi %add3A_335, %squeeze3A_337 : i32
    %gt3A_339 = arith.cmpi sgt, %min3A_338, %max3A_333 : i32
    %convert_element_type3A_340 = arith.extui %gt3A_339 : i1 to i32
    %cond3A_341 = arith.constant 0 : i32
    %cond3A_342 = arith.cmpi ne, %convert_element_type3A_340, %cond3A_341 : i32
    scf.if %cond3A_342 {
      %sub3A = arith.subi %max3A_333, %mul3A_2 : i32
      %jit3A = arith.constant 16 : i32
      %div3A = arith.divsi %sub3A, %jit3A : i32
      %sign3A = arith.constant 0 : i32
      %sign3A_404 = arith.cmpi sgt, %sub3A, %sign3A : i32
      %sign3A_405 = arith.extui %sign3A_404 : i1 to i32
      %sign3A_406 = arith.constant 0 : i32
      %sign3A_407 = arith.cmpi slt, %sub3A, %sign3A_406 : i32
      %sign3A_408 = arith.extui %sign3A_407 : i1 to i32
      %sign3A_409 = arith.subi %sign3A_405, %sign3A_408 : i32
      %sign3A_410 = arith.constant 0 : i32
      %sign3A_411 = arith.cmpi sgt, %jit3A, %sign3A_410 : i32
      %sign3A_412 = arith.extui %sign3A_411 : i1 to i32
      %sign3A_413 = arith.constant 0 : i32
      %sign3A_414 = arith.cmpi slt, %jit3A, %sign3A_413 : i32
      %sign3A_415 = arith.extui %sign3A_414 : i1 to i32
      %sign3A_416 = arith.subi %sign3A_412, %sign3A_415 : i32
      %ne3A = arith.cmpi ne, %sign3A_409, %sign3A_416 : i32
      %rem3A = arith.remsi %sub3A, %jit3A : i32
      %ne3A_417 = arith.constant 0 : i32
      %ne3A_418 = arith.cmpi ne, %rem3A, %ne3A_417 : i32
      %and3A = arith.andi %ne3A, %ne3A_418 : i1
      %sub3A_419 = arith.constant 1 : i32
      %sub3A_420 = arith.subi %div3A, %sub3A_419 : i32
      %select_n3A = arith.select %and3A, %sub3A_420, %div3A : i32
      %sub3A_421 = arith.subi %min3A_338, %mul3A_2 : i32
      %add3A_422 = arith.constant 16 : i32
      %add3A_423 = arith.addi %sub3A_421, %add3A_422 : i32
      %sub3A_424 = arith.constant 1 : i32
      %sub3A_425 = arith.subi %add3A_423, %sub3A_424 : i32
      %jit3A_426 = arith.constant 16 : i32
      %div3A_427 = arith.divsi %sub3A_425, %jit3A_426 : i32
      %sign3A_428 = arith.constant 0 : i32
      %sign3A_429 = arith.cmpi sgt, %sub3A_425, %sign3A_428 : i32
      %sign3A_430 = arith.extui %sign3A_429 : i1 to i32
      %sign3A_431 = arith.constant 0 : i32
      %sign3A_432 = arith.cmpi slt, %sub3A_425, %sign3A_431 : i32
      %sign3A_433 = arith.extui %sign3A_432 : i1 to i32
      %sign3A_434 = arith.subi %sign3A_430, %sign3A_433 : i32
      %sign3A_435 = arith.constant 0 : i32
      %sign3A_436 = arith.cmpi sgt, %jit3A_426, %sign3A_435 : i32
      %sign3A_437 = arith.extui %sign3A_436 : i1 to i32
      %sign3A_438 = arith.constant 0 : i32
      %sign3A_439 = arith.cmpi slt, %jit3A_426, %sign3A_438 : i32
      %sign3A_440 = arith.extui %sign3A_439 : i1 to i32
      %sign3A_441 = arith.subi %sign3A_437, %sign3A_440 : i32
      %ne3A_442 = arith.cmpi ne, %sign3A_434, %sign3A_441 : i32
      %rem3A_443 = arith.remsi %sub3A_425, %jit3A_426 : i32
      %ne3A_444 = arith.constant 0 : i32
      %ne3A_445 = arith.cmpi ne, %rem3A_443, %ne3A_444 : i32
      %and3A_446 = arith.andi %ne3A_442, %ne3A_445 : i1
      %sub3A_447 = arith.constant 1 : i32
      %sub3A_448 = arith.subi %div3A_427, %sub3A_447 : i32
      %select_n3A_449 = arith.select %and3A_446, %sub3A_448, %div3A_427 : i32
      %while3A = arith.subi %select_n3A_449, %select_n3A : i32
      %while3A_450 = arith.addi %select_n3A, %while3A : i32
      %while3A_451 = arith.constant 1 : i32
      %while3A_452 = arith.divsi %while3A, %while3A_451 : i32
      %while3A_453 = arith.muli %while3A_452, %while3A_451 : i32
      %while3A_454 = arith.addi %select_n3A, %while3A_453 : i32
      %while3A_455 = arith.constant 1 : i32
      %while3A_456:2 = scf.for %while3A_471 = %select_n3A to %while3A_454 step %while3A_455 iter_args(%while3A_472 = %broadcast_in_dim3A_12, %while3A_473 = %broadcast_in_dim3A_12) -> (vector<16xf32>, vector<16xf32>)  : i32 {
        %mul3A_474 = arith.constant 16 : i32
        %mul3A_475 = arith.muli %while3A_471, %mul3A_474 : i32
        %add3A_476 = arith.addi %mul3A_2, %mul3A_475 : i32
        %add3A_477 = vector.broadcast %add3A_476 : i32 to vector<16xi32>
        %add3A_478 = arith.addi %add3A_477, %iota3A : vector<16xi32>
        %ge3A = vector.broadcast %max3A_333 : i32 to vector<16xi32>
        %ge3A_479 = arith.cmpi sge, %add3A_478, %ge3A : vector<16xi32>
        %lt3A = vector.broadcast %min3A_338 : i32 to vector<16xi32>
        %lt3A_480 = arith.cmpi slt, %add3A_478, %lt3A : vector<16xi32>
        %and3A_481 = arith.andi %ge3A_479, %lt3A_480 : vector<16xi1>
        %get3A_482 = arith.index_cast %mul3A_475 : i32 to index
        %get3A_483 = tpu.vector_load %arg5[%get3A_482] {strides = array<i32>} : memref<1024xf32, #tpu.memory_space<vmem>>, vector<16xf32>,
        %get3A_484 = vector.shape_cast %get3A_483 : vector<16xf32> to vector<16xf32>
        %get3A_485 = arith.index_cast %mul3A_475 : i32 to index
        %get3A_486 = tpu.vector_load %arg6[%get3A_485] {strides = array<i32>} : memref<1024xf32, #tpu.memory_space<vmem>>, vector<16xf32>,
        %get3A_487 = vector.shape_cast %get3A_486 : vector<16xf32> to vector<16xf32>
        %jit3A_488 = arith.constant 0.000000e+00 : f32
        %broadcast_in_dim3A_489 = vector.broadcast %jit3A_488 : f32 to vector<16xf32>
        %select_n3A_490 = arith.select %and3A_481, %get3A_484, %broadcast_in_dim3A_489 : vector<16xi1>, vector<16xf32>
        %add3A_491 = arith.addf %while3A_472, %select_n3A_490 : vector<16xf32>
        %jit3A_492 = arith.constant 0.000000e+00 : f32
        %broadcast_in_dim3A_493 = vector.broadcast %jit3A_492 : f32 to vector<16xf32>
        %select_n3A_494 = arith.select %and3A_481, %get3A_487, %broadcast_in_dim3A_493 : vector<16xi1>, vector<16xf32>
        %add3A_495 = arith.addf %while3A_473, %select_n3A_494 : vector<16xf32>
        scf.yield %add3A_491, %add3A_495 : vector<16xf32>, vector<16xf32>
      }
      %while3A_457 = arith.constant 1 : i32
      %while3A_458:2 = scf.for %while3A_471 = %while3A_454 to %while3A_450 step %while3A_457 iter_args(%while3A_472 = %while3A_456#0, %while3A_473 = %while3A_456#1) -> (vector<16xf32>, vector<16xf32>)  : i32 {
        %mul3A_474 = arith.constant 16 : i32
        %mul3A_475 = arith.muli %while3A_471, %mul3A_474 : i32
        %add3A_476 = arith.addi %mul3A_2, %mul3A_475 : i32
        %add3A_477 = vector.broadcast %add3A_476 : i32 to vector<16xi32>
        %add3A_478 = arith.addi %add3A_477, %iota3A : vector<16xi32>
        %ge3A = vector.broadcast %max3A_333 : i32 to vector<16xi32>
        %ge3A_479 = arith.cmpi sge, %add3A_478, %ge3A : vector<16xi32>
        %lt3A = vector.broadcast %min3A_338 : i32 to vector<16xi32>
        %lt3A_480 = arith.cmpi slt, %add3A_478, %lt3A : vector<16xi32>
        %and3A_481 = arith.andi %ge3A_479, %lt3A_480 : vector<16xi1>
        %get3A_482 = arith.index_cast %mul3A_475 : i32 to index
        %get3A_483 = tpu.vector_load %arg5[%get3A_482] {strides = array<i32>} : memref<1024xf32, #tpu.memory_space<vmem>>, vector<16xf32>,
        %get3A_484 = vector.shape_cast %get3A_483 : vector<16xf32> to vector<16xf32>
        %get3A_485 = arith.index_cast %mul3A_475 : i32 to index
        %get3A_486 = tpu.vector_load %arg6[%get3A_485] {strides = array<i32>} : memref<1024xf32, #tpu.memory_space<vmem>>, vector<16xf32>,
        %get3A_487 = vector.shape_cast %get3A_486 : vector<16xf32> to vector<16xf32>
        %jit3A_488 = arith.constant 0.000000e+00 : f32
        %broadcast_in_dim3A_489 = vector.broadcast %jit3A_488 : f32 to vector<16xf32>
        %select_n3A_490 = arith.select %and3A_481, %get3A_484, %broadcast_in_dim3A_489 : vector<16xi1>, vector<16xf32>
        %add3A_491 = arith.addf %while3A_472, %select_n3A_490 : vector<16xf32>
        %jit3A_492 = arith.constant 0.000000e+00 : f32
        %broadcast_in_dim3A_493 = vector.broadcast %jit3A_492 : f32 to vector<16xf32>
        %select_n3A_494 = arith.select %and3A_481, %get3A_487, %broadcast_in_dim3A_493 : vector<16xi1>, vector<16xf32>
        %add3A_495 = arith.addf %while3A_473, %select_n3A_494 : vector<16xf32>
        scf.yield %add3A_491, %add3A_495 : vector<16xf32>, vector<16xf32>
      }
      %swap3A_459 = arith.constant 10 : i32
      %swap3A_460 = arith.index_cast %swap3A_459 : i32 to index
      %swap3A_461 = arith.constant 0 : index
      %swap3A_462 = tpu.vector_load %arg7[%swap3A_460, %swap3A_461] {strides = array<i32>} : memref<16x16xf32, #tpu.memory_space<vmem>>, vector<1x16xf32>,
      %swap3A_463 = vector.shape_cast %swap3A_462 : vector<1x16xf32> to vector<16xf32>
      %swap3A_464 = vector.shape_cast %while3A_458#0 : vector<16xf32> to vector<1x16xf32>
      tpu.vector_store %arg7[%swap3A_460, %swap3A_461], %swap3A_464 {strides = array<i32>} : memref<16x16xf32, #tpu.memory_space<vmem>>, vector<1x16xf32>,
      %swap3A_465 = arith.constant 10 : i32
      %swap3A_466 = arith.index_cast %swap3A_465 : i32 to index
      %swap3A_467 = arith.constant 0 : index
      %swap3A_468 = tpu.vector_load %arg8[%swap3A_466, %swap3A_467] {strides = array<i32>} : memref<16x16xf32, #tpu.memory_space<vmem>>, vector<1x16xf32>,
      %swap3A_469 = vector.shape_cast %swap3A_468 : vector<1x16xf32> to vector<16xf32>
      %swap3A_470 = vector.shape_cast %while3A_458#1 : vector<16xf32> to vector<1x16xf32>
      tpu.vector_store %arg8[%swap3A_466, %swap3A_467], %swap3A_470 {strides = array<i32>} : memref<16x16xf32, #tpu.memory_space<vmem>>, vector<1x16xf32>,
    } else {
    }
    %slice3A_343 = vector.extract_strided_slice %get3A_214 {offsets = [11], sizes = [1], strides = [1]} : vector<16xi32> to vector<1xi32>
    %squeeze3A_344 = vector.extract %slice3A_343[0] : i32 from vector<1xi32>
    %max3A_345 = arith.maxsi %mul3A_2, %squeeze3A_344 : i32
    %add3A_346 = arith.constant 1024 : i32
    %add3A_347 = arith.addi %mul3A_2, %add3A_346 : i32
    %slice3A_348 = vector.extract_strided_slice %get3A_217 {offsets = [11], sizes = [1], strides = [1]} : vector<16xi32> to vector<1xi32>
    %squeeze3A_349 = vector.extract %slice3A_348[0] : i32 from vector<1xi32>
    %min3A_350 = arith.minsi %add3A_347, %squeeze3A_349 : i32
    %gt3A_351 = arith.cmpi sgt, %min3A_350, %max3A_345 : i32
    %convert_element_type3A_352 = arith.extui %gt3A_351 : i1 to i32
    %cond3A_353 = arith.constant 0 : i32
    %cond3A_354 = arith.cmpi ne, %convert_element_type3A_352, %cond3A_353 : i32
    scf.if %cond3A_354 {
      %sub3A = arith.subi %max3A_345, %mul3A_2 : i32
      %jit3A = arith.constant 16 : i32
      %div3A = arith.divsi %sub3A, %jit3A : i32
      %sign3A = arith.constant 0 : i32
      %sign3A_404 = arith.cmpi sgt, %sub3A, %sign3A : i32
      %sign3A_405 = arith.extui %sign3A_404 : i1 to i32
      %sign3A_406 = arith.constant 0 : i32
      %sign3A_407 = arith.cmpi slt, %sub3A, %sign3A_406 : i32
      %sign3A_408 = arith.extui %sign3A_407 : i1 to i32
      %sign3A_409 = arith.subi %sign3A_405, %sign3A_408 : i32
      %sign3A_410 = arith.constant 0 : i32
      %sign3A_411 = arith.cmpi sgt, %jit3A, %sign3A_410 : i32
      %sign3A_412 = arith.extui %sign3A_411 : i1 to i32
      %sign3A_413 = arith.constant 0 : i32
      %sign3A_414 = arith.cmpi slt, %jit3A, %sign3A_413 : i32
      %sign3A_415 = arith.extui %sign3A_414 : i1 to i32
      %sign3A_416 = arith.subi %sign3A_412, %sign3A_415 : i32
      %ne3A = arith.cmpi ne, %sign3A_409, %sign3A_416 : i32
      %rem3A = arith.remsi %sub3A, %jit3A : i32
      %ne3A_417 = arith.constant 0 : i32
      %ne3A_418 = arith.cmpi ne, %rem3A, %ne3A_417 : i32
      %and3A = arith.andi %ne3A, %ne3A_418 : i1
      %sub3A_419 = arith.constant 1 : i32
      %sub3A_420 = arith.subi %div3A, %sub3A_419 : i32
      %select_n3A = arith.select %and3A, %sub3A_420, %div3A : i32
      %sub3A_421 = arith.subi %min3A_350, %mul3A_2 : i32
      %add3A_422 = arith.constant 16 : i32
      %add3A_423 = arith.addi %sub3A_421, %add3A_422 : i32
      %sub3A_424 = arith.constant 1 : i32
      %sub3A_425 = arith.subi %add3A_423, %sub3A_424 : i32
      %jit3A_426 = arith.constant 16 : i32
      %div3A_427 = arith.divsi %sub3A_425, %jit3A_426 : i32
      %sign3A_428 = arith.constant 0 : i32
      %sign3A_429 = arith.cmpi sgt, %sub3A_425, %sign3A_428 : i32
      %sign3A_430 = arith.extui %sign3A_429 : i1 to i32
      %sign3A_431 = arith.constant 0 : i32
      %sign3A_432 = arith.cmpi slt, %sub3A_425, %sign3A_431 : i32
      %sign3A_433 = arith.extui %sign3A_432 : i1 to i32
      %sign3A_434 = arith.subi %sign3A_430, %sign3A_433 : i32
      %sign3A_435 = arith.constant 0 : i32
      %sign3A_436 = arith.cmpi sgt, %jit3A_426, %sign3A_435 : i32
      %sign3A_437 = arith.extui %sign3A_436 : i1 to i32
      %sign3A_438 = arith.constant 0 : i32
      %sign3A_439 = arith.cmpi slt, %jit3A_426, %sign3A_438 : i32
      %sign3A_440 = arith.extui %sign3A_439 : i1 to i32
      %sign3A_441 = arith.subi %sign3A_437, %sign3A_440 : i32
      %ne3A_442 = arith.cmpi ne, %sign3A_434, %sign3A_441 : i32
      %rem3A_443 = arith.remsi %sub3A_425, %jit3A_426 : i32
      %ne3A_444 = arith.constant 0 : i32
      %ne3A_445 = arith.cmpi ne, %rem3A_443, %ne3A_444 : i32
      %and3A_446 = arith.andi %ne3A_442, %ne3A_445 : i1
      %sub3A_447 = arith.constant 1 : i32
      %sub3A_448 = arith.subi %div3A_427, %sub3A_447 : i32
      %select_n3A_449 = arith.select %and3A_446, %sub3A_448, %div3A_427 : i32
      %while3A = arith.subi %select_n3A_449, %select_n3A : i32
      %while3A_450 = arith.addi %select_n3A, %while3A : i32
      %while3A_451 = arith.constant 1 : i32
      %while3A_452 = arith.divsi %while3A, %while3A_451 : i32
      %while3A_453 = arith.muli %while3A_452, %while3A_451 : i32
      %while3A_454 = arith.addi %select_n3A, %while3A_453 : i32
      %while3A_455 = arith.constant 1 : i32
      %while3A_456:2 = scf.for %while3A_471 = %select_n3A to %while3A_454 step %while3A_455 iter_args(%while3A_472 = %broadcast_in_dim3A_12, %while3A_473 = %broadcast_in_dim3A_12) -> (vector<16xf32>, vector<16xf32>)  : i32 {
        %mul3A_474 = arith.constant 16 : i32
        %mul3A_475 = arith.muli %while3A_471, %mul3A_474 : i32
        %add3A_476 = arith.addi %mul3A_2, %mul3A_475 : i32
        %add3A_477 = vector.broadcast %add3A_476 : i32 to vector<16xi32>
        %add3A_478 = arith.addi %add3A_477, %iota3A : vector<16xi32>
        %ge3A = vector.broadcast %max3A_345 : i32 to vector<16xi32>
        %ge3A_479 = arith.cmpi sge, %add3A_478, %ge3A : vector<16xi32>
        %lt3A = vector.broadcast %min3A_350 : i32 to vector<16xi32>
        %lt3A_480 = arith.cmpi slt, %add3A_478, %lt3A : vector<16xi32>
        %and3A_481 = arith.andi %ge3A_479, %lt3A_480 : vector<16xi1>
        %get3A_482 = arith.index_cast %mul3A_475 : i32 to index
        %get3A_483 = tpu.vector_load %arg5[%get3A_482] {strides = array<i32>} : memref<1024xf32, #tpu.memory_space<vmem>>, vector<16xf32>,
        %get3A_484 = vector.shape_cast %get3A_483 : vector<16xf32> to vector<16xf32>
        %get3A_485 = arith.index_cast %mul3A_475 : i32 to index
        %get3A_486 = tpu.vector_load %arg6[%get3A_485] {strides = array<i32>} : memref<1024xf32, #tpu.memory_space<vmem>>, vector<16xf32>,
        %get3A_487 = vector.shape_cast %get3A_486 : vector<16xf32> to vector<16xf32>
        %jit3A_488 = arith.constant 0.000000e+00 : f32
        %broadcast_in_dim3A_489 = vector.broadcast %jit3A_488 : f32 to vector<16xf32>
        %select_n3A_490 = arith.select %and3A_481, %get3A_484, %broadcast_in_dim3A_489 : vector<16xi1>, vector<16xf32>
        %add3A_491 = arith.addf %while3A_472, %select_n3A_490 : vector<16xf32>
        %jit3A_492 = arith.constant 0.000000e+00 : f32
        %broadcast_in_dim3A_493 = vector.broadcast %jit3A_492 : f32 to vector<16xf32>
        %select_n3A_494 = arith.select %and3A_481, %get3A_487, %broadcast_in_dim3A_493 : vector<16xi1>, vector<16xf32>
        %add3A_495 = arith.addf %while3A_473, %select_n3A_494 : vector<16xf32>
        scf.yield %add3A_491, %add3A_495 : vector<16xf32>, vector<16xf32>
      }
      %while3A_457 = arith.constant 1 : i32
      %while3A_458:2 = scf.for %while3A_471 = %while3A_454 to %while3A_450 step %while3A_457 iter_args(%while3A_472 = %while3A_456#0, %while3A_473 = %while3A_456#1) -> (vector<16xf32>, vector<16xf32>)  : i32 {
        %mul3A_474 = arith.constant 16 : i32
        %mul3A_475 = arith.muli %while3A_471, %mul3A_474 : i32
        %add3A_476 = arith.addi %mul3A_2, %mul3A_475 : i32
        %add3A_477 = vector.broadcast %add3A_476 : i32 to vector<16xi32>
        %add3A_478 = arith.addi %add3A_477, %iota3A : vector<16xi32>
        %ge3A = vector.broadcast %max3A_345 : i32 to vector<16xi32>
        %ge3A_479 = arith.cmpi sge, %add3A_478, %ge3A : vector<16xi32>
        %lt3A = vector.broadcast %min3A_350 : i32 to vector<16xi32>
        %lt3A_480 = arith.cmpi slt, %add3A_478, %lt3A : vector<16xi32>
        %and3A_481 = arith.andi %ge3A_479, %lt3A_480 : vector<16xi1>
        %get3A_482 = arith.index_cast %mul3A_475 : i32 to index
        %get3A_483 = tpu.vector_load %arg5[%get3A_482] {strides = array<i32>} : memref<1024xf32, #tpu.memory_space<vmem>>, vector<16xf32>,
        %get3A_484 = vector.shape_cast %get3A_483 : vector<16xf32> to vector<16xf32>
        %get3A_485 = arith.index_cast %mul3A_475 : i32 to index
        %get3A_486 = tpu.vector_load %arg6[%get3A_485] {strides = array<i32>} : memref<1024xf32, #tpu.memory_space<vmem>>, vector<16xf32>,
        %get3A_487 = vector.shape_cast %get3A_486 : vector<16xf32> to vector<16xf32>
        %jit3A_488 = arith.constant 0.000000e+00 : f32
        %broadcast_in_dim3A_489 = vector.broadcast %jit3A_488 : f32 to vector<16xf32>
        %select_n3A_490 = arith.select %and3A_481, %get3A_484, %broadcast_in_dim3A_489 : vector<16xi1>, vector<16xf32>
        %add3A_491 = arith.addf %while3A_472, %select_n3A_490 : vector<16xf32>
        %jit3A_492 = arith.constant 0.000000e+00 : f32
        %broadcast_in_dim3A_493 = vector.broadcast %jit3A_492 : f32 to vector<16xf32>
        %select_n3A_494 = arith.select %and3A_481, %get3A_487, %broadcast_in_dim3A_493 : vector<16xi1>, vector<16xf32>
        %add3A_495 = arith.addf %while3A_473, %select_n3A_494 : vector<16xf32>
        scf.yield %add3A_491, %add3A_495 : vector<16xf32>, vector<16xf32>
      }
      %swap3A_459 = arith.constant 11 : i32
      %swap3A_460 = arith.index_cast %swap3A_459 : i32 to index
      %swap3A_461 = arith.constant 0 : index
      %swap3A_462 = tpu.vector_load %arg7[%swap3A_460, %swap3A_461] {strides = array<i32>} : memref<16x16xf32, #tpu.memory_space<vmem>>, vector<1x16xf32>,
      %swap3A_463 = vector.shape_cast %swap3A_462 : vector<1x16xf32> to vector<16xf32>
      %swap3A_464 = vector.shape_cast %while3A_458#0 : vector<16xf32> to vector<1x16xf32>
      tpu.vector_store %arg7[%swap3A_460, %swap3A_461], %swap3A_464 {strides = array<i32>} : memref<16x16xf32, #tpu.memory_space<vmem>>, vector<1x16xf32>,
      %swap3A_465 = arith.constant 11 : i32
      %swap3A_466 = arith.index_cast %swap3A_465 : i32 to index
      %swap3A_467 = arith.constant 0 : index
      %swap3A_468 = tpu.vector_load %arg8[%swap3A_466, %swap3A_467] {strides = array<i32>} : memref<16x16xf32, #tpu.memory_space<vmem>>, vector<1x16xf32>,
      %swap3A_469 = vector.shape_cast %swap3A_468 : vector<1x16xf32> to vector<16xf32>
      %swap3A_470 = vector.shape_cast %while3A_458#1 : vector<16xf32> to vector<1x16xf32>
      tpu.vector_store %arg8[%swap3A_466, %swap3A_467], %swap3A_470 {strides = array<i32>} : memref<16x16xf32, #tpu.memory_space<vmem>>, vector<1x16xf32>,
    } else {
    }
    %slice3A_355 = vector.extract_strided_slice %get3A_214 {offsets = [12], sizes = [1], strides = [1]} : vector<16xi32> to vector<1xi32>
    %squeeze3A_356 = vector.extract %slice3A_355[0] : i32 from vector<1xi32>
    %max3A_357 = arith.maxsi %mul3A_2, %squeeze3A_356 : i32
    %add3A_358 = arith.constant 1024 : i32
    %add3A_359 = arith.addi %mul3A_2, %add3A_358 : i32
    %slice3A_360 = vector.extract_strided_slice %get3A_217 {offsets = [12], sizes = [1], strides = [1]} : vector<16xi32> to vector<1xi32>
    %squeeze3A_361 = vector.extract %slice3A_360[0] : i32 from vector<1xi32>
    %min3A_362 = arith.minsi %add3A_359, %squeeze3A_361 : i32
    %gt3A_363 = arith.cmpi sgt, %min3A_362, %max3A_357 : i32
    %convert_element_type3A_364 = arith.extui %gt3A_363 : i1 to i32
    %cond3A_365 = arith.constant 0 : i32
    %cond3A_366 = arith.cmpi ne, %convert_element_type3A_364, %cond3A_365 : i32
    scf.if %cond3A_366 {
      %sub3A = arith.subi %max3A_357, %mul3A_2 : i32
      %jit3A = arith.constant 16 : i32
      %div3A = arith.divsi %sub3A, %jit3A : i32
      %sign3A = arith.constant 0 : i32
      %sign3A_404 = arith.cmpi sgt, %sub3A, %sign3A : i32
      %sign3A_405 = arith.extui %sign3A_404 : i1 to i32
      %sign3A_406 = arith.constant 0 : i32
      %sign3A_407 = arith.cmpi slt, %sub3A, %sign3A_406 : i32
      %sign3A_408 = arith.extui %sign3A_407 : i1 to i32
      %sign3A_409 = arith.subi %sign3A_405, %sign3A_408 : i32
      %sign3A_410 = arith.constant 0 : i32
      %sign3A_411 = arith.cmpi sgt, %jit3A, %sign3A_410 : i32
      %sign3A_412 = arith.extui %sign3A_411 : i1 to i32
      %sign3A_413 = arith.constant 0 : i32
      %sign3A_414 = arith.cmpi slt, %jit3A, %sign3A_413 : i32
      %sign3A_415 = arith.extui %sign3A_414 : i1 to i32
      %sign3A_416 = arith.subi %sign3A_412, %sign3A_415 : i32
      %ne3A = arith.cmpi ne, %sign3A_409, %sign3A_416 : i32
      %rem3A = arith.remsi %sub3A, %jit3A : i32
      %ne3A_417 = arith.constant 0 : i32
      %ne3A_418 = arith.cmpi ne, %rem3A, %ne3A_417 : i32
      %and3A = arith.andi %ne3A, %ne3A_418 : i1
      %sub3A_419 = arith.constant 1 : i32
      %sub3A_420 = arith.subi %div3A, %sub3A_419 : i32
      %select_n3A = arith.select %and3A, %sub3A_420, %div3A : i32
      %sub3A_421 = arith.subi %min3A_362, %mul3A_2 : i32
      %add3A_422 = arith.constant 16 : i32
      %add3A_423 = arith.addi %sub3A_421, %add3A_422 : i32
      %sub3A_424 = arith.constant 1 : i32
      %sub3A_425 = arith.subi %add3A_423, %sub3A_424 : i32
      %jit3A_426 = arith.constant 16 : i32
      %div3A_427 = arith.divsi %sub3A_425, %jit3A_426 : i32
      %sign3A_428 = arith.constant 0 : i32
      %sign3A_429 = arith.cmpi sgt, %sub3A_425, %sign3A_428 : i32
      %sign3A_430 = arith.extui %sign3A_429 : i1 to i32
      %sign3A_431 = arith.constant 0 : i32
      %sign3A_432 = arith.cmpi slt, %sub3A_425, %sign3A_431 : i32
      %sign3A_433 = arith.extui %sign3A_432 : i1 to i32
      %sign3A_434 = arith.subi %sign3A_430, %sign3A_433 : i32
      %sign3A_435 = arith.constant 0 : i32
      %sign3A_436 = arith.cmpi sgt, %jit3A_426, %sign3A_435 : i32
      %sign3A_437 = arith.extui %sign3A_436 : i1 to i32
      %sign3A_438 = arith.constant 0 : i32
      %sign3A_439 = arith.cmpi slt, %jit3A_426, %sign3A_438 : i32
      %sign3A_440 = arith.extui %sign3A_439 : i1 to i32
      %sign3A_441 = arith.subi %sign3A_437, %sign3A_440 : i32
      %ne3A_442 = arith.cmpi ne, %sign3A_434, %sign3A_441 : i32
      %rem3A_443 = arith.remsi %sub3A_425, %jit3A_426 : i32
      %ne3A_444 = arith.constant 0 : i32
      %ne3A_445 = arith.cmpi ne, %rem3A_443, %ne3A_444 : i32
      %and3A_446 = arith.andi %ne3A_442, %ne3A_445 : i1
      %sub3A_447 = arith.constant 1 : i32
      %sub3A_448 = arith.subi %div3A_427, %sub3A_447 : i32
      %select_n3A_449 = arith.select %and3A_446, %sub3A_448, %div3A_427 : i32
      %while3A = arith.subi %select_n3A_449, %select_n3A : i32
      %while3A_450 = arith.addi %select_n3A, %while3A : i32
      %while3A_451 = arith.constant 1 : i32
      %while3A_452 = arith.divsi %while3A, %while3A_451 : i32
      %while3A_453 = arith.muli %while3A_452, %while3A_451 : i32
      %while3A_454 = arith.addi %select_n3A, %while3A_453 : i32
      %while3A_455 = arith.constant 1 : i32
      %while3A_456:2 = scf.for %while3A_471 = %select_n3A to %while3A_454 step %while3A_455 iter_args(%while3A_472 = %broadcast_in_dim3A_12, %while3A_473 = %broadcast_in_dim3A_12) -> (vector<16xf32>, vector<16xf32>)  : i32 {
        %mul3A_474 = arith.constant 16 : i32
        %mul3A_475 = arith.muli %while3A_471, %mul3A_474 : i32
        %add3A_476 = arith.addi %mul3A_2, %mul3A_475 : i32
        %add3A_477 = vector.broadcast %add3A_476 : i32 to vector<16xi32>
        %add3A_478 = arith.addi %add3A_477, %iota3A : vector<16xi32>
        %ge3A = vector.broadcast %max3A_357 : i32 to vector<16xi32>
        %ge3A_479 = arith.cmpi sge, %add3A_478, %ge3A : vector<16xi32>
        %lt3A = vector.broadcast %min3A_362 : i32 to vector<16xi32>
        %lt3A_480 = arith.cmpi slt, %add3A_478, %lt3A : vector<16xi32>
        %and3A_481 = arith.andi %ge3A_479, %lt3A_480 : vector<16xi1>
        %get3A_482 = arith.index_cast %mul3A_475 : i32 to index
        %get3A_483 = tpu.vector_load %arg5[%get3A_482] {strides = array<i32>} : memref<1024xf32, #tpu.memory_space<vmem>>, vector<16xf32>,
        %get3A_484 = vector.shape_cast %get3A_483 : vector<16xf32> to vector<16xf32>
        %get3A_485 = arith.index_cast %mul3A_475 : i32 to index
        %get3A_486 = tpu.vector_load %arg6[%get3A_485] {strides = array<i32>} : memref<1024xf32, #tpu.memory_space<vmem>>, vector<16xf32>,
        %get3A_487 = vector.shape_cast %get3A_486 : vector<16xf32> to vector<16xf32>
        %jit3A_488 = arith.constant 0.000000e+00 : f32
        %broadcast_in_dim3A_489 = vector.broadcast %jit3A_488 : f32 to vector<16xf32>
        %select_n3A_490 = arith.select %and3A_481, %get3A_484, %broadcast_in_dim3A_489 : vector<16xi1>, vector<16xf32>
        %add3A_491 = arith.addf %while3A_472, %select_n3A_490 : vector<16xf32>
        %jit3A_492 = arith.constant 0.000000e+00 : f32
        %broadcast_in_dim3A_493 = vector.broadcast %jit3A_492 : f32 to vector<16xf32>
        %select_n3A_494 = arith.select %and3A_481, %get3A_487, %broadcast_in_dim3A_493 : vector<16xi1>, vector<16xf32>
        %add3A_495 = arith.addf %while3A_473, %select_n3A_494 : vector<16xf32>
        scf.yield %add3A_491, %add3A_495 : vector<16xf32>, vector<16xf32>
      }
      %while3A_457 = arith.constant 1 : i32
      %while3A_458:2 = scf.for %while3A_471 = %while3A_454 to %while3A_450 step %while3A_457 iter_args(%while3A_472 = %while3A_456#0, %while3A_473 = %while3A_456#1) -> (vector<16xf32>, vector<16xf32>)  : i32 {
        %mul3A_474 = arith.constant 16 : i32
        %mul3A_475 = arith.muli %while3A_471, %mul3A_474 : i32
        %add3A_476 = arith.addi %mul3A_2, %mul3A_475 : i32
        %add3A_477 = vector.broadcast %add3A_476 : i32 to vector<16xi32>
        %add3A_478 = arith.addi %add3A_477, %iota3A : vector<16xi32>
        %ge3A = vector.broadcast %max3A_357 : i32 to vector<16xi32>
        %ge3A_479 = arith.cmpi sge, %add3A_478, %ge3A : vector<16xi32>
        %lt3A = vector.broadcast %min3A_362 : i32 to vector<16xi32>
        %lt3A_480 = arith.cmpi slt, %add3A_478, %lt3A : vector<16xi32>
        %and3A_481 = arith.andi %ge3A_479, %lt3A_480 : vector<16xi1>
        %get3A_482 = arith.index_cast %mul3A_475 : i32 to index
        %get3A_483 = tpu.vector_load %arg5[%get3A_482] {strides = array<i32>} : memref<1024xf32, #tpu.memory_space<vmem>>, vector<16xf32>,
        %get3A_484 = vector.shape_cast %get3A_483 : vector<16xf32> to vector<16xf32>
        %get3A_485 = arith.index_cast %mul3A_475 : i32 to index
        %get3A_486 = tpu.vector_load %arg6[%get3A_485] {strides = array<i32>} : memref<1024xf32, #tpu.memory_space<vmem>>, vector<16xf32>,
        %get3A_487 = vector.shape_cast %get3A_486 : vector<16xf32> to vector<16xf32>
        %jit3A_488 = arith.constant 0.000000e+00 : f32
        %broadcast_in_dim3A_489 = vector.broadcast %jit3A_488 : f32 to vector<16xf32>
        %select_n3A_490 = arith.select %and3A_481, %get3A_484, %broadcast_in_dim3A_489 : vector<16xi1>, vector<16xf32>
        %add3A_491 = arith.addf %while3A_472, %select_n3A_490 : vector<16xf32>
        %jit3A_492 = arith.constant 0.000000e+00 : f32
        %broadcast_in_dim3A_493 = vector.broadcast %jit3A_492 : f32 to vector<16xf32>
        %select_n3A_494 = arith.select %and3A_481, %get3A_487, %broadcast_in_dim3A_493 : vector<16xi1>, vector<16xf32>
        %add3A_495 = arith.addf %while3A_473, %select_n3A_494 : vector<16xf32>
        scf.yield %add3A_491, %add3A_495 : vector<16xf32>, vector<16xf32>
      }
      %swap3A_459 = arith.constant 12 : i32
      %swap3A_460 = arith.index_cast %swap3A_459 : i32 to index
      %swap3A_461 = arith.constant 0 : index
      %swap3A_462 = tpu.vector_load %arg7[%swap3A_460, %swap3A_461] {strides = array<i32>} : memref<16x16xf32, #tpu.memory_space<vmem>>, vector<1x16xf32>,
      %swap3A_463 = vector.shape_cast %swap3A_462 : vector<1x16xf32> to vector<16xf32>
      %swap3A_464 = vector.shape_cast %while3A_458#0 : vector<16xf32> to vector<1x16xf32>
      tpu.vector_store %arg7[%swap3A_460, %swap3A_461], %swap3A_464 {strides = array<i32>} : memref<16x16xf32, #tpu.memory_space<vmem>>, vector<1x16xf32>,
      %swap3A_465 = arith.constant 12 : i32
      %swap3A_466 = arith.index_cast %swap3A_465 : i32 to index
      %swap3A_467 = arith.constant 0 : index
      %swap3A_468 = tpu.vector_load %arg8[%swap3A_466, %swap3A_467] {strides = array<i32>} : memref<16x16xf32, #tpu.memory_space<vmem>>, vector<1x16xf32>,
      %swap3A_469 = vector.shape_cast %swap3A_468 : vector<1x16xf32> to vector<16xf32>
      %swap3A_470 = vector.shape_cast %while3A_458#1 : vector<16xf32> to vector<1x16xf32>
      tpu.vector_store %arg8[%swap3A_466, %swap3A_467], %swap3A_470 {strides = array<i32>} : memref<16x16xf32, #tpu.memory_space<vmem>>, vector<1x16xf32>,
    } else {
    }
    %slice3A_367 = vector.extract_strided_slice %get3A_214 {offsets = [13], sizes = [1], strides = [1]} : vector<16xi32> to vector<1xi32>
    %squeeze3A_368 = vector.extract %slice3A_367[0] : i32 from vector<1xi32>
    %max3A_369 = arith.maxsi %mul3A_2, %squeeze3A_368 : i32
    %add3A_370 = arith.constant 1024 : i32
    %add3A_371 = arith.addi %mul3A_2, %add3A_370 : i32
    %slice3A_372 = vector.extract_strided_slice %get3A_217 {offsets = [13], sizes = [1], strides = [1]} : vector<16xi32> to vector<1xi32>
    %squeeze3A_373 = vector.extract %slice3A_372[0] : i32 from vector<1xi32>
    %min3A_374 = arith.minsi %add3A_371, %squeeze3A_373 : i32
    %gt3A_375 = arith.cmpi sgt, %min3A_374, %max3A_369 : i32
    %convert_element_type3A_376 = arith.extui %gt3A_375 : i1 to i32
    %cond3A_377 = arith.constant 0 : i32
    %cond3A_378 = arith.cmpi ne, %convert_element_type3A_376, %cond3A_377 : i32
    scf.if %cond3A_378 {
      %sub3A = arith.subi %max3A_369, %mul3A_2 : i32
      %jit3A = arith.constant 16 : i32
      %div3A = arith.divsi %sub3A, %jit3A : i32
      %sign3A = arith.constant 0 : i32
      %sign3A_404 = arith.cmpi sgt, %sub3A, %sign3A : i32
      %sign3A_405 = arith.extui %sign3A_404 : i1 to i32
      %sign3A_406 = arith.constant 0 : i32
      %sign3A_407 = arith.cmpi slt, %sub3A, %sign3A_406 : i32
      %sign3A_408 = arith.extui %sign3A_407 : i1 to i32
      %sign3A_409 = arith.subi %sign3A_405, %sign3A_408 : i32
      %sign3A_410 = arith.constant 0 : i32
      %sign3A_411 = arith.cmpi sgt, %jit3A, %sign3A_410 : i32
      %sign3A_412 = arith.extui %sign3A_411 : i1 to i32
      %sign3A_413 = arith.constant 0 : i32
      %sign3A_414 = arith.cmpi slt, %jit3A, %sign3A_413 : i32
      %sign3A_415 = arith.extui %sign3A_414 : i1 to i32
      %sign3A_416 = arith.subi %sign3A_412, %sign3A_415 : i32
      %ne3A = arith.cmpi ne, %sign3A_409, %sign3A_416 : i32
      %rem3A = arith.remsi %sub3A, %jit3A : i32
      %ne3A_417 = arith.constant 0 : i32
      %ne3A_418 = arith.cmpi ne, %rem3A, %ne3A_417 : i32
      %and3A = arith.andi %ne3A, %ne3A_418 : i1
      %sub3A_419 = arith.constant 1 : i32
      %sub3A_420 = arith.subi %div3A, %sub3A_419 : i32
      %select_n3A = arith.select %and3A, %sub3A_420, %div3A : i32
      %sub3A_421 = arith.subi %min3A_374, %mul3A_2 : i32
      %add3A_422 = arith.constant 16 : i32
      %add3A_423 = arith.addi %sub3A_421, %add3A_422 : i32
      %sub3A_424 = arith.constant 1 : i32
      %sub3A_425 = arith.subi %add3A_423, %sub3A_424 : i32
      %jit3A_426 = arith.constant 16 : i32
      %div3A_427 = arith.divsi %sub3A_425, %jit3A_426 : i32
      %sign3A_428 = arith.constant 0 : i32
      %sign3A_429 = arith.cmpi sgt, %sub3A_425, %sign3A_428 : i32
      %sign3A_430 = arith.extui %sign3A_429 : i1 to i32
      %sign3A_431 = arith.constant 0 : i32
      %sign3A_432 = arith.cmpi slt, %sub3A_425, %sign3A_431 : i32
      %sign3A_433 = arith.extui %sign3A_432 : i1 to i32
      %sign3A_434 = arith.subi %sign3A_430, %sign3A_433 : i32
      %sign3A_435 = arith.constant 0 : i32
      %sign3A_436 = arith.cmpi sgt, %jit3A_426, %sign3A_435 : i32
      %sign3A_437 = arith.extui %sign3A_436 : i1 to i32
      %sign3A_438 = arith.constant 0 : i32
      %sign3A_439 = arith.cmpi slt, %jit3A_426, %sign3A_438 : i32
      %sign3A_440 = arith.extui %sign3A_439 : i1 to i32
      %sign3A_441 = arith.subi %sign3A_437, %sign3A_440 : i32
      %ne3A_442 = arith.cmpi ne, %sign3A_434, %sign3A_441 : i32
      %rem3A_443 = arith.remsi %sub3A_425, %jit3A_426 : i32
      %ne3A_444 = arith.constant 0 : i32
      %ne3A_445 = arith.cmpi ne, %rem3A_443, %ne3A_444 : i32
      %and3A_446 = arith.andi %ne3A_442, %ne3A_445 : i1
      %sub3A_447 = arith.constant 1 : i32
      %sub3A_448 = arith.subi %div3A_427, %sub3A_447 : i32
      %select_n3A_449 = arith.select %and3A_446, %sub3A_448, %div3A_427 : i32
      %while3A = arith.subi %select_n3A_449, %select_n3A : i32
      %while3A_450 = arith.addi %select_n3A, %while3A : i32
      %while3A_451 = arith.constant 1 : i32
      %while3A_452 = arith.divsi %while3A, %while3A_451 : i32
      %while3A_453 = arith.muli %while3A_452, %while3A_451 : i32
      %while3A_454 = arith.addi %select_n3A, %while3A_453 : i32
      %while3A_455 = arith.constant 1 : i32
      %while3A_456:2 = scf.for %while3A_471 = %select_n3A to %while3A_454 step %while3A_455 iter_args(%while3A_472 = %broadcast_in_dim3A_12, %while3A_473 = %broadcast_in_dim3A_12) -> (vector<16xf32>, vector<16xf32>)  : i32 {
        %mul3A_474 = arith.constant 16 : i32
        %mul3A_475 = arith.muli %while3A_471, %mul3A_474 : i32
        %add3A_476 = arith.addi %mul3A_2, %mul3A_475 : i32
        %add3A_477 = vector.broadcast %add3A_476 : i32 to vector<16xi32>
        %add3A_478 = arith.addi %add3A_477, %iota3A : vector<16xi32>
        %ge3A = vector.broadcast %max3A_369 : i32 to vector<16xi32>
        %ge3A_479 = arith.cmpi sge, %add3A_478, %ge3A : vector<16xi32>
        %lt3A = vector.broadcast %min3A_374 : i32 to vector<16xi32>
        %lt3A_480 = arith.cmpi slt, %add3A_478, %lt3A : vector<16xi32>
        %and3A_481 = arith.andi %ge3A_479, %lt3A_480 : vector<16xi1>
        %get3A_482 = arith.index_cast %mul3A_475 : i32 to index
        %get3A_483 = tpu.vector_load %arg5[%get3A_482] {strides = array<i32>} : memref<1024xf32, #tpu.memory_space<vmem>>, vector<16xf32>,
        %get3A_484 = vector.shape_cast %get3A_483 : vector<16xf32> to vector<16xf32>
        %get3A_485 = arith.index_cast %mul3A_475 : i32 to index
        %get3A_486 = tpu.vector_load %arg6[%get3A_485] {strides = array<i32>} : memref<1024xf32, #tpu.memory_space<vmem>>, vector<16xf32>,
        %get3A_487 = vector.shape_cast %get3A_486 : vector<16xf32> to vector<16xf32>
        %jit3A_488 = arith.constant 0.000000e+00 : f32
        %broadcast_in_dim3A_489 = vector.broadcast %jit3A_488 : f32 to vector<16xf32>
        %select_n3A_490 = arith.select %and3A_481, %get3A_484, %broadcast_in_dim3A_489 : vector<16xi1>, vector<16xf32>
        %add3A_491 = arith.addf %while3A_472, %select_n3A_490 : vector<16xf32>
        %jit3A_492 = arith.constant 0.000000e+00 : f32
        %broadcast_in_dim3A_493 = vector.broadcast %jit3A_492 : f32 to vector<16xf32>
        %select_n3A_494 = arith.select %and3A_481, %get3A_487, %broadcast_in_dim3A_493 : vector<16xi1>, vector<16xf32>
        %add3A_495 = arith.addf %while3A_473, %select_n3A_494 : vector<16xf32>
        scf.yield %add3A_491, %add3A_495 : vector<16xf32>, vector<16xf32>
      }
      %while3A_457 = arith.constant 1 : i32
      %while3A_458:2 = scf.for %while3A_471 = %while3A_454 to %while3A_450 step %while3A_457 iter_args(%while3A_472 = %while3A_456#0, %while3A_473 = %while3A_456#1) -> (vector<16xf32>, vector<16xf32>)  : i32 {
        %mul3A_474 = arith.constant 16 : i32
        %mul3A_475 = arith.muli %while3A_471, %mul3A_474 : i32
        %add3A_476 = arith.addi %mul3A_2, %mul3A_475 : i32
        %add3A_477 = vector.broadcast %add3A_476 : i32 to vector<16xi32>
        %add3A_478 = arith.addi %add3A_477, %iota3A : vector<16xi32>
        %ge3A = vector.broadcast %max3A_369 : i32 to vector<16xi32>
        %ge3A_479 = arith.cmpi sge, %add3A_478, %ge3A : vector<16xi32>
        %lt3A = vector.broadcast %min3A_374 : i32 to vector<16xi32>
        %lt3A_480 = arith.cmpi slt, %add3A_478, %lt3A : vector<16xi32>
        %and3A_481 = arith.andi %ge3A_479, %lt3A_480 : vector<16xi1>
        %get3A_482 = arith.index_cast %mul3A_475 : i32 to index
        %get3A_483 = tpu.vector_load %arg5[%get3A_482] {strides = array<i32>} : memref<1024xf32, #tpu.memory_space<vmem>>, vector<16xf32>,
        %get3A_484 = vector.shape_cast %get3A_483 : vector<16xf32> to vector<16xf32>
        %get3A_485 = arith.index_cast %mul3A_475 : i32 to index
        %get3A_486 = tpu.vector_load %arg6[%get3A_485] {strides = array<i32>} : memref<1024xf32, #tpu.memory_space<vmem>>, vector<16xf32>,
        %get3A_487 = vector.shape_cast %get3A_486 : vector<16xf32> to vector<16xf32>
        %jit3A_488 = arith.constant 0.000000e+00 : f32
        %broadcast_in_dim3A_489 = vector.broadcast %jit3A_488 : f32 to vector<16xf32>
        %select_n3A_490 = arith.select %and3A_481, %get3A_484, %broadcast_in_dim3A_489 : vector<16xi1>, vector<16xf32>
        %add3A_491 = arith.addf %while3A_472, %select_n3A_490 : vector<16xf32>
        %jit3A_492 = arith.constant 0.000000e+00 : f32
        %broadcast_in_dim3A_493 = vector.broadcast %jit3A_492 : f32 to vector<16xf32>
        %select_n3A_494 = arith.select %and3A_481, %get3A_487, %broadcast_in_dim3A_493 : vector<16xi1>, vector<16xf32>
        %add3A_495 = arith.addf %while3A_473, %select_n3A_494 : vector<16xf32>
        scf.yield %add3A_491, %add3A_495 : vector<16xf32>, vector<16xf32>
      }
      %swap3A_459 = arith.constant 13 : i32
      %swap3A_460 = arith.index_cast %swap3A_459 : i32 to index
      %swap3A_461 = arith.constant 0 : index
      %swap3A_462 = tpu.vector_load %arg7[%swap3A_460, %swap3A_461] {strides = array<i32>} : memref<16x16xf32, #tpu.memory_space<vmem>>, vector<1x16xf32>,
      %swap3A_463 = vector.shape_cast %swap3A_462 : vector<1x16xf32> to vector<16xf32>
      %swap3A_464 = vector.shape_cast %while3A_458#0 : vector<16xf32> to vector<1x16xf32>
      tpu.vector_store %arg7[%swap3A_460, %swap3A_461], %swap3A_464 {strides = array<i32>} : memref<16x16xf32, #tpu.memory_space<vmem>>, vector<1x16xf32>,
      %swap3A_465 = arith.constant 13 : i32
      %swap3A_466 = arith.index_cast %swap3A_465 : i32 to index
      %swap3A_467 = arith.constant 0 : index
      %swap3A_468 = tpu.vector_load %arg8[%swap3A_466, %swap3A_467] {strides = array<i32>} : memref<16x16xf32, #tpu.memory_space<vmem>>, vector<1x16xf32>,
      %swap3A_469 = vector.shape_cast %swap3A_468 : vector<1x16xf32> to vector<16xf32>
      %swap3A_470 = vector.shape_cast %while3A_458#1 : vector<16xf32> to vector<1x16xf32>
      tpu.vector_store %arg8[%swap3A_466, %swap3A_467], %swap3A_470 {strides = array<i32>} : memref<16x16xf32, #tpu.memory_space<vmem>>, vector<1x16xf32>,
    } else {
    }
    %slice3A_379 = vector.extract_strided_slice %get3A_214 {offsets = [14], sizes = [1], strides = [1]} : vector<16xi32> to vector<1xi32>
    %squeeze3A_380 = vector.extract %slice3A_379[0] : i32 from vector<1xi32>
    %max3A_381 = arith.maxsi %mul3A_2, %squeeze3A_380 : i32
    %add3A_382 = arith.constant 1024 : i32
    %add3A_383 = arith.addi %mul3A_2, %add3A_382 : i32
    %slice3A_384 = vector.extract_strided_slice %get3A_217 {offsets = [14], sizes = [1], strides = [1]} : vector<16xi32> to vector<1xi32>
    %squeeze3A_385 = vector.extract %slice3A_384[0] : i32 from vector<1xi32>
    %min3A_386 = arith.minsi %add3A_383, %squeeze3A_385 : i32
    %gt3A_387 = arith.cmpi sgt, %min3A_386, %max3A_381 : i32
    %convert_element_type3A_388 = arith.extui %gt3A_387 : i1 to i32
    %cond3A_389 = arith.constant 0 : i32
    %cond3A_390 = arith.cmpi ne, %convert_element_type3A_388, %cond3A_389 : i32
    scf.if %cond3A_390 {
      %sub3A = arith.subi %max3A_381, %mul3A_2 : i32
      %jit3A = arith.constant 16 : i32
      %div3A = arith.divsi %sub3A, %jit3A : i32
      %sign3A = arith.constant 0 : i32
      %sign3A_404 = arith.cmpi sgt, %sub3A, %sign3A : i32
      %sign3A_405 = arith.extui %sign3A_404 : i1 to i32
      %sign3A_406 = arith.constant 0 : i32
      %sign3A_407 = arith.cmpi slt, %sub3A, %sign3A_406 : i32
      %sign3A_408 = arith.extui %sign3A_407 : i1 to i32
      %sign3A_409 = arith.subi %sign3A_405, %sign3A_408 : i32
      %sign3A_410 = arith.constant 0 : i32
      %sign3A_411 = arith.cmpi sgt, %jit3A, %sign3A_410 : i32
      %sign3A_412 = arith.extui %sign3A_411 : i1 to i32
      %sign3A_413 = arith.constant 0 : i32
      %sign3A_414 = arith.cmpi slt, %jit3A, %sign3A_413 : i32
      %sign3A_415 = arith.extui %sign3A_414 : i1 to i32
      %sign3A_416 = arith.subi %sign3A_412, %sign3A_415 : i32
      %ne3A = arith.cmpi ne, %sign3A_409, %sign3A_416 : i32
      %rem3A = arith.remsi %sub3A, %jit3A : i32
      %ne3A_417 = arith.constant 0 : i32
      %ne3A_418 = arith.cmpi ne, %rem3A, %ne3A_417 : i32
      %and3A = arith.andi %ne3A, %ne3A_418 : i1
      %sub3A_419 = arith.constant 1 : i32
      %sub3A_420 = arith.subi %div3A, %sub3A_419 : i32
      %select_n3A = arith.select %and3A, %sub3A_420, %div3A : i32
      %sub3A_421 = arith.subi %min3A_386, %mul3A_2 : i32
      %add3A_422 = arith.constant 16 : i32
      %add3A_423 = arith.addi %sub3A_421, %add3A_422 : i32
      %sub3A_424 = arith.constant 1 : i32
      %sub3A_425 = arith.subi %add3A_423, %sub3A_424 : i32
      %jit3A_426 = arith.constant 16 : i32
      %div3A_427 = arith.divsi %sub3A_425, %jit3A_426 : i32
      %sign3A_428 = arith.constant 0 : i32
      %sign3A_429 = arith.cmpi sgt, %sub3A_425, %sign3A_428 : i32
      %sign3A_430 = arith.extui %sign3A_429 : i1 to i32
      %sign3A_431 = arith.constant 0 : i32
      %sign3A_432 = arith.cmpi slt, %sub3A_425, %sign3A_431 : i32
      %sign3A_433 = arith.extui %sign3A_432 : i1 to i32
      %sign3A_434 = arith.subi %sign3A_430, %sign3A_433 : i32
      %sign3A_435 = arith.constant 0 : i32
      %sign3A_436 = arith.cmpi sgt, %jit3A_426, %sign3A_435 : i32
      %sign3A_437 = arith.extui %sign3A_436 : i1 to i32
      %sign3A_438 = arith.constant 0 : i32
      %sign3A_439 = arith.cmpi slt, %jit3A_426, %sign3A_438 : i32
      %sign3A_440 = arith.extui %sign3A_439 : i1 to i32
      %sign3A_441 = arith.subi %sign3A_437, %sign3A_440 : i32
      %ne3A_442 = arith.cmpi ne, %sign3A_434, %sign3A_441 : i32
      %rem3A_443 = arith.remsi %sub3A_425, %jit3A_426 : i32
      %ne3A_444 = arith.constant 0 : i32
      %ne3A_445 = arith.cmpi ne, %rem3A_443, %ne3A_444 : i32
      %and3A_446 = arith.andi %ne3A_442, %ne3A_445 : i1
      %sub3A_447 = arith.constant 1 : i32
      %sub3A_448 = arith.subi %div3A_427, %sub3A_447 : i32
      %select_n3A_449 = arith.select %and3A_446, %sub3A_448, %div3A_427 : i32
      %while3A = arith.subi %select_n3A_449, %select_n3A : i32
      %while3A_450 = arith.addi %select_n3A, %while3A : i32
      %while3A_451 = arith.constant 1 : i32
      %while3A_452 = arith.divsi %while3A, %while3A_451 : i32
      %while3A_453 = arith.muli %while3A_452, %while3A_451 : i32
      %while3A_454 = arith.addi %select_n3A, %while3A_453 : i32
      %while3A_455 = arith.constant 1 : i32
      %while3A_456:2 = scf.for %while3A_471 = %select_n3A to %while3A_454 step %while3A_455 iter_args(%while3A_472 = %broadcast_in_dim3A_12, %while3A_473 = %broadcast_in_dim3A_12) -> (vector<16xf32>, vector<16xf32>)  : i32 {
        %mul3A_474 = arith.constant 16 : i32
        %mul3A_475 = arith.muli %while3A_471, %mul3A_474 : i32
        %add3A_476 = arith.addi %mul3A_2, %mul3A_475 : i32
        %add3A_477 = vector.broadcast %add3A_476 : i32 to vector<16xi32>
        %add3A_478 = arith.addi %add3A_477, %iota3A : vector<16xi32>
        %ge3A = vector.broadcast %max3A_381 : i32 to vector<16xi32>
        %ge3A_479 = arith.cmpi sge, %add3A_478, %ge3A : vector<16xi32>
        %lt3A = vector.broadcast %min3A_386 : i32 to vector<16xi32>
        %lt3A_480 = arith.cmpi slt, %add3A_478, %lt3A : vector<16xi32>
        %and3A_481 = arith.andi %ge3A_479, %lt3A_480 : vector<16xi1>
        %get3A_482 = arith.index_cast %mul3A_475 : i32 to index
        %get3A_483 = tpu.vector_load %arg5[%get3A_482] {strides = array<i32>} : memref<1024xf32, #tpu.memory_space<vmem>>, vector<16xf32>,
        %get3A_484 = vector.shape_cast %get3A_483 : vector<16xf32> to vector<16xf32>
        %get3A_485 = arith.index_cast %mul3A_475 : i32 to index
        %get3A_486 = tpu.vector_load %arg6[%get3A_485] {strides = array<i32>} : memref<1024xf32, #tpu.memory_space<vmem>>, vector<16xf32>,
        %get3A_487 = vector.shape_cast %get3A_486 : vector<16xf32> to vector<16xf32>
        %jit3A_488 = arith.constant 0.000000e+00 : f32
        %broadcast_in_dim3A_489 = vector.broadcast %jit3A_488 : f32 to vector<16xf32>
        %select_n3A_490 = arith.select %and3A_481, %get3A_484, %broadcast_in_dim3A_489 : vector<16xi1>, vector<16xf32>
        %add3A_491 = arith.addf %while3A_472, %select_n3A_490 : vector<16xf32>
        %jit3A_492 = arith.constant 0.000000e+00 : f32
        %broadcast_in_dim3A_493 = vector.broadcast %jit3A_492 : f32 to vector<16xf32>
        %select_n3A_494 = arith.select %and3A_481, %get3A_487, %broadcast_in_dim3A_493 : vector<16xi1>, vector<16xf32>
        %add3A_495 = arith.addf %while3A_473, %select_n3A_494 : vector<16xf32>
        scf.yield %add3A_491, %add3A_495 : vector<16xf32>, vector<16xf32>
      }
      %while3A_457 = arith.constant 1 : i32
      %while3A_458:2 = scf.for %while3A_471 = %while3A_454 to %while3A_450 step %while3A_457 iter_args(%while3A_472 = %while3A_456#0, %while3A_473 = %while3A_456#1) -> (vector<16xf32>, vector<16xf32>)  : i32 {
        %mul3A_474 = arith.constant 16 : i32
        %mul3A_475 = arith.muli %while3A_471, %mul3A_474 : i32
        %add3A_476 = arith.addi %mul3A_2, %mul3A_475 : i32
        %add3A_477 = vector.broadcast %add3A_476 : i32 to vector<16xi32>
        %add3A_478 = arith.addi %add3A_477, %iota3A : vector<16xi32>
        %ge3A = vector.broadcast %max3A_381 : i32 to vector<16xi32>
        %ge3A_479 = arith.cmpi sge, %add3A_478, %ge3A : vector<16xi32>
        %lt3A = vector.broadcast %min3A_386 : i32 to vector<16xi32>
        %lt3A_480 = arith.cmpi slt, %add3A_478, %lt3A : vector<16xi32>
        %and3A_481 = arith.andi %ge3A_479, %lt3A_480 : vector<16xi1>
        %get3A_482 = arith.index_cast %mul3A_475 : i32 to index
        %get3A_483 = tpu.vector_load %arg5[%get3A_482] {strides = array<i32>} : memref<1024xf32, #tpu.memory_space<vmem>>, vector<16xf32>,
        %get3A_484 = vector.shape_cast %get3A_483 : vector<16xf32> to vector<16xf32>
        %get3A_485 = arith.index_cast %mul3A_475 : i32 to index
        %get3A_486 = tpu.vector_load %arg6[%get3A_485] {strides = array<i32>} : memref<1024xf32, #tpu.memory_space<vmem>>, vector<16xf32>,
        %get3A_487 = vector.shape_cast %get3A_486 : vector<16xf32> to vector<16xf32>
        %jit3A_488 = arith.constant 0.000000e+00 : f32
        %broadcast_in_dim3A_489 = vector.broadcast %jit3A_488 : f32 to vector<16xf32>
        %select_n3A_490 = arith.select %and3A_481, %get3A_484, %broadcast_in_dim3A_489 : vector<16xi1>, vector<16xf32>
        %add3A_491 = arith.addf %while3A_472, %select_n3A_490 : vector<16xf32>
        %jit3A_492 = arith.constant 0.000000e+00 : f32
        %broadcast_in_dim3A_493 = vector.broadcast %jit3A_492 : f32 to vector<16xf32>
        %select_n3A_494 = arith.select %and3A_481, %get3A_487, %broadcast_in_dim3A_493 : vector<16xi1>, vector<16xf32>
        %add3A_495 = arith.addf %while3A_473, %select_n3A_494 : vector<16xf32>
        scf.yield %add3A_491, %add3A_495 : vector<16xf32>, vector<16xf32>
      }
      %swap3A_459 = arith.constant 14 : i32
      %swap3A_460 = arith.index_cast %swap3A_459 : i32 to index
      %swap3A_461 = arith.constant 0 : index
      %swap3A_462 = tpu.vector_load %arg7[%swap3A_460, %swap3A_461] {strides = array<i32>} : memref<16x16xf32, #tpu.memory_space<vmem>>, vector<1x16xf32>,
      %swap3A_463 = vector.shape_cast %swap3A_462 : vector<1x16xf32> to vector<16xf32>
      %swap3A_464 = vector.shape_cast %while3A_458#0 : vector<16xf32> to vector<1x16xf32>
      tpu.vector_store %arg7[%swap3A_460, %swap3A_461], %swap3A_464 {strides = array<i32>} : memref<16x16xf32, #tpu.memory_space<vmem>>, vector<1x16xf32>,
      %swap3A_465 = arith.constant 14 : i32
      %swap3A_466 = arith.index_cast %swap3A_465 : i32 to index
      %swap3A_467 = arith.constant 0 : index
      %swap3A_468 = tpu.vector_load %arg8[%swap3A_466, %swap3A_467] {strides = array<i32>} : memref<16x16xf32, #tpu.memory_space<vmem>>, vector<1x16xf32>,
      %swap3A_469 = vector.shape_cast %swap3A_468 : vector<1x16xf32> to vector<16xf32>
      %swap3A_470 = vector.shape_cast %while3A_458#1 : vector<16xf32> to vector<1x16xf32>
      tpu.vector_store %arg8[%swap3A_466, %swap3A_467], %swap3A_470 {strides = array<i32>} : memref<16x16xf32, #tpu.memory_space<vmem>>, vector<1x16xf32>,
    } else {
    }
    %slice3A_391 = vector.extract_strided_slice %get3A_214 {offsets = [15], sizes = [1], strides = [1]} : vector<16xi32> to vector<1xi32>
    %squeeze3A_392 = vector.extract %slice3A_391[0] : i32 from vector<1xi32>
    %max3A_393 = arith.maxsi %mul3A_2, %squeeze3A_392 : i32
    %add3A_394 = arith.constant 1024 : i32
    %add3A_395 = arith.addi %mul3A_2, %add3A_394 : i32
    %slice3A_396 = vector.extract_strided_slice %get3A_217 {offsets = [15], sizes = [1], strides = [1]} : vector<16xi32> to vector<1xi32>
    %squeeze3A_397 = vector.extract %slice3A_396[0] : i32 from vector<1xi32>
    %min3A_398 = arith.minsi %add3A_395, %squeeze3A_397 : i32
    %gt3A_399 = arith.cmpi sgt, %min3A_398, %max3A_393 : i32
    %convert_element_type3A_400 = arith.extui %gt3A_399 : i1 to i32
    %cond3A_401 = arith.constant 0 : i32
    %cond3A_402 = arith.cmpi ne, %convert_element_type3A_400, %cond3A_401 : i32
    scf.if %cond3A_402 {
      %sub3A = arith.subi %max3A_393, %mul3A_2 : i32
      %jit3A = arith.constant 16 : i32
      %div3A = arith.divsi %sub3A, %jit3A : i32
      %sign3A = arith.constant 0 : i32
      %sign3A_404 = arith.cmpi sgt, %sub3A, %sign3A : i32
      %sign3A_405 = arith.extui %sign3A_404 : i1 to i32
      %sign3A_406 = arith.constant 0 : i32
      %sign3A_407 = arith.cmpi slt, %sub3A, %sign3A_406 : i32
      %sign3A_408 = arith.extui %sign3A_407 : i1 to i32
      %sign3A_409 = arith.subi %sign3A_405, %sign3A_408 : i32
      %sign3A_410 = arith.constant 0 : i32
      %sign3A_411 = arith.cmpi sgt, %jit3A, %sign3A_410 : i32
      %sign3A_412 = arith.extui %sign3A_411 : i1 to i32
      %sign3A_413 = arith.constant 0 : i32
      %sign3A_414 = arith.cmpi slt, %jit3A, %sign3A_413 : i32
      %sign3A_415 = arith.extui %sign3A_414 : i1 to i32
      %sign3A_416 = arith.subi %sign3A_412, %sign3A_415 : i32
      %ne3A = arith.cmpi ne, %sign3A_409, %sign3A_416 : i32
      %rem3A = arith.remsi %sub3A, %jit3A : i32
      %ne3A_417 = arith.constant 0 : i32
      %ne3A_418 = arith.cmpi ne, %rem3A, %ne3A_417 : i32
      %and3A = arith.andi %ne3A, %ne3A_418 : i1
      %sub3A_419 = arith.constant 1 : i32
      %sub3A_420 = arith.subi %div3A, %sub3A_419 : i32
      %select_n3A = arith.select %and3A, %sub3A_420, %div3A : i32
      %sub3A_421 = arith.subi %min3A_398, %mul3A_2 : i32
      %add3A_422 = arith.constant 16 : i32
      %add3A_423 = arith.addi %sub3A_421, %add3A_422 : i32
      %sub3A_424 = arith.constant 1 : i32
      %sub3A_425 = arith.subi %add3A_423, %sub3A_424 : i32
      %jit3A_426 = arith.constant 16 : i32
      %div3A_427 = arith.divsi %sub3A_425, %jit3A_426 : i32
      %sign3A_428 = arith.constant 0 : i32
      %sign3A_429 = arith.cmpi sgt, %sub3A_425, %sign3A_428 : i32
      %sign3A_430 = arith.extui %sign3A_429 : i1 to i32
      %sign3A_431 = arith.constant 0 : i32
      %sign3A_432 = arith.cmpi slt, %sub3A_425, %sign3A_431 : i32
      %sign3A_433 = arith.extui %sign3A_432 : i1 to i32
      %sign3A_434 = arith.subi %sign3A_430, %sign3A_433 : i32
      %sign3A_435 = arith.constant 0 : i32
      %sign3A_436 = arith.cmpi sgt, %jit3A_426, %sign3A_435 : i32
      %sign3A_437 = arith.extui %sign3A_436 : i1 to i32
      %sign3A_438 = arith.constant 0 : i32
      %sign3A_439 = arith.cmpi slt, %jit3A_426, %sign3A_438 : i32
      %sign3A_440 = arith.extui %sign3A_439 : i1 to i32
      %sign3A_441 = arith.subi %sign3A_437, %sign3A_440 : i32
      %ne3A_442 = arith.cmpi ne, %sign3A_434, %sign3A_441 : i32
      %rem3A_443 = arith.remsi %sub3A_425, %jit3A_426 : i32
      %ne3A_444 = arith.constant 0 : i32
      %ne3A_445 = arith.cmpi ne, %rem3A_443, %ne3A_444 : i32
      %and3A_446 = arith.andi %ne3A_442, %ne3A_445 : i1
      %sub3A_447 = arith.constant 1 : i32
      %sub3A_448 = arith.subi %div3A_427, %sub3A_447 : i32
      %select_n3A_449 = arith.select %and3A_446, %sub3A_448, %div3A_427 : i32
      %while3A = arith.subi %select_n3A_449, %select_n3A : i32
      %while3A_450 = arith.addi %select_n3A, %while3A : i32
      %while3A_451 = arith.constant 1 : i32
      %while3A_452 = arith.divsi %while3A, %while3A_451 : i32
      %while3A_453 = arith.muli %while3A_452, %while3A_451 : i32
      %while3A_454 = arith.addi %select_n3A, %while3A_453 : i32
      %while3A_455 = arith.constant 1 : i32
      %while3A_456:2 = scf.for %while3A_471 = %select_n3A to %while3A_454 step %while3A_455 iter_args(%while3A_472 = %broadcast_in_dim3A_12, %while3A_473 = %broadcast_in_dim3A_12) -> (vector<16xf32>, vector<16xf32>)  : i32 {
        %mul3A_474 = arith.constant 16 : i32
        %mul3A_475 = arith.muli %while3A_471, %mul3A_474 : i32
        %add3A_476 = arith.addi %mul3A_2, %mul3A_475 : i32
        %add3A_477 = vector.broadcast %add3A_476 : i32 to vector<16xi32>
        %add3A_478 = arith.addi %add3A_477, %iota3A : vector<16xi32>
        %ge3A = vector.broadcast %max3A_393 : i32 to vector<16xi32>
        %ge3A_479 = arith.cmpi sge, %add3A_478, %ge3A : vector<16xi32>
        %lt3A = vector.broadcast %min3A_398 : i32 to vector<16xi32>
        %lt3A_480 = arith.cmpi slt, %add3A_478, %lt3A : vector<16xi32>
        %and3A_481 = arith.andi %ge3A_479, %lt3A_480 : vector<16xi1>
        %get3A_482 = arith.index_cast %mul3A_475 : i32 to index
        %get3A_483 = tpu.vector_load %arg5[%get3A_482] {strides = array<i32>} : memref<1024xf32, #tpu.memory_space<vmem>>, vector<16xf32>,
        %get3A_484 = vector.shape_cast %get3A_483 : vector<16xf32> to vector<16xf32>
        %get3A_485 = arith.index_cast %mul3A_475 : i32 to index
        %get3A_486 = tpu.vector_load %arg6[%get3A_485] {strides = array<i32>} : memref<1024xf32, #tpu.memory_space<vmem>>, vector<16xf32>,
        %get3A_487 = vector.shape_cast %get3A_486 : vector<16xf32> to vector<16xf32>
        %jit3A_488 = arith.constant 0.000000e+00 : f32
        %broadcast_in_dim3A_489 = vector.broadcast %jit3A_488 : f32 to vector<16xf32>
        %select_n3A_490 = arith.select %and3A_481, %get3A_484, %broadcast_in_dim3A_489 : vector<16xi1>, vector<16xf32>
        %add3A_491 = arith.addf %while3A_472, %select_n3A_490 : vector<16xf32>
        %jit3A_492 = arith.constant 0.000000e+00 : f32
        %broadcast_in_dim3A_493 = vector.broadcast %jit3A_492 : f32 to vector<16xf32>
        %select_n3A_494 = arith.select %and3A_481, %get3A_487, %broadcast_in_dim3A_493 : vector<16xi1>, vector<16xf32>
        %add3A_495 = arith.addf %while3A_473, %select_n3A_494 : vector<16xf32>
        scf.yield %add3A_491, %add3A_495 : vector<16xf32>, vector<16xf32>
      }
      %while3A_457 = arith.constant 1 : i32
      %while3A_458:2 = scf.for %while3A_471 = %while3A_454 to %while3A_450 step %while3A_457 iter_args(%while3A_472 = %while3A_456#0, %while3A_473 = %while3A_456#1) -> (vector<16xf32>, vector<16xf32>)  : i32 {
        %mul3A_474 = arith.constant 16 : i32
        %mul3A_475 = arith.muli %while3A_471, %mul3A_474 : i32
        %add3A_476 = arith.addi %mul3A_2, %mul3A_475 : i32
        %add3A_477 = vector.broadcast %add3A_476 : i32 to vector<16xi32>
        %add3A_478 = arith.addi %add3A_477, %iota3A : vector<16xi32>
        %ge3A = vector.broadcast %max3A_393 : i32 to vector<16xi32>
        %ge3A_479 = arith.cmpi sge, %add3A_478, %ge3A : vector<16xi32>
        %lt3A = vector.broadcast %min3A_398 : i32 to vector<16xi32>
        %lt3A_480 = arith.cmpi slt, %add3A_478, %lt3A : vector<16xi32>
        %and3A_481 = arith.andi %ge3A_479, %lt3A_480 : vector<16xi1>
        %get3A_482 = arith.index_cast %mul3A_475 : i32 to index
        %get3A_483 = tpu.vector_load %arg5[%get3A_482] {strides = array<i32>} : memref<1024xf32, #tpu.memory_space<vmem>>, vector<16xf32>,
        %get3A_484 = vector.shape_cast %get3A_483 : vector<16xf32> to vector<16xf32>
        %get3A_485 = arith.index_cast %mul3A_475 : i32 to index
        %get3A_486 = tpu.vector_load %arg6[%get3A_485] {strides = array<i32>} : memref<1024xf32, #tpu.memory_space<vmem>>, vector<16xf32>,
        %get3A_487 = vector.shape_cast %get3A_486 : vector<16xf32> to vector<16xf32>
        %jit3A_488 = arith.constant 0.000000e+00 : f32
        %broadcast_in_dim3A_489 = vector.broadcast %jit3A_488 : f32 to vector<16xf32>
        %select_n3A_490 = arith.select %and3A_481, %get3A_484, %broadcast_in_dim3A_489 : vector<16xi1>, vector<16xf32>
        %add3A_491 = arith.addf %while3A_472, %select_n3A_490 : vector<16xf32>
        %jit3A_492 = arith.constant 0.000000e+00 : f32
        %broadcast_in_dim3A_493 = vector.broadcast %jit3A_492 : f32 to vector<16xf32>
        %select_n3A_494 = arith.select %and3A_481, %get3A_487, %broadcast_in_dim3A_493 : vector<16xi1>, vector<16xf32>
        %add3A_495 = arith.addf %while3A_473, %select_n3A_494 : vector<16xf32>
        scf.yield %add3A_491, %add3A_495 : vector<16xf32>, vector<16xf32>
      }
      %swap3A_459 = arith.constant 15 : i32
      %swap3A_460 = arith.index_cast %swap3A_459 : i32 to index
      %swap3A_461 = arith.constant 0 : index
      %swap3A_462 = tpu.vector_load %arg7[%swap3A_460, %swap3A_461] {strides = array<i32>} : memref<16x16xf32, #tpu.memory_space<vmem>>, vector<1x16xf32>,
      %swap3A_463 = vector.shape_cast %swap3A_462 : vector<1x16xf32> to vector<16xf32>
      %swap3A_464 = vector.shape_cast %while3A_458#0 : vector<16xf32> to vector<1x16xf32>
      tpu.vector_store %arg7[%swap3A_460, %swap3A_461], %swap3A_464 {strides = array<i32>} : memref<16x16xf32, #tpu.memory_space<vmem>>, vector<1x16xf32>,
      %swap3A_465 = arith.constant 15 : i32
      %swap3A_466 = arith.index_cast %swap3A_465 : i32 to index
      %swap3A_467 = arith.constant 0 : index
      %swap3A_468 = tpu.vector_load %arg8[%swap3A_466, %swap3A_467] {strides = array<i32>} : memref<16x16xf32, #tpu.memory_space<vmem>>, vector<1x16xf32>,
      %swap3A_469 = vector.shape_cast %swap3A_468 : vector<1x16xf32> to vector<16xf32>
      %swap3A_470 = vector.shape_cast %while3A_458#1 : vector<16xf32> to vector<1x16xf32>
      tpu.vector_store %arg8[%swap3A_466, %swap3A_467], %swap3A_470 {strides = array<i32>} : memref<16x16xf32, #tpu.memory_space<vmem>>, vector<1x16xf32>,
    } else {
    }
    %run_scoped3A = arith.constant 0 : i32
    "tpu.region"() ({
      %run_scoped3A_404 = tpu.sem_alloc : memref<!tpu.dma_semaphore, #tpu.memory_space<semaphore_mem>>
      %dma_start3A_405 = arith.constant 0 : i32
      %dma_start3A_406 = arith.constant 0 : i32
      %dma_start3A_407 = tpu.memref_slice %arg4[%add3A, %run_scoped3A, %dma_start3A_405, %dma_start3A_406] : memref<32x2x16x16xf32, #tpu.memory_space<hbm>> -> memref<1x1x16x16xf32, #tpu.memory_space<hbm>>
      %dma_start3A_408 = tpu.memref_squeeze %dma_start3A_407 : memref<1x1x16x16xf32, #tpu.memory_space<hbm>> -> memref<16x16xf32, #tpu.memory_space<hbm>>
      %dma_start3A_409 = arith.constant 0 : i32
      %dma_start3A_410 = arith.constant 0 : i32
      %dma_start3A_411 = tpu.memref_slice %arg4[%add3A, %run_scoped3A, %dma_start3A_409, %dma_start3A_410] : memref<32x2x16x16xf32, #tpu.memory_space<hbm>> -> memref<1x1x16x16xf32, #tpu.memory_space<hbm>>
      %dma_start3A_412 = tpu.memref_squeeze %dma_start3A_411 : memref<1x1x16x16xf32, #tpu.memory_space<hbm>> -> memref<16x16xf32, #tpu.memory_space<hbm>>
      tpu.enqueue_dma source(%arg7 : memref<16x16xf32, #tpu.memory_space<vmem>>) target(%dma_start3A_412 : memref<16x16xf32, #tpu.memory_space<hbm>>) target_semaphore(%run_scoped3A_404 : memref<!tpu.dma_semaphore, #tpu.memory_space<semaphore_mem>>)
      %dma_wait3A_413 = arith.constant 0 : i32
      %dma_wait3A_414 = arith.constant 0 : i32
      %dma_wait3A_415 = tpu.memref_slice %arg4[%add3A, %run_scoped3A, %dma_wait3A_413, %dma_wait3A_414] : memref<32x2x16x16xf32, #tpu.memory_space<hbm>> -> memref<1x1x16x16xf32, #tpu.memory_space<hbm>>
      %dma_wait3A_416 = tpu.memref_squeeze %dma_wait3A_415 : memref<1x1x16x16xf32, #tpu.memory_space<hbm>> -> memref<16x16xf32, #tpu.memory_space<hbm>>
      %dma_wait3A_417 = arith.constant 0 : i32
      %dma_wait3A_418 = arith.constant 0 : i32
      %dma_wait3A_419 = tpu.memref_slice %arg4[%add3A, %run_scoped3A, %dma_wait3A_417, %dma_wait3A_418] : memref<32x2x16x16xf32, #tpu.memory_space<hbm>> -> memref<1x1x16x16xf32, #tpu.memory_space<hbm>>
      %dma_wait3A_420 = tpu.memref_squeeze %dma_wait3A_419 : memref<1x1x16x16xf32, #tpu.memory_space<hbm>> -> memref<16x16xf32, #tpu.memory_space<hbm>>
      tpu.wait_dma2 semaphore(%run_scoped3A_404 : memref<!tpu.dma_semaphore, #tpu.memory_space<semaphore_mem>>) src(%arg7 : memref<16x16xf32, #tpu.memory_space<vmem>>) dst(%dma_wait3A_420 : memref<16x16xf32, #tpu.memory_space<hbm>>)
      tpu.yield
    }) : () -> ()
    %run_scoped3A_403 = arith.constant 1 : i32
    "tpu.region"() ({
      %run_scoped3A_404 = tpu.sem_alloc : memref<!tpu.dma_semaphore, #tpu.memory_space<semaphore_mem>>
      %dma_start3A_405 = arith.constant 0 : i32
      %dma_start3A_406 = arith.constant 0 : i32
      %dma_start3A_407 = tpu.memref_slice %arg4[%add3A, %run_scoped3A_403, %dma_start3A_405, %dma_start3A_406] : memref<32x2x16x16xf32, #tpu.memory_space<hbm>> -> memref<1x1x16x16xf32, #tpu.memory_space<hbm>>
      %dma_start3A_408 = tpu.memref_squeeze %dma_start3A_407 : memref<1x1x16x16xf32, #tpu.memory_space<hbm>> -> memref<16x16xf32, #tpu.memory_space<hbm>>
      %dma_start3A_409 = arith.constant 0 : i32
      %dma_start3A_410 = arith.constant 0 : i32
      %dma_start3A_411 = tpu.memref_slice %arg4[%add3A, %run_scoped3A_403, %dma_start3A_409, %dma_start3A_410] : memref<32x2x16x16xf32, #tpu.memory_space<hbm>> -> memref<1x1x16x16xf32, #tpu.memory_space<hbm>>
      %dma_start3A_412 = tpu.memref_squeeze %dma_start3A_411 : memref<1x1x16x16xf32, #tpu.memory_space<hbm>> -> memref<16x16xf32, #tpu.memory_space<hbm>>
      tpu.enqueue_dma source(%arg8 : memref<16x16xf32, #tpu.memory_space<vmem>>) target(%dma_start3A_412 : memref<16x16xf32, #tpu.memory_space<hbm>>) target_semaphore(%run_scoped3A_404 : memref<!tpu.dma_semaphore, #tpu.memory_space<semaphore_mem>>)
      %dma_wait3A_413 = arith.constant 0 : i32
      %dma_wait3A_414 = arith.constant 0 : i32
      %dma_wait3A_415 = tpu.memref_slice %arg4[%add3A, %run_scoped3A_403, %dma_wait3A_413, %dma_wait3A_414] : memref<32x2x16x16xf32, #tpu.memory_space<hbm>> -> memref<1x1x16x16xf32, #tpu.memory_space<hbm>>
      %dma_wait3A_416 = tpu.memref_squeeze %dma_wait3A_415 : memref<1x1x16x16xf32, #tpu.memory_space<hbm>> -> memref<16x16xf32, #tpu.memory_space<hbm>>
      %dma_wait3A_417 = arith.constant 0 : i32
      %dma_wait3A_418 = arith.constant 0 : i32
      %dma_wait3A_419 = tpu.memref_slice %arg4[%add3A, %run_scoped3A_403, %dma_wait3A_417, %dma_wait3A_418] : memref<32x2x16x16xf32, #tpu.memory_space<hbm>> -> memref<1x1x16x16xf32, #tpu.memory_space<hbm>>
      %dma_wait3A_420 = tpu.memref_squeeze %dma_wait3A_419 : memref<1x1x16x16xf32, #tpu.memory_space<hbm>> -> memref<16x16xf32, #tpu.memory_space<hbm>>
      tpu.wait_dma2 semaphore(%run_scoped3A_404 : memref<!tpu.dma_semaphore, #tpu.memory_space<semaphore_mem>>) src(%arg8 : memref<16x16xf32, #tpu.memory_space<vmem>>) dst(%dma_wait3A_420 : memref<16x16xf32, #tpu.memory_space<hbm>>)
      tpu.yield
    }) : () -> ()
    return
  }
}

module attributes {stable_mosaic.version = 14 : i64} {
  func.func @_fin_body(%arg0: memref<32x2x16x16xf32, #tpu.memory_space<vmem>>, %arg1: memref<1x1xf32, #tpu.memory_space<vmem>>, %arg2: memref<16x1xf32, #tpu.memory_space<vmem>>) attributes {dimension_semantics = [], scalar_prefetch = 0 : i64, scratch_operands = 0 : i64, tpu.core_type = #tpu.core_type<tc>} {
    %get3A = arith.constant 0 : index
    %get3A_0 = arith.constant 0 : index
    %get3A_1 = arith.constant 0 : index
    %get3A_2 = arith.constant 0 : index
    %get3A_3 = vector.load %arg0[%get3A, %get3A_0, %get3A_1, %get3A_2] : memref<32x2x16x16xf32, #tpu.memory_space<vmem>>, vector<32x2x16x16xf32>
    %slice3A = vector.extract_strided_slice %get3A_3 {offsets = [0, 0, 0, 0], sizes = [32, 1, 16, 16], strides = [1, 1, 1, 1]} : vector<32x2x16x16xf32> to vector<32x1x16x16xf32>
    %squeeze3A = vector.shape_cast %slice3A : vector<32x1x16x16xf32> to vector<32x16x16xf32>
    %reduce_sum3A = arith.constant dense<0.000000e+00> : vector<16xf32>
    %reduce_sum3A_4 = vector.multi_reduction <add>, %squeeze3A, %reduce_sum3A [0, 2] : vector<32x16x16xf32> to vector<16xf32>
    %slice3A_5 = vector.extract_strided_slice %get3A_3 {offsets = [0, 1, 0, 0], sizes = [32, 1, 16, 16], strides = [1, 1, 1, 1]} : vector<32x2x16x16xf32> to vector<32x1x16x16xf32>
    %squeeze3A_6 = vector.shape_cast %slice3A_5 : vector<32x1x16x16xf32> to vector<32x16x16xf32>
    %reduce_sum3A_7 = arith.constant dense<0.000000e+00> : vector<16xf32>
    %reduce_sum3A_8 = vector.multi_reduction <add>, %squeeze3A_6, %reduce_sum3A_7 [0, 2] : vector<32x16x16xf32> to vector<16xf32>
    %gt3A = arith.constant 0.000000e+00 : f32
    %gt3A_9 = vector.broadcast %gt3A : f32 to vector<16xf32>
    %gt3A_10 = arith.cmpf ogt, %reduce_sum3A_8, %gt3A_9 : vector<16xf32>
    %jit3A = arith.constant 1.000000e+00 : f32
    %broadcast_in_dim3A = vector.broadcast %jit3A : f32 to vector<16xf32>
    %select_n3A = arith.select %gt3A_10, %reduce_sum3A_8, %broadcast_in_dim3A : vector<16xi1>, vector<16xf32>
    %div3A = arith.divf %reduce_sum3A_4, %select_n3A : vector<16xf32>
    %get3A_11 = arith.constant 0 : index
    %get3A_12 = arith.constant 0 : index
    %get3A_13 = vector.load %arg1[%get3A_11, %get3A_12] : memref<1x1xf32, #tpu.memory_space<vmem>>, vector<1x1xf32>
    %get3A_14 = vector.extract %get3A_13[0, 0] : f32 from vector<1x1xf32>
    %add3A = vector.broadcast %get3A_14 : f32 to vector<16xf32>
    %add3A_15 = arith.addf %div3A, %add3A : vector<16xf32>
    %reshape3A = vector.shape_cast %add3A_15 : vector<16xf32> to vector<16x1xf32>
    %swap3A = arith.constant 0 : index
    %swap3A_16 = arith.constant 0 : index
    %swap3A_17 = vector.load %arg2[%swap3A, %swap3A_16] : memref<16x1xf32, #tpu.memory_space<vmem>>, vector<16x1xf32>
    tpu.vector_store %arg2[%swap3A, %swap3A_16], %reshape3A {strides = array<i32>} : memref<16x1xf32, #tpu.memory_space<vmem>>, vector<16x1xf32>,
    return
  }
}

module attributes {stable_mosaic.version = 14 : i64} {
  func.func @_enc_body(%arg0: i32, %arg1: memref<1024x128xf32, #tpu.memory_space<vmem>>, %arg2: memref<1024x128xf32, #tpu.memory_space<vmem>>, %arg3: memref<1024x128xf32, #tpu.memory_space<vmem>>, %arg4: memref<1024x128xf32, #tpu.memory_space<vmem>>, %arg5: memref<256x128xf32, #tpu.memory_space<vmem>>, %arg6: memref<1x128xf32, #tpu.memory_space<vmem>>, %arg7: memref<128x64xf32, #tpu.memory_space<vmem>>, %arg8: memref<64x1xf32, #tpu.memory_space<vmem>>, %arg9: memref<128x1xf32, #tpu.memory_space<vmem>>, %arg10: memref<2x2048xf32, #tpu.memory_space<vmem>>) attributes {dimension_semantics = [#tpu.dimension_semantics<arbitrary>], iteration_bounds = array<i64: 16>, scalar_prefetch = 0 : i64, scratch_operands = 0 : i64, tpu.core_type = #tpu.core_type<tc>, window_params = [{transform_indices = @transform_0, window_bounds = array<i64: 1024, 128>}, {transform_indices = @transform_1, window_bounds = array<i64: 1024, 128>}, {transform_indices = @transform_2, window_bounds = array<i64: 1024, 128>}, {transform_indices = @transform_3, window_bounds = array<i64: 1024, 128>}, {pipeline_mode = #tpu.pipeline_mode<synchronous>, transform_indices = @transform_4, window_bounds = array<i64: 256, 128>}, {pipeline_mode = #tpu.pipeline_mode<synchronous>, transform_indices = @transform_5, window_bounds = array<i64: 1, 128>}, {pipeline_mode = #tpu.pipeline_mode<synchronous>, transform_indices = @transform_6, window_bounds = array<i64: 128, 64>}, {pipeline_mode = #tpu.pipeline_mode<synchronous>, transform_indices = @transform_7, window_bounds = array<i64: 64, 1>}, {pipeline_mode = #tpu.pipeline_mode<synchronous>, transform_indices = @transform_8, window_bounds = array<i64: 128, 1>}, {transform_indices = @transform_9, window_bounds = array<i64: 2, 2048>}]} {
    %get3A = arith.constant 0 : index
    %get3A_0 = arith.constant 0 : index
    %get3A_1 = vector.load %arg5[%get3A, %get3A_0] : memref<256x128xf32, #tpu.memory_space<vmem>>, vector<256x128xf32>
    %convert_element_type3A = arith.truncf %get3A_1 : vector<256x128xf32> to vector<256x128xbf16>
    %slice3A = vector.extract_strided_slice %convert_element_type3A {offsets = [0, 0], sizes = [128, 128], strides = [1, 1]} : vector<256x128xbf16> to vector<128x128xbf16>
    %slice3A_2 = vector.extract_strided_slice %convert_element_type3A {offsets = [128, 0], sizes = [128, 128], strides = [1, 1]} : vector<256x128xbf16> to vector<128x128xbf16>
    %get3A_3 = arith.constant 0 : index
    %get3A_4 = arith.constant 0 : index
    %get3A_5 = vector.load %arg1[%get3A_3, %get3A_4] : memref<1024x128xf32, #tpu.memory_space<vmem>>, vector<1024x128xf32>
    %convert_element_type3A_6 = arith.truncf %get3A_5 : vector<1024x128xf32> to vector<1024x128xbf16>
    %dot_general3A = arith.constant dense<0.000000e+00> : vector<1024x128xf32>
    %dot_general3A_7 = tpu.matmul %convert_element_type3A_6, %slice3A, %dot_general3A {dimension_numbers = #tpu.dot_dimension_numbers<[1], [0], [0], [1], [0, 0, 1, 1], [], []>, transpose_lhs_hint = false} : vector<1024x128xbf16>, vector<128x128xbf16>, vector<1024x128xf32> -> vector<1024x128xf32>
    %get3A_8 = arith.constant 0 : index
    %get3A_9 = arith.constant 0 : index
    %get3A_10 = vector.load %arg2[%get3A_8, %get3A_9] : memref<1024x128xf32, #tpu.memory_space<vmem>>, vector<1024x128xf32>
    %convert_element_type3A_11 = arith.truncf %get3A_10 : vector<1024x128xf32> to vector<1024x128xbf16>
    %dot_general3A_12 = arith.constant dense<0.000000e+00> : vector<1024x128xf32>
    %dot_general3A_13 = tpu.matmul %convert_element_type3A_11, %slice3A_2, %dot_general3A_12 {dimension_numbers = #tpu.dot_dimension_numbers<[1], [0], [0], [1], [0, 0, 1, 1], [], []>, transpose_lhs_hint = false} : vector<1024x128xbf16>, vector<128x128xbf16>, vector<1024x128xf32> -> vector<1024x128xf32>
    %add3A = arith.addf %dot_general3A_7, %dot_general3A_13 : vector<1024x128xf32>
    %get3A_14 = arith.constant 0 : index
    %get3A_15 = arith.constant 0 : index
    %get3A_16 = vector.load %arg3[%get3A_14, %get3A_15] : memref<1024x128xf32, #tpu.memory_space<vmem>>, vector<1024x128xf32>
    %convert_element_type3A_17 = arith.truncf %get3A_16 : vector<1024x128xf32> to vector<1024x128xbf16>
    %dot_general3A_18 = arith.constant dense<0.000000e+00> : vector<1024x128xf32>
    %dot_general3A_19 = tpu.matmul %convert_element_type3A_17, %slice3A, %dot_general3A_18 {dimension_numbers = #tpu.dot_dimension_numbers<[1], [0], [0], [1], [0, 0, 1, 1], [], []>, transpose_lhs_hint = false} : vector<1024x128xbf16>, vector<128x128xbf16>, vector<1024x128xf32> -> vector<1024x128xf32>
    %get3A_20 = arith.constant 0 : index
    %get3A_21 = arith.constant 0 : index
    %get3A_22 = vector.load %arg4[%get3A_20, %get3A_21] : memref<1024x128xf32, #tpu.memory_space<vmem>>, vector<1024x128xf32>
    %convert_element_type3A_23 = arith.truncf %get3A_22 : vector<1024x128xf32> to vector<1024x128xbf16>
    %dot_general3A_24 = arith.constant dense<0.000000e+00> : vector<1024x128xf32>
    %dot_general3A_25 = tpu.matmul %convert_element_type3A_23, %slice3A_2, %dot_general3A_24 {dimension_numbers = #tpu.dot_dimension_numbers<[1], [0], [0], [1], [0, 0, 1, 1], [], []>, transpose_lhs_hint = false} : vector<1024x128xbf16>, vector<128x128xbf16>, vector<1024x128xf32> -> vector<1024x128xf32>
    %add3A_26 = arith.addf %dot_general3A_19, %dot_general3A_25 : vector<1024x128xf32>
    %concatenate3A = tpu.concatenate %add3A, %add3A_26 in 0 : vector<1024x128xf32>, vector<1024x128xf32> -> vector<2048x128xf32>
    %get3A_27 = arith.constant 0 : index
    %get3A_28 = arith.constant 0 : index
    %get3A_29 = vector.load %arg6[%get3A_27, %get3A_28] : memref<1x128xf32, #tpu.memory_space<vmem>>, vector<1x128xf32>
    %add3A_30 = vector.broadcast %get3A_29 : vector<1x128xf32> to vector<2048x128xf32>
    %add3A_31 = arith.addf %concatenate3A, %add3A_30 : vector<2048x128xf32>
    %convert_element_type3A_32 = arith.truncf %add3A_31 : vector<2048x128xf32> to vector<2048x128xbf16>
    %get3A_33 = arith.constant 0 : index
    %get3A_34 = arith.constant 0 : index
    %get3A_35 = vector.load %arg7[%get3A_33, %get3A_34] : memref<128x64xf32, #tpu.memory_space<vmem>>, vector<128x64xf32>
    %convert_element_type3A_36 = arith.truncf %get3A_35 : vector<128x64xf32> to vector<128x64xbf16>
    %dot_general3A_37 = arith.constant dense<0.000000e+00> : vector<2048x64xf32>
    %dot_general3A_38 = tpu.matmul %convert_element_type3A_32, %convert_element_type3A_36, %dot_general3A_37 {dimension_numbers = #tpu.dot_dimension_numbers<[1], [0], [0], [1], [0, 0, 1, 1], [], []>, transpose_lhs_hint = false} : vector<2048x128xbf16>, vector<128x64xbf16>, vector<2048x64xf32> -> vector<2048x64xf32>
    %tanh3A = math.tanh %dot_general3A_38 : vector<2048x64xf32>
    %get3A_39 = arith.constant 0 : index
    %get3A_40 = arith.constant 0 : index
    %get3A_41 = vector.load %arg8[%get3A_39, %get3A_40] : memref<64x1xf32, #tpu.memory_space<vmem>>, vector<64x1xf32>
    %dot_general3A_42 = arith.constant dense<0.000000e+00> : vector<1x2048xf32>
    %dot_general3A_43 = tpu.matmul %get3A_41, %tanh3A, %dot_general3A_42 {dimension_numbers = #tpu.dot_dimension_numbers<[0], [1], [1], [0], [0, 1, 1, 0], [], []>, transpose_lhs_hint = false} : vector<64x1xf32>, vector<2048x64xf32>, vector<1x2048xf32> -> vector<1x2048xf32>
    %exp3A = math.exp %dot_general3A_43 : vector<1x2048xf32>
    %get3A_44 = arith.constant 0 : index
    %get3A_45 = arith.constant 0 : index
    %get3A_46 = vector.load %arg9[%get3A_44, %get3A_45] : memref<128x1xf32, #tpu.memory_space<vmem>>, vector<128x1xf32>
    %dot_general3A_47 = arith.constant dense<0.000000e+00> : vector<1x2048xf32>
    %dot_general3A_48 = tpu.matmul %get3A_46, %add3A_31, %dot_general3A_47 {dimension_numbers = #tpu.dot_dimension_numbers<[0], [1], [1], [0], [0, 1, 1, 0], [], []>, transpose_lhs_hint = false} : vector<128x1xf32>, vector<2048x128xf32>, vector<1x2048xf32> -> vector<1x2048xf32>
    %mul3A = arith.mulf %exp3A, %dot_general3A_48 : vector<1x2048xf32>
    %concatenate3A_49 = tpu.concatenate %mul3A, %exp3A in 0 : vector<1x2048xf32>, vector<1x2048xf32> -> vector<2x2048xf32>
    %swap3A = arith.constant 0 : index
    %swap3A_50 = arith.constant 0 : index
    %swap3A_51 = vector.load %arg10[%swap3A, %swap3A_50] : memref<2x2048xf32, #tpu.memory_space<vmem>>, vector<2x2048xf32>
    tpu.vector_store %arg10[%swap3A, %swap3A_50], %concatenate3A_49 {strides = array<i32>} : memref<2x2048xf32, #tpu.memory_space<vmem>>, vector<2x2048xf32>,
    return
  }
  func.func @transform_0(%arg0: i32) -> (i32, i32) {
    %mul3A = arith.constant 2 : i32
    %mul3A_0 = arith.muli %mul3A, %arg0 : i32
    %c0_i32 = arith.constant 0 : i32
    %c0_i32_1 = arith.constant 0 : i32
    return %mul3A_0, %c0_i32 : i32, i32
  }
  func.func @transform_1(%arg0: i32) -> (i32, i32) {
    %mul3A = arith.constant 2 : i32
    %mul3A_0 = arith.muli %mul3A, %arg0 : i32
    %c1_i32 = arith.constant 1 : i32
    %c0_i32 = arith.constant 0 : i32
    return %mul3A_0, %c1_i32 : i32, i32
  }
  func.func @transform_2(%arg0: i32) -> (i32, i32) {
    %mul3A = arith.constant 2 : i32
    %mul3A_0 = arith.muli %mul3A, %arg0 : i32
    %add3A = arith.constant 1 : i32
    %add3A_1 = arith.addi %mul3A_0, %add3A : i32
    %c0_i32 = arith.constant 0 : i32
    %c0_i32_2 = arith.constant 0 : i32
    return %add3A_1, %c0_i32 : i32, i32
  }
  func.func @transform_3(%arg0: i32) -> (i32, i32) {
    %mul3A = arith.constant 2 : i32
    %mul3A_0 = arith.muli %mul3A, %arg0 : i32
    %add3A = arith.constant 1 : i32
    %add3A_1 = arith.addi %mul3A_0, %add3A : i32
    %c1_i32 = arith.constant 1 : i32
    %c0_i32 = arith.constant 0 : i32
    return %add3A_1, %c1_i32 : i32, i32
  }
  func.func @transform_4(%arg0: i32) -> (i32, i32) {
    %c0_i32 = arith.constant 0 : i32
    %c0_i32_0 = arith.constant 0 : i32
    %c0_i32_1 = arith.constant 0 : i32
    return %c0_i32, %c0_i32_0 : i32, i32
  }
  func.func @transform_5(%arg0: i32) -> (i32, i32) {
    %c0_i32 = arith.constant 0 : i32
    %c0_i32_0 = arith.constant 0 : i32
    %c0_i32_1 = arith.constant 0 : i32
    return %c0_i32, %c0_i32_0 : i32, i32
  }
  func.func @transform_6(%arg0: i32) -> (i32, i32) {
    %c0_i32 = arith.constant 0 : i32
    %c0_i32_0 = arith.constant 0 : i32
    %c0_i32_1 = arith.constant 0 : i32
    return %c0_i32, %c0_i32_0 : i32, i32
  }
  func.func @transform_7(%arg0: i32) -> (i32, i32) {
    %c0_i32 = arith.constant 0 : i32
    %c0_i32_0 = arith.constant 0 : i32
    %c0_i32_1 = arith.constant 0 : i32
    return %c0_i32, %c0_i32_0 : i32, i32
  }
  func.func @transform_8(%arg0: i32) -> (i32, i32) {
    %c0_i32 = arith.constant 0 : i32
    %c0_i32_0 = arith.constant 0 : i32
    %c0_i32_1 = arith.constant 0 : i32
    return %c0_i32, %c0_i32_0 : i32, i32
  }
  func.func @transform_9(%arg0: i32) -> (i32, i32) {
    %c0_i32 = arith.constant 0 : i32
    %c0_i32_0 = arith.constant 0 : i32
    return %c0_i32, %arg0 : i32, i32
  }
}

</mosaic_0001>

<sc_bundles>
// kernel: kernel.5.cloned.1.call-start
scs
__scs_entry_jumppad:
0x0: {  	(pc) =	sbr.rel $0x88, $3  }
0x1: {  	(tag) =	ssettag $0x0;
	lr =	simm.s32 $0x1  }
0x2: {  	[smem:$0x3F99] =	sst lr;
	_ =	strace $0xD0000000  }
0x3: {  	_ = 	snop  }
0x4: {  	_ = 	snop  }
0x5: {  	_ = 	snop  }
0x6: {  	_ = 	snop  }
0x7: {  	_ = 	snop  }
__scs_overlays_trampoline_lowered:
0x8: {  	[smem:$0x3FA8] =	sst s0  }
0x9: {  	[smem:$0x3FA9] =	sst s1  }
0xa: {  	[smem:$0x3FAA] =	sst s2  }
0xb: {  	[smem:$0x3FAB] =	sst s3  }
0xc: {  	[smem:$0x3FAC] =	sst s4  }
0xd: {  	[smem:$0x3FAD] =	sst s5  }
0xe: {  	[smem:$0x3FAE] =	sst s6  }
0xf: {  	[smem:$0x3FAF] =	sst s7  }
0x10: {  	[smem:$0x3FB0] =	sst s8  }
0x11: {  	[smem:$0x3FB1] =	sst s9;
	s0 =	simm.s32 @!p0 $0x0  }
0x12: {  	s1 =	sld [smem:$0x3F97];
	s0 =	simm.s32 @p0 $0x1  }
0x13: {  	[smem:$0x3FB2] =	sst s0;
	s0 =	simm.s32 @!p1 $0x0  }
0x14: {  	s2 =	sld [smem:$0x3F96];
	s0 =	simm.s32 @p1 $0x1  }
0x15: {  	[smem:$0x3FB3] =	sst s0;
	s0 =	simm.s32 @!p2 $0x0  }
0x16: {  	s3 =	sld [smem:$0x3FDB];
	s0 =	simm.s32 @p2 $0x1  }
0x17: {  	s4 =	simm.s32 $0x1BF5;
	[smem:$0x3FB5] =	sst s0  }
0x18: {  	s0 =	sld [smem:$0x3F98];
	_ =	swait.ge [sflag:s4], $0x0  }
0x19: {  	s7 =	sld [smem:$0x3F99]  }
0x1a: {  	s8 =	sadd.s32 $0xFFFFE003, lr  }
0x1b: {  	s9 =	sadd.s32 $0xFFFFFEF7, lr;
	s5 =	simm.s32 $0xFFFFFFFF;
	p2 =	slt.u32 s8, $0xFFFFF086  }
0x1c: {  	p1 =	slt.u32 s9, $0xF7A;
	s5 =	simm.s32 @!p2 $0x0  }
0x1d: {  	s5 =	simm.s32 @p1 $0x1;
	p0 =	seq.s32 s7, s2  }
0x1e: {  	s7 =	smul.u32 @!p0 $0xF7A, s2;
	p2 =	seq.s32 @!p0 s5, $0x0  }
0x1f: {  	s9 =	smul.u32 $0xF7A, s1;
	s8 =	simm.s32 @!p0 $0x1BF5;
	p2 =	por !p2, p0  }
0x20: {  	[sflag:s8] =	ssyncset.s32 @!p0 $0xFFFFF086;
	s6 =	sadd.s32 @!p0 s3, s7;
	s7 =	simm.s32 @!p0 $0x108  }
0x21: {  	s3 =	sadd.s32 s3, s9;
	s6 =	sadd.s32 @!p0 $0x88, s6;
	s7 =	simm.s32 @p2 $0x1082  }
0x22: {  	[simem:s7], [sflag:s8] =	dma.local @!p0 [hbm:s6], $0xF7A  }
0x23: {  	s9 =	sor.u32 $0xD0000000, s2;
	s6 =	simm.s32 $0x108;
	_ =	swait.ge @!p0 [sflag:s8], $0x0  }
0x24: {  	s3 =	sadd.s32 $0x88, s3;
	s6 =	simm.s32 @!p1 $0x1082;
	[sflag:s4] =	ssyncset.s32 $0xFFFFF086  }
0x25: {  	[simem:s6], [sflag:s4] =	dma.local [hbm:s3], $0xF7A  }
0x26: {  	[smem:$0x3F99] =	sst s1;
	(tag) =	ssettag s2;
	_ =	strace s9  }
0x27: {  	s1 =	sld [smem:$0x3FA9]  }
0x28: {  	s2 =	sld [smem:$0x3FAA]  }
0x29: {  	s4 =	sld [smem:$0x3FAC]  }
0x2a: {  	p0 =	seq.s32 s5, $0x0;
	s5 =	sld [smem:$0x3FAD]  }
0x2b: {  	s6 =	sld [smem:$0x3FAE]  }
0x2c: {  	s7 =	sld [smem:$0x3FAF]  }
0x2d: {  	s3 =	simm.s32 $0x108;
	s8 =	sld [smem:$0x3FB0]  }
0x2e: {  	s3 =	simm.s32 @!p0 $0x1082;
	s9 =	sld [smem:$0x3FB1]  }
0x2f: {  	lr =	sadd.s32 s0, s3;
	s0 =	sld [smem:$0x3FA8]  }
0x30: {  	s3 =	sld [smem:$0x3FAB]  }
0x31: {  	[smem:$0x3FB4] =	sst s10  }
0x32: {  	s10 =	sld [smem:$0x3FB2];
	_ =	sdelay $0x3  }
0x33: {  	p0 =	seq.s32 s10, $0x1;
	s10 =	sld [smem:$0x3FB4];
	_ =	sdelay $0x3  }
0x34: {  	[smem:$0x3FB4] =	sst s10  }
0x35: {  	s10 =	sld [smem:$0x3FB3];
	_ =	sdelay $0x3  }
0x36: {  	p1 =	seq.s32 s10, $0x1;
	s10 =	sld [smem:$0x3FB4];
	_ =	sdelay $0x3  }
0x37: {  	[smem:$0x3FB4] =	sst s10  }
0x38: {  	s10 =	sld [smem:$0x3FB5]  }
0x39: {  	_ = 	snop;
	(pc) =	sbr.ind lr, $3  }
0x3a: {  	_ = 	snop  }
0x3b: {  	_ = 	snop  }
0x3c: {  	p2 =	seq.s32 s10, $0x1;
	s10 =	sld [smem:$0x3FB4]  }
0x3d: {  	_ =	shalt  }
0x3e: {  	_ =	shalt  }
0x3f: {  	_ =	shalt  }
0x40: {  	_ =	shalt  }
0x41: {  	_ =	shalt  }
0x42: {  	_ =	shalt  }
0x43: {  	_ =	shalt  }
0x44: {  	_ =	shalt  }
0x45: {  	_ =	shalt  }
0x46: {  	_ =	shalt  }
0x47: {  	_ =	shalt  }
0x48: {  	_ =	shalt  }
0x49: {  	_ =	shalt  }
0x4a: {  	_ =	shalt  }
0x4b: {  	_ =	shalt  }
0x4c: {  	_ =	shalt  }
0x4d: {  	_ =	shalt  }
0x4e: {  	_ =	shalt  }
0x4f: {  	_ =	shalt  }
0x50: {  	_ =	shalt  }
0x51: {  	_ =	shalt  }
0x52: {  	_ =	shalt  }
0x53: {  	_ =	shalt  }
0x54: {  	_ =	shalt  }
0x55: {  	_ =	shalt  }
0x56: {  	_ =	shalt  }
0x57: {  	_ =	shalt  }
0x58: {  	_ =	shalt  }
0x59: {  	_ =	shalt  }
0x5a: {  	_ =	shalt  }
0x5b: {  	_ =	shalt  }
0x5c: {  	_ =	shalt  }
0x5d: {  	_ =	shalt  }
0x5e: {  	_ =	shalt  }
0x5f: {  	_ =	shalt  }
0x60: {  	_ =	shalt  }
0x61: {  	_ =	shalt  }
0x62: {  	_ =	shalt  }
0x63: {  	_ =	shalt  }
0x64: {  	_ =	shalt  }
0x65: {  	_ =	shalt  }
0x66: {  	_ =	shalt  }
0x67: {  	_ =	shalt  }
0x68: {  	_ =	shalt  }
0x69: {  	_ =	shalt  }
0x6a: {  	_ =	shalt  }
0x6b: {  	_ =	shalt  }
0x6c: {  	_ =	shalt  }
0x6d: {  	_ =	shalt  }
0x6e: {  	_ =	shalt  }
0x6f: {  	_ =	shalt  }
0x70: {  	_ =	shalt  }
0x71: {  	_ =	shalt  }
0x72: {  	_ =	shalt  }
0x73: {  	_ =	shalt  }
0x74: {  	_ =	shalt  }
0x75: {  	_ =	shalt  }
0x76: {  	_ =	shalt  }
0x77: {  	_ =	shalt  }
0x78: {  	_ =	shalt  }
0x79: {  	_ =	shalt  }
0x7a: {  	_ =	shalt  }
0x7b: {  	_ =	shalt  }
0x7c: {  	_ =	shalt  }
0x7d: {  	_ =	shalt  }
0x7e: {  	_ =	shalt  }
0x7f: {  	_ =	shalt  }
0x80: {  	_ =	shalt  }
0x81: {  	_ =	shalt  }
0x82: {  	_ =	shalt  }
0x83: {  	_ =	shalt  }
0x84: {  	_ =	shalt  }
0x85: {  	_ =	shalt  }
0x86: {  	_ =	shalt  }
0x87: {  	_ =	shalt  }
.Lfunc_end0:
.L_simem_size_0:
called_computation_lowered:
.L_overlay_start_0:
0x88: {  	s2 =	sld [smem:$0x3FD9]  }
0x89: {  	s3 =	sld [smem:$0x3FFE];
	_ =	sdelay $0x1  }
0x8a: {  	s1 =	srdreg.scid  }
0x8b: {  	s0 =	sand.u32 $0x1, s1  }
0x8c: {  	s17 =	sshll.u32 s0, $0xA;
	s2 =	sadd.s32 s3, s2  }
0x8d: {  	s2 =	sadd.s32 s2, s17  }
0x8e: {  	[smem:$0x3FC0] =	sst s2  }
0x8f: {  	_ = 	snop  }
0x90: {  	s2 =	sld [smem:$0x3FD0];
	(tm) =	ssettm $0x1  }
0x91: {  	s18 =	sld [smem:$0x3FFB];
	_ =	sdelay $0x3  }
0x92: {  	_ =	strace s18  }
0x93: {  	s3 =	sld [smem:$0x3FFC];
	_ =	sdelay $0x3  }
0x94: {  	_ =	strace s3  }
0x95: {  	s3 =	sld [smem:$0x3FFD];
	_ =	sdelay $0x3  }
0x96: {  	_ =	strace s3  }
0x97: {  	_ =	strace $0x8FFFFFFF  }
0x98: {  	s19 =	sld [smem:$0x3FDB];
	_ =	sdelay $0x1  }
0x99: {  	s4 =	simm.s32 $_scs_section_size  }
0x9a: {  	s5 =	simm.s32 $_size__tile_overlayer_lowered;
	s6 =	simm.s32 $_tile_overlayer_lowered  }
0x9b: {  	s22 =	simm.s32 $0x1BFF;
	s21 =	sshll.u32 s6, $0x1;
	s3 =	sadd.s32 s4, s19  }
0x9c: {  	s7 =	simm.s32 $0x0;
	s20 =	sshll.u32 s5, $0x1;
	s5 =	sadd.s32 s21, s3  }
0x9d: {  	[timem:s7], [sflag:s22] =	dma.local [hbm:s5], s20  }
0x9e: {  	_ =	swait.ge [sflag:s22], s20  }
0x9f: {  	s4 =	ssub.s32 $0x0, s20;
	[sflag:s22] =	ssyncset.done $0x0  }
0xa0: {  	[sflag:s22] =	ssyncadd.s32 s4;
	_ =	sdelay $0x1  }
0xa1: {  	s23 =	simm.s32 $0x1B8B  }
0xa2: {  	_ =	swait.ge [sflag:s23], $0x1  }
0xa3: {  	[sflag:s23] =	ssyncset.done $0x0  }
0xa4: {  	s25 =	simm.s32 $0x1B8E;
	s24 =	sld [smem:$0x3FFE];
	[sflag:s23] =	ssyncadd.s32 $0xFFFFFFFF  }
0xa5: {  	s26 =	simm.s32 $execute0_lowered;
	[smem:$0x3FD2] =	sst s25  }
0xa6: {  	s5 =	sshll.u32 s26, $0x1;
	_ =	strace $0x80000046;
	[dreg:$0x1] =	wrdreg $0xFFFFFFFF  }
0xa7: {  	s28 =	simm.s32 $_size_execute0_lowered;
	s3 =	sadd.s32 s3, s5;
	[dreg:$0x0] =	wrdreg $0x0  }
0xa8: {  	s5 =	sshll.u32 s28, $0x1;
	[dreg:$0x2] =	wrdreg s3  }
0xa9: {  	[dreg:$0x3] =	wrdreg s5  }
0xaa: {  	[dreg:$0x4] =	wrdreg $0xC0  }
0xab: {  	_ =	task [dreg:s7], $0x5FFFF  }
0xac: {  	[dreg:$0x1] =	wrdreg $0xFFFFFFFF  }
0xad: {  	[dreg:$0x0] =	wrdreg $0x60  }
0xae: {  	[dreg:$0x2] =	wrdreg s24  }
0xaf: {  	[dreg:$0x3] =	wrdreg s2  }
0xb0: {  	[dreg:$0x4] =	wrdreg $0x9  }
0xb1: {  	_ =	task.clear_ibuf [dreg:s7], $0x5FFFF;
	_ =	strace $0x90000046  }
0xb2: {  	s29 =	simm.s32 $0x9;
	_ =	strace $0x80000048  }
0xb3: {  	_ =	swait.ge [sflag:s29], $0x1  }
0xb4: {  	[sflag:s29] =	ssyncadd.s32 $0xFFFFFFFF  }
0xb5: {  	_ =	strace $0x90000048  }
0xb6: {  	_ =	sfence  }
0xb7: {  	s30 =	sld [smem:$0x0];
	_ =	sdelay $0x2  }
0xb8: {  	s31 =	sshll.u32 s1, $0xD;
	s1 =	sshrl.u32 s1, $0x2  }
0xb9: {  	s3 =	sand.u32 $0x4000, s31;
	s1 =	sadd.s32 s1, s30  }
0xba: {  	s0 =	sor.u32 s3, s0;
	s1 =	sshll.u32 s1, $0x11  }
0xbb: {  	s0 =	sor.u32 s1, s0  }
0xbc: {  	s0 =	sadd.s32 $0x8F2B, s0  }
0xbd: {  	[sflag:s0] =	ssyncadd.remote.s32 $0x1  }
0xbe: {  	_ =	sfence.sel $0xFFFF  }
0xbf: {  	[dreg:$0x0] =	wrdreg $0xFFFFFFFF;
	(pc) =	sbr.abs _section_cstart, $3  }
0xc0: {  	[dreg:$0x1] =	wrdreg $0xFFFFFFFF  }
0xc1: {  	_ =	task.clear_ibuf [dreg:s7], $0x2FFFF;
	_ =	strace $0x9FFFFFFF  }
0xc2: {  	(tm) =	ssettm $0x7FFFFFFF  }
0xc3: {  	_ =	shalt  }
tec
execute0_lowered:
.L_overlay_start_1:
0x0: {  	(tag) =	ssettag $0x1  }
0x1: {  	s4 =	rddreg [dreg:$0x0]  }
0x2: {  	s2 =	rddreg [dreg:$0x1]  }
0x3: {  	s0 =	rddreg [dreg:$0x2]  }
0x4: {  	s5 =	srdreg.scid;
	s1 =	stileid.u32  }
0x5: {  	s3 =	simm.s32 $0x0;
	s14 =	simm.s32 $0x80;
	s15 =	simm.s32 $0x100  }
0x6: {  	s16 =	simm.s32 $0x400;
	s17 =	simm.s32 $0x1;
	s18 =	simm.s32 $0x2  }
0x7: {  	s19 =	simm.s32 $0x3;
	s20 =	simm.s32 $0x800;
	s21 =	simm.s32 $0x4  }
0x8: {  	s22 =	simm.s32 $0x1000;
	s23 =	simm.s32 $0x0;
	s12 =	sand.u32 $0x1, s5  }
0x9: {  	s31 =	sshll.u32 s1, $0x1;
	[smem:$0x7FF] =	sst s3;
	s13 =	sshll.u32 s1, $0xB  }
0xa: {  	s5 =	sor.u32 s12, s31;
	_ =	strace $0x80000047;
	s7 =	ssub.s32 $0x2, s12  }
0xb: {  	s12 =	sshll.u32 s12, $0xA;
	s6 =	sshll.u32 s5, $0x8;
	s8 =	sshll.u32 s5, $0x9  }
.Ltmp0:
0xc: {  	s9 =	sshrl.u32 s7, $0x1;
	s12 =	sor.u32 s12, s13;
	(pc) =	sbr.rel .LBB2_1-.Ltmp0, $4  }
0xd: {  	s13 =	simm.s32 $0x1800;
	s6 =	sadd.s32 s6, s4;
	s10 =	sadd.s32 s8, s4  }
0xe: {  	s11 =	ssub.s32 s7, s9;
	s4 =	sshll.u32 s5, $0xA;
	s5 =	sadd.s32 $0xE00, s6  }
0xf: {  	s6 =	sadd.s32 $0xE10, s6;
	s7 =	sadd.s32 $0x400, s4;
	s8 =	sadd.s32 $0x2E00, s10  }
0x10: {  	v0 =	vimm.f32 $0.0e+00;
	v1 =	vlaneseq.u32;
	s9 =	sadd.s32 $0x2F00, s10;
	s10 =	smax.u32 s11, $0x1;
	s11 =	ssub.s32 $0xF, s4  }
.LBB2_139:
0x11: {  	v7 =	vimm.f32 $0.0e+00;
	s29 =	smov.u32 s25;
	v6 =	vimm.f32 $0.0e+00  }
.LBB2_143:
0x12: {  	v9 =	vld [tilespmem:s24+$0x0];
	s24 =	sadd.s32 @p0 $0x10, s29  }
0x13: {  	s25 =	smov.u32 @p0 s24  }
0x14: {  	v10 =	vor.u32 s25, v1  }
0x15: {  	v7 =	vadd.f32 @p0 v8, v7;
	vm0 =	vge.s32 v10, v3;
	vm1 =	vlt.s32 v10, v4  }
0x16: {  	vm0 =	vmand vm0, vm1  }
0x17: {  	v3 =	vnsel vm0, $0x0, v5;
	v4 =	vnsel vm0, $0x0, v9;
	v5 =	vpsel p0, v7, v2  }
0x18: {  	v2 =	vadd.f32 v3, v6;
	v3 =	vadd.f32 v4, v5  }
.LBB2_144:
0x19: {  	_ = 	snop  }
0x1a: {  	[tilespmem:$0xF80] =	vst v3  }
0x1b: {  	[tilespmem:$0x1780] =	vst v2  }
.LBB2_145:
0x1c: {  	[hbm4b:s8+s3] =	stream.linear.scatter [tilespmem:s20], [sflag:$0x4], $0x800, $0x38;
	[tilespmem:$0x1880] =	vst v63  }
0x1d: {  	s23 =	sadd.s32 $0x1, s23;
	_ =	swait.ge [sflag:s21], $0x800  }
0x1e: {  	p0 =	sne.s32 s23, s10;
	[sflag:s21] =	ssyncset.done $0x0  }
.Ltmp1:
0x1f: {  	[sflag:s21] =	ssyncadd.s32 $0xFFFFF800;
	(pc) =	sbr.rel @!p0 .LBB2_146-.Ltmp1, $4  }
0x20: {  	[hbm4b:s9+s3] =	stream.linear.scatter [tilespmem:s22], [sflag:$0x4], $0x800, $0x38;
	[tilespmem:$0x1880] =	vst v63  }
0x21: {  	_ =	swait.ge [sflag:s21], $0x800  }
0x22: {  	[sflag:s21] =	ssyncset.done $0x0  }
0x23: {  	[sflag:s21] =	ssyncadd.s32 $0xFFFFF800  }
.LBB2_1:
0x24: {  	[tilespmem:s13], [sflag:$0x1] =	stream.linear.gather [hbm4b:s2+s3], $0x80, $0x38;
	[tilespmem:$0x1880] =	vst v63  }
0x25: {  	_ = 	snop  }
0x26: {  	[tilespmem:s3], [sflag:$0x2] =	stream.strided.gather [hbm4b:s5+s14], $0x400, s15, s14, $0x38;
	[tilespmem:$0x1880] =	vst v63  }
0x27: {  	_ = 	snop  }
0x28: {  	[tilespmem:s16], [sflag:$0x3] =	stream.strided.gather [hbm4b:s6+s14], $0x400, s15, s14, $0x38;
	[tilespmem:$0x1880] =	vst v63  }
0x29: {  	[tilespmem:$0x800] =	vst v0  }
0x2a: {  	[tilespmem:$0x1000] =	vst v0  }
0x2b: {  	[tilespmem:$0x880] =	vst v0  }
0x2c: {  	[tilespmem:$0x1080] =	vst v0  }
0x2d: {  	[tilespmem:$0x900] =	vst v0  }
0x2e: {  	[tilespmem:$0x1100] =	vst v0  }
0x2f: {  	[tilespmem:$0x980] =	vst v0  }
0x30: {  	[tilespmem:$0x1180] =	vst v0  }
0x31: {  	[tilespmem:$0xA00] =	vst v0  }
0x32: {  	[tilespmem:$0x1200] =	vst v0  }
0x33: {  	[tilespmem:$0xA80] =	vst v0  }
0x34: {  	[tilespmem:$0x1280] =	vst v0  }
0x35: {  	[tilespmem:$0xB00] =	vst v0  }
0x36: {  	[tilespmem:$0x1300] =	vst v0  }
0x37: {  	[tilespmem:$0xB80] =	vst v0  }
0x38: {  	[tilespmem:$0x1380] =	vst v0  }
0x39: {  	[tilespmem:$0xC00] =	vst v0  }
0x3a: {  	[tilespmem:$0x1400] =	vst v0  }
0x3b: {  	[tilespmem:$0xC80] =	vst v0  }
0x3c: {  	[tilespmem:$0x1480] =	vst v0  }
0x3d: {  	[tilespmem:$0xD00] =	vst v0  }
0x3e: {  	[tilespmem:$0x1500] =	vst v0  }
0x3f: {  	[tilespmem:$0xD80] =	vst v0  }
0x40: {  	[tilespmem:$0x1580] =	vst v0  }
0x41: {  	[tilespmem:$0xE00] =	vst v0  }
0x42: {  	[tilespmem:$0x1600] =	vst v0  }
0x43: {  	[tilespmem:$0xE80] =	vst v0  }
0x44: {  	[tilespmem:$0x1680] =	vst v0  }
0x45: {  	[tilespmem:$0xF00] =	vst v0  }
0x46: {  	[tilespmem:$0x1700] =	vst v0  }
0x47: {  	[tilespmem:$0xF80] =	vst v0  }
0x48: {  	[tilespmem:$0x1780] =	vst v0  }
0x49: {  	_ =	swait.ge [sflag:s17], $0x80  }
0x4a: {  	[sflag:s17] =	ssyncset.done $0x0  }
0x4b: {  	[sflag:s17] =	ssyncadd.s32 $0xFFFFFF80  }
0x4c: {  	_ =	swait.ge [sflag:s18], $0x400  }
0x4d: {  	[sflag:s18] =	ssyncset.done $0x0  }
0x4e: {  	[sflag:s18] =	ssyncadd.s32 $0xFFFFFC00  }
0x4f: {  	_ =	swait.ge [sflag:s19], $0x400  }
0x50: {  	[sflag:s19] =	ssyncset.done $0x0  }
0x51: {  	[sflag:s19] =	ssyncadd.s32 $0xFFFFFC00  }
0x52: {  	v2 =	vld [tilespmem:$0x1800]  }
0x53: {  	v3 =	vld [tilespmem:$0x1810];
	_ =	sdelay $0x3  }
0x54: {  	(v2sf) =	vpush v2, $0x0  }
0x55: {  	(v2sf) =	vpush v3, $0x0;
	_ =	sdelay $0xd  }
0x56: {  	s24 =	spop (v2sf)  }
0x57: {  	s25 =	spop (v2sf)  }
0x58: {  	p0 =	sgt.s32 s4, s24;
	s28 =	smov.u32 s24;
	p1 =	slt.s32 s7, s25  }
0x59: {  	s28 =	smov.u32 @p0 s4;
	s25 =	smov.u32 @p1 s7  }
0x5a: {  	p0 =	sle.s32 s25, s28  }
.Ltmp2:
0x5b: {  	_ = 	snop;
	(pc) =	sbr.rel @p0 .LBB2_10-.Ltmp2, $1  }
0x5c: {  	_ =	sdelay $0x3  }
0x5d: {  	s26 =	ssub.s32 s28, s4;
	p0 =	slt.s32 s4, s24;
	s24 =	simm.s32 $0x1  }
0x5e: {  	s29 =	sshra.s32 s26, $0x1F;
	s24 =	simm.s32 @!p0 $0x0  }
0x5f: {  	s30 =	sshrl.u32 s29, $0x1C;
	s24 =	sor.u32 s24, s29;
	s29 =	sand.u32 $0xF, s28  }
0x60: {  	p6 =	sne.s32 s24, $0x1;
	p1 =	sne.s32 s29, $0x0;
	s24 =	sadd.s32 s11, s25  }
0x61: {  	s26 =	sadd.s32 s30, s26;
	p0 =	por !p1, !p6;
	s29 =	sshra.s32 s24, $0x1F  }
0x62: {  	s30 =	simm.s32 $0x1;
	p0 =	por !p0, !p0;
	s29 =	sshrl.u32 s29, $0x1C  }
0x63: {  	s26 =	sshra.s32 s26, $0x4;
	s30 =	simm.s32 @!p0 $0x0;
	s24 =	sadd.s32 s29, s24  }
0x64: {  	s31 =	ssub.s32 s26, s30;
	s26 =	sshra.s32 s24, $0x4  }
0x65: {  	p0 =	sge.s32 s31, s26  }
.Ltmp3:
0x66: {  	_ = 	snop;
	(pc) =	sbr.rel @p0 .LBB2_9-.Ltmp3, $2  }
0x67: {  	_ =	sdelay $0x2  }
0x68: {  	v5 =	vimm.f32 $0.0e+00;
	v4 =	vimm.f32 $0.0e+00  }
0x69: {  	s30 =	sadd.s32 $0x1, s31  }
0x6a: {  	p1 =	slt.s32 s30, s26  }
.Ltmp4:
0x6b: {  	_ = 	snop;
	(pc) =	sbr.rel @!p1 .LBB2_4-.Ltmp4, $4  }
0x6c: {  	s24 =	sshll.u32 s31, $0x6  }
0x6d: {  	s24 =	sshra.s32 s24, $0x2  }
0x6e: {  	s31 =	sshll.u32 s31, $0x4;
	s29 =	sadd.s32 $0x400, s24  }
0x6f: {  	v5 =	vmov s28;
	v6 =	vmov s25;
	v4 =	vimm.f32 $0.0e+00;
	p0 =	por $0x0, $0x0;
	s25 =	sadd.s32 s31, s12;
	v7 =	vld [tilespmem:s29+$0x0]  }
0x70: {  	s28 =	sadd.s32 $0x1, s30  }
0x71: {  	v8 =	vld [tilespmem:s24+$0x0];
	p1 =	slt.s32 s28, s26  }
.Ltmp5:
0x72: {  	v9 =	vor.u32 s25, v1;
	(pc) =	sbr.rel @!p1 .LBB2_6-.Ltmp5, $4  }
0x73: {  	vm0 =	vge.s32 v9, v5;
	vm1 =	vlt.s32 v9, v6  }
0x74: {  	vm0 =	vmand vm0, vm1  }
0x75: {  	s30 =	sadd.s32 $0x10, s29;
	v9 =	vnsel vm0, $0x0, v7  }
0x76: {  	s24 =	sadd.s32 $0x10, s24;
	p0 =	por $0x1, $0x1;
	s29 =	smov.u32 s25;
	v7 =	vld [tilespmem:s30+$0x0];
	v10 =	vnsel vm0, $0x0, v8;
	v8 =	vadd.f32 v9, v4;
	v9 =	vimm.f32 $0.0e+00  }
.LBB2_7:
0x77: {  	s28 =	sadd.s32 $0x1, s28  }
0x78: {  	v11 =	vld [tilespmem:s24+$0x0];
	v9 =	vadd.f32 v10, v9;
	s29 =	sadd.s32 $0x10, s29;
	p1 =	slt.s32 s28, s26  }
.Ltmp6:
0x79: {  	v10 =	vor.u32 s29, v1;
	(pc) =	sbr.rel @p1 .LBB2_7-.Ltmp6, $4  }
0x7a: {  	vm0 =	vge.s32 v10, v5;
	vm1 =	vlt.s32 v10, v6  }
0x7b: {  	vm0 =	vmand vm0, vm1  }
0x7c: {  	s30 =	sadd.s32 $0x10, s30;
	v12 =	vnsel vm0, $0x0, v7  }
0x7d: {  	s24 =	sadd.s32 $0x10, s24;
	v7 =	vld [tilespmem:s30+$0x0];
	v10 =	vnsel vm0, $0x0, v11;
	v8 =	vadd.f32 v12, v8  }
.LBB2_8:
0x7e: {  	v11 =	vld [tilespmem:s24+$0x0];
	s24 =	sadd.s32 @p0 $0x10, s29  }
0x7f: {  	s25 =	smov.u32 @p0 s24  }
0x80: {  	v12 =	vor.u32 s25, v1  }
0x81: {  	v9 =	vadd.f32 @p0 v10, v9;
	vm0 =	vge.s32 v12, v5;
	vm1 =	vlt.s32 v12, v6  }
0x82: {  	vm0 =	vmand vm0, vm1  }
0x83: {  	v5 =	vnsel vm0, $0x0, v7;
	v6 =	vnsel vm0, $0x0, v11;
	v7 =	vpsel p0, v9, v4  }
0x84: {  	v4 =	vadd.f32 v5, v8;
	v5 =	vadd.f32 v6, v7  }
.LBB2_9:
0x85: {  	_ = 	snop  }
0x86: {  	[tilespmem:$0x800] =	vst v5  }
0x87: {  	[tilespmem:$0x1000] =	vst v4  }
.LBB2_10:
0x88: {  	(v2sf) =	vpush v2, $0x1  }
0x89: {  	(v2sf) =	vpush v3, $0x1;
	_ =	sdelay $0xd  }
0x8a: {  	s24 =	spop (v2sf)  }
0x8b: {  	s25 =	spop (v2sf)  }
0x8c: {  	p0 =	sgt.s32 s4, s24;
	s28 =	smov.u32 s24;
	p1 =	slt.s32 s7, s25  }
0x8d: {  	s28 =	smov.u32 @p0 s4;
	s25 =	smov.u32 @p1 s7  }
0x8e: {  	p0 =	sle.s32 s25, s28  }
.Ltmp7:
0x8f: {  	_ = 	snop;
	(pc) =	sbr.rel @p0 .LBB2_19-.Ltmp7, $1  }
0x90: {  	_ =	sdelay $0x3  }
0x91: {  	s26 =	ssub.s32 s28, s4;
	p0 =	slt.s32 s4, s24;
	s24 =	simm.s32 $0x1  }
0x92: {  	s29 =	sshra.s32 s26, $0x1F;
	s24 =	simm.s32 @!p0 $0x0  }
0x93: {  	s30 =	sshrl.u32 s29, $0x1C;
	s24 =	sor.u32 s24, s29;
	s29 =	sand.u32 $0xF, s28  }
0x94: {  	p6 =	sne.s32 s24, $0x1;
	p1 =	sne.s32 s29, $0x0;
	s24 =	sadd.s32 s11, s25  }
0x95: {  	s26 =	sadd.s32 s30, s26;
	p0 =	por !p1, !p6;
	s29 =	sshra.s32 s24, $0x1F  }
0x96: {  	s30 =	simm.s32 $0x1;
	p0 =	por !p0, !p0;
	s29 =	sshrl.u32 s29, $0x1C  }
0x97: {  	s26 =	sshra.s32 s26, $0x4;
	s30 =	simm.s32 @!p0 $0x0;
	s24 =	sadd.s32 s29, s24  }
0x98: {  	s31 =	ssub.s32 s26, s30;
	s26 =	sshra.s32 s24, $0x4  }
0x99: {  	p0 =	sge.s32 s31, s26  }
.Ltmp8:
0x9a: {  	_ = 	snop;
	(pc) =	sbr.rel @p0 .LBB2_18-.Ltmp8, $2  }
0x9b: {  	_ =	sdelay $0x2  }
0x9c: {  	v5 =	vimm.f32 $0.0e+00;
	v4 =	vimm.f32 $0.0e+00  }
0x9d: {  	s30 =	sadd.s32 $0x1, s31  }
0x9e: {  	p1 =	slt.s32 s30, s26  }
.Ltmp9:
0x9f: {  	_ = 	snop;
	(pc) =	sbr.rel @!p1 .LBB2_13-.Ltmp9, $4  }
0xa0: {  	s24 =	sshll.u32 s31, $0x6  }
0xa1: {  	s24 =	sshra.s32 s24, $0x2  }
0xa2: {  	s31 =	sshll.u32 s31, $0x4;
	s29 =	sadd.s32 $0x400, s24  }
0xa3: {  	v5 =	vmov s28;
	v6 =	vmov s25;
	v4 =	vimm.f32 $0.0e+00;
	p0 =	por $0x0, $0x0;
	s25 =	sadd.s32 s31, s12;
	v7 =	vld [tilespmem:s29+$0x0]  }
0xa4: {  	s28 =	sadd.s32 $0x1, s30  }
0xa5: {  	v8 =	vld [tilespmem:s24+$0x0];
	p1 =	slt.s32 s28, s26  }
.Ltmp10:
0xa6: {  	v9 =	vor.u32 s25, v1;
	(pc) =	sbr.rel @!p1 .LBB2_15-.Ltmp10, $4  }
0xa7: {  	vm0 =	vge.s32 v9, v5;
	vm1 =	vlt.s32 v9, v6  }
0xa8: {  	vm0 =	vmand vm0, vm1  }
0xa9: {  	s30 =	sadd.s32 $0x10, s29;
	v9 =	vnsel vm0, $0x0, v7  }
0xaa: {  	s24 =	sadd.s32 $0x10, s24;
	p0 =	por $0x1, $0x1;
	s29 =	smov.u32 s25;
	v7 =	vld [tilespmem:s30+$0x0];
	v10 =	vnsel vm0, $0x0, v8;
	v8 =	vadd.f32 v9, v4;
	v9 =	vimm.f32 $0.0e+00  }
.LBB2_16:
0xab: {  	s28 =	sadd.s32 $0x1, s28  }
0xac: {  	v11 =	vld [tilespmem:s24+$0x0];
	v9 =	vadd.f32 v10, v9;
	s29 =	sadd.s32 $0x10, s29;
	p1 =	slt.s32 s28, s26  }
.Ltmp11:
0xad: {  	v10 =	vor.u32 s29, v1;
	(pc) =	sbr.rel @p1 .LBB2_16-.Ltmp11, $4  }
0xae: {  	vm0 =	vge.s32 v10, v5;
	vm1 =	vlt.s32 v10, v6  }
0xaf: {  	vm0 =	vmand vm0, vm1  }
0xb0: {  	s30 =	sadd.s32 $0x10, s30;
	v12 =	vnsel vm0, $0x0, v7  }
0xb1: {  	s24 =	sadd.s32 $0x10, s24;
	v7 =	vld [tilespmem:s30+$0x0];
	v10 =	vnsel vm0, $0x0, v11;
	v8 =	vadd.f32 v12, v8  }
.LBB2_17:
0xb2: {  	v11 =	vld [tilespmem:s24+$0x0];
	s24 =	sadd.s32 @p0 $0x10, s29  }
0xb3: {  	s25 =	smov.u32 @p0 s24  }
0xb4: {  	v12 =	vor.u32 s25, v1  }
0xb5: {  	v9 =	vadd.f32 @p0 v10, v9;
	vm0 =	vge.s32 v12, v5;
	vm1 =	vlt.s32 v12, v6  }
0xb6: {  	vm0 =	vmand vm0, vm1  }
0xb7: {  	v5 =	vnsel vm0, $0x0, v7;
	v6 =	vnsel vm0, $0x0, v11;
	v7 =	vpsel p0, v9, v4  }
0xb8: {  	v4 =	vadd.f32 v5, v8;
	v5 =	vadd.f32 v6, v7  }
.LBB2_18:
0xb9: {  	_ = 	snop  }
0xba: {  	[tilespmem:$0x880] =	vst v5  }
0xbb: {  	[tilespmem:$0x1080] =	vst v4  }
.LBB2_19:
0xbc: {  	(v2sf) =	vpush v2, $0x2  }
0xbd: {  	(v2sf) =	vpush v3, $0x2;
	_ =	sdelay $0xd  }
0xbe: {  	s24 =	spop (v2sf)  }
0xbf: {  	s25 =	spop (v2sf)  }
0xc0: {  	p0 =	sgt.s32 s4, s24;
	s28 =	smov.u32 s24;
	p1 =	slt.s32 s7, s25  }
0xc1: {  	s28 =	smov.u32 @p0 s4;
	s25 =	smov.u32 @p1 s7  }
0xc2: {  	p0 =	sle.s32 s25, s28  }
.Ltmp12:
0xc3: {  	_ = 	snop;
	(pc) =	sbr.rel @p0 .LBB2_28-.Ltmp12, $1  }
0xc4: {  	_ =	sdelay $0x3  }
0xc5: {  	s26 =	ssub.s32 s28, s4;
	p0 =	slt.s32 s4, s24;
	s24 =	simm.s32 $0x1  }
0xc6: {  	s29 =	sshra.s32 s26, $0x1F;
	s24 =	simm.s32 @!p0 $0x0  }
0xc7: {  	s30 =	sshrl.u32 s29, $0x1C;
	s24 =	sor.u32 s24, s29;
	s29 =	sand.u32 $0xF, s28  }
0xc8: {  	p6 =	sne.s32 s24, $0x1;
	p1 =	sne.s32 s29, $0x0;
	s24 =	sadd.s32 s11, s25  }
0xc9: {  	s26 =	sadd.s32 s30, s26;
	p0 =	por !p1, !p6;
	s29 =	sshra.s32 s24, $0x1F  }
0xca: {  	s30 =	simm.s32 $0x1;
	p0 =	por !p0, !p0;
	s29 =	sshrl.u32 s29, $0x1C  }
0xcb: {  	s26 =	sshra.s32 s26, $0x4;
	s30 =	simm.s32 @!p0 $0x0;
	s24 =	sadd.s32 s29, s24  }
0xcc: {  	s31 =	ssub.s32 s26, s30;
	s26 =	sshra.s32 s24, $0x4  }
0xcd: {  	p0 =	sge.s32 s31, s26  }
.Ltmp13:
0xce: {  	_ = 	snop;
	(pc) =	sbr.rel @p0 .LBB2_27-.Ltmp13, $2  }
0xcf: {  	_ =	sdelay $0x2  }
0xd0: {  	v5 =	vimm.f32 $0.0e+00;
	v4 =	vimm.f32 $0.0e+00  }
0xd1: {  	s30 =	sadd.s32 $0x1, s31  }
0xd2: {  	p1 =	slt.s32 s30, s26  }
.Ltmp14:
0xd3: {  	_ = 	snop;
	(pc) =	sbr.rel @!p1 .LBB2_22-.Ltmp14, $4  }
0xd4: {  	s24 =	sshll.u32 s31, $0x6  }
0xd5: {  	s24 =	sshra.s32 s24, $0x2  }
0xd6: {  	s31 =	sshll.u32 s31, $0x4;
	s29 =	sadd.s32 $0x400, s24  }
0xd7: {  	v5 =	vmov s28;
	v6 =	vmov s25;
	v4 =	vimm.f32 $0.0e+00;
	p0 =	por $0x0, $0x0;
	s25 =	sadd.s32 s31, s12;
	v7 =	vld [tilespmem:s29+$0x0]  }
0xd8: {  	s28 =	sadd.s32 $0x1, s30  }
0xd9: {  	v8 =	vld [tilespmem:s24+$0x0];
	p1 =	slt.s32 s28, s26  }
.Ltmp15:
0xda: {  	v9 =	vor.u32 s25, v1;
	(pc) =	sbr.rel @!p1 .LBB2_24-.Ltmp15, $4  }
0xdb: {  	vm0 =	vge.s32 v9, v5;
	vm1 =	vlt.s32 v9, v6  }
0xdc: {  	vm0 =	vmand vm0, vm1  }
0xdd: {  	s30 =	sadd.s32 $0x10, s29;
	v9 =	vnsel vm0, $0x0, v7  }
0xde: {  	s24 =	sadd.s32 $0x10, s24;
	p0 =	por $0x1, $0x1;
	s29 =	smov.u32 s25;
	v7 =	vld [tilespmem:s30+$0x0];
	v10 =	vnsel vm0, $0x0, v8;
	v8 =	vadd.f32 v9, v4;
	v9 =	vimm.f32 $0.0e+00  }
.LBB2_25:
0xdf: {  	s28 =	sadd.s32 $0x1, s28  }
0xe0: {  	v11 =	vld [tilespmem:s24+$0x0];
	v9 =	vadd.f32 v10, v9;
	s29 =	sadd.s32 $0x10, s29;
	p1 =	slt.s32 s28, s26  }
.Ltmp16:
0xe1: {  	v10 =	vor.u32 s29, v1;
	(pc) =	sbr.rel @p1 .LBB2_25-.Ltmp16, $4  }
0xe2: {  	vm0 =	vge.s32 v10, v5;
	vm1 =	vlt.s32 v10, v6  }
0xe3: {  	vm0 =	vmand vm0, vm1  }
0xe4: {  	s30 =	sadd.s32 $0x10, s30;
	v12 =	vnsel vm0, $0x0, v7  }
0xe5: {  	s24 =	sadd.s32 $0x10, s24;
	v7 =	vld [tilespmem:s30+$0x0];
	v10 =	vnsel vm0, $0x0, v11;
	v8 =	vadd.f32 v12, v8  }
.LBB2_26:
0xe6: {  	v11 =	vld [tilespmem:s24+$0x0];
	s24 =	sadd.s32 @p0 $0x10, s29  }
0xe7: {  	s25 =	smov.u32 @p0 s24  }
0xe8: {  	v12 =	vor.u32 s25, v1  }
0xe9: {  	v9 =	vadd.f32 @p0 v10, v9;
	vm0 =	vge.s32 v12, v5;
	vm1 =	vlt.s32 v12, v6  }
0xea: {  	vm0 =	vmand vm0, vm1  }
0xeb: {  	v5 =	vnsel vm0, $0x0, v7;
	v6 =	vnsel vm0, $0x0, v11;
	v7 =	vpsel p0, v9, v4  }
0xec: {  	v4 =	vadd.f32 v5, v8;
	v5 =	vadd.f32 v6, v7  }
.LBB2_27:
0xed: {  	_ = 	snop  }
0xee: {  	[tilespmem:$0x900] =	vst v5  }
0xef: {  	[tilespmem:$0x1100] =	vst v4  }
.LBB2_28:
0xf0: {  	(v2sf) =	vpush v2, $0x3  }
0xf1: {  	(v2sf) =	vpush v3, $0x3;
	_ =	sdelay $0xd  }
0xf2: {  	s24 =	spop (v2sf)  }
0xf3: {  	s25 =	spop (v2sf)  }
0xf4: {  	p0 =	sgt.s32 s4, s24;
	s28 =	smov.u32 s24;
	p1 =	slt.s32 s7, s25  }
0xf5: {  	s28 =	smov.u32 @p0 s4;
	s25 =	smov.u32 @p1 s7  }
0xf6: {  	p0 =	sle.s32 s25, s28  }
.Ltmp17:
0xf7: {  	_ = 	snop;
	(pc) =	sbr.rel @p0 .LBB2_37-.Ltmp17, $1  }
0xf8: {  	_ =	sdelay $0x3  }
0xf9: {  	s26 =	ssub.s32 s28, s4;
	p0 =	slt.s32 s4, s24;
	s24 =	simm.s32 $0x1  }
0xfa: {  	s29 =	sshra.s32 s26, $0x1F;
	s24 =	simm.s32 @!p0 $0x0  }
0xfb: {  	s30 =	sshrl.u32 s29, $0x1C;
	s24 =	sor.u32 s24, s29;
	s29 =	sand.u32 $0xF, s28  }
0xfc: {  	p6 =	sne.s32 s24, $0x1;
	p1 =	sne.s32 s29, $0x0;
	s24 =	sadd.s32 s11, s25  }
0xfd: {  	s26 =	sadd.s32 s30, s26;
	p0 =	por !p1, !p6;
	s29 =	sshra.s32 s24, $0x1F  }
0xfe: {  	s30 =	simm.s32 $0x1;
	p0 =	por !p0, !p0;
	s29 =	sshrl.u32 s29, $0x1C  }
0xff: {  	s26 =	sshra.s32 s26, $0x4;
	s30 =	simm.s32 @!p0 $0x0;
	s24 =	sadd.s32 s29, s24  }
0x100: {  	s31 =	ssub.s32 s26, s30;
	s26 =	sshra.s32 s24, $0x4  }
0x101: {  	p0 =	sge.s32 s31, s26  }
.Ltmp18:
0x102: {  	_ = 	snop;
	(pc) =	sbr.rel @p0 .LBB2_36-.Ltmp18, $2  }
0x103: {  	_ =	sdelay $0x2  }
0x104: {  	v5 =	vimm.f32 $0.0e+00;
	v4 =	vimm.f32 $0.0e+00  }
0x105: {  	s30 =	sadd.s32 $0x1, s31  }
0x106: {  	p1 =	slt.s32 s30, s26  }
.Ltmp19:
0x107: {  	_ = 	snop;
	(pc) =	sbr.rel @!p1 .LBB2_31-.Ltmp19, $4  }
0x108: {  	s24 =	sshll.u32 s31, $0x6  }
0x109: {  	s24 =	sshra.s32 s24, $0x2  }
0x10a: {  	s31 =	sshll.u32 s31, $0x4;
	s29 =	sadd.s32 $0x400, s24  }
0x10b: {  	v5 =	vmov s28;
	v6 =	vmov s25;
	v4 =	vimm.f32 $0.0e+00;
	p0 =	por $0x0, $0x0;
	s25 =	sadd.s32 s31, s12;
	v7 =	vld [tilespmem:s29+$0x0]  }
0x10c: {  	s28 =	sadd.s32 $0x1, s30  }
0x10d: {  	v8 =	vld [tilespmem:s24+$0x0];
	p1 =	slt.s32 s28, s26  }
.Ltmp20:
0x10e: {  	v9 =	vor.u32 s25, v1;
	(pc) =	sbr.rel @!p1 .LBB2_33-.Ltmp20, $4  }
0x10f: {  	vm0 =	vge.s32 v9, v5;
	vm1 =	vlt.s32 v9, v6  }
0x110: {  	vm0 =	vmand vm0, vm1  }
0x111: {  	s30 =	sadd.s32 $0x10, s29;
	v9 =	vnsel vm0, $0x0, v7  }
0x112: {  	s24 =	sadd.s32 $0x10, s24;
	p0 =	por $0x1, $0x1;
	s29 =	smov.u32 s25;
	v7 =	vld [tilespmem:s30+$0x0];
	v10 =	vnsel vm0, $0x0, v8;
	v8 =	vadd.f32 v9, v4;
	v9 =	vimm.f32 $0.0e+00  }
.LBB2_34:
0x113: {  	s28 =	sadd.s32 $0x1, s28  }
0x114: {  	v11 =	vld [tilespmem:s24+$0x0];
	v9 =	vadd.f32 v10, v9;
	s29 =	sadd.s32 $0x10, s29;
	p1 =	slt.s32 s28, s26  }
.Ltmp21:
0x115: {  	v10 =	vor.u32 s29, v1;
	(pc) =	sbr.rel @p1 .LBB2_34-.Ltmp21, $4  }
0x116: {  	vm0 =	vge.s32 v10, v5;
	vm1 =	vlt.s32 v10, v6  }
0x117: {  	vm0 =	vmand vm0, vm1  }
0x118: {  	s30 =	sadd.s32 $0x10, s30;
	v12 =	vnsel vm0, $0x0, v7  }
0x119: {  	s24 =	sadd.s32 $0x10, s24;
	v7 =	vld [tilespmem:s30+$0x0];
	v10 =	vnsel vm0, $0x0, v11;
	v8 =	vadd.f32 v12, v8  }
.LBB2_35:
0x11a: {  	v11 =	vld [tilespmem:s24+$0x0];
	s24 =	sadd.s32 @p0 $0x10, s29  }
0x11b: {  	s25 =	smov.u32 @p0 s24  }
0x11c: {  	v12 =	vor.u32 s25, v1  }
0x11d: {  	v9 =	vadd.f32 @p0 v10, v9;
	vm0 =	vge.s32 v12, v5;
	vm1 =	vlt.s32 v12, v6  }
0x11e: {  	vm0 =	vmand vm0, vm1  }
0x11f: {  	v5 =	vnsel vm0, $0x0, v7;
	v6 =	vnsel vm0, $0x0, v11;
	v7 =	vpsel p0, v9, v4  }
0x120: {  	v4 =	vadd.f32 v5, v8;
	v5 =	vadd.f32 v6, v7  }
.LBB2_36:
0x121: {  	_ = 	snop  }
0x122: {  	[tilespmem:$0x980] =	vst v5  }
0x123: {  	[tilespmem:$0x1180] =	vst v4  }
.LBB2_37:
0x124: {  	(v2sf) =	vpush v2, $0x4  }
0x125: {  	(v2sf) =	vpush v3, $0x4;
	_ =	sdelay $0xd  }
0x126: {  	s24 =	spop (v2sf)  }
0x127: {  	s25 =	spop (v2sf)  }
0x128: {  	p0 =	sgt.s32 s4, s24;
	s28 =	smov.u32 s24;
	p1 =	slt.s32 s7, s25  }
0x129: {  	s28 =	smov.u32 @p0 s4;
	s25 =	smov.u32 @p1 s7  }
0x12a: {  	p0 =	sle.s32 s25, s28  }
.Ltmp22:
0x12b: {  	_ = 	snop;
	(pc) =	sbr.rel @p0 .LBB2_46-.Ltmp22, $1  }
0x12c: {  	_ =	sdelay $0x3  }
0x12d: {  	s26 =	ssub.s32 s28, s4;
	p0 =	slt.s32 s4, s24;
	s24 =	simm.s32 $0x1  }
0x12e: {  	s29 =	sshra.s32 s26, $0x1F;
	s24 =	simm.s32 @!p0 $0x0  }
0x12f: {  	s30 =	sshrl.u32 s29, $0x1C;
	s24 =	sor.u32 s24, s29;
	s29 =	sand.u32 $0xF, s28  }
0x130: {  	p6 =	sne.s32 s24, $0x1;
	p1 =	sne.s32 s29, $0x0;
	s24 =	sadd.s32 s11, s25  }
0x131: {  	s26 =	sadd.s32 s30, s26;
	p0 =	por !p1, !p6;
	s29 =	sshra.s32 s24, $0x1F  }
0x132: {  	s30 =	simm.s32 $0x1;
	p0 =	por !p0, !p0;
	s29 =	sshrl.u32 s29, $0x1C  }
0x133: {  	s26 =	sshra.s32 s26, $0x4;
	s30 =	simm.s32 @!p0 $0x0;
	s24 =	sadd.s32 s29, s24  }
0x134: {  	s31 =	ssub.s32 s26, s30;
	s26 =	sshra.s32 s24, $0x4  }
0x135: {  	p0 =	sge.s32 s31, s26  }
.Ltmp23:
0x136: {  	_ = 	snop;
	(pc) =	sbr.rel @p0 .LBB2_45-.Ltmp23, $2  }
0x137: {  	_ =	sdelay $0x2  }
0x138: {  	v5 =	vimm.f32 $0.0e+00;
	v4 =	vimm.f32 $0.0e+00  }
0x139: {  	s30 =	sadd.s32 $0x1, s31  }
0x13a: {  	p1 =	slt.s32 s30, s26  }
.Ltmp24:
0x13b: {  	_ = 	snop;
	(pc) =	sbr.rel @!p1 .LBB2_40-.Ltmp24, $4  }
0x13c: {  	s24 =	sshll.u32 s31, $0x6  }
0x13d: {  	s24 =	sshra.s32 s24, $0x2  }
0x13e: {  	s31 =	sshll.u32 s31, $0x4;
	s29 =	sadd.s32 $0x400, s24  }
0x13f: {  	v5 =	vmov s28;
	v6 =	vmov s25;
	v4 =	vimm.f32 $0.0e+00;
	p0 =	por $0x0, $0x0;
	s25 =	sadd.s32 s31, s12;
	v7 =	vld [tilespmem:s29+$0x0]  }
0x140: {  	s28 =	sadd.s32 $0x1, s30  }
0x141: {  	v8 =	vld [tilespmem:s24+$0x0];
	p1 =	slt.s32 s28, s26  }
.Ltmp25:
0x142: {  	v9 =	vor.u32 s25, v1;
	(pc) =	sbr.rel @!p1 .LBB2_42-.Ltmp25, $4  }
0x143: {  	vm0 =	vge.s32 v9, v5;
	vm1 =	vlt.s32 v9, v6  }
0x144: {  	vm0 =	vmand vm0, vm1  }
0x145: {  	s30 =	sadd.s32 $0x10, s29;
	v9 =	vnsel vm0, $0x0, v7  }
0x146: {  	s24 =	sadd.s32 $0x10, s24;
	p0 =	por $0x1, $0x1;
	s29 =	smov.u32 s25;
	v7 =	vld [tilespmem:s30+$0x0];
	v10 =	vnsel vm0, $0x0, v8;
	v8 =	vadd.f32 v9, v4;
	v9 =	vimm.f32 $0.0e+00  }
.LBB2_43:
0x147: {  	s28 =	sadd.s32 $0x1, s28  }
0x148: {  	v11 =	vld [tilespmem:s24+$0x0];
	v9 =	vadd.f32 v10, v9;
	s29 =	sadd.s32 $0x10, s29;
	p1 =	slt.s32 s28, s26  }
.Ltmp26:
0x149: {  	v10 =	vor.u32 s29, v1;
	(pc) =	sbr.rel @p1 .LBB2_43-.Ltmp26, $4  }
0x14a: {  	vm0 =	vge.s32 v10, v5;
	vm1 =	vlt.s32 v10, v6  }
0x14b: {  	vm0 =	vmand vm0, vm1  }
0x14c: {  	s30 =	sadd.s32 $0x10, s30;
	v12 =	vnsel vm0, $0x0, v7  }
0x14d: {  	s24 =	sadd.s32 $0x10, s24;
	v7 =	vld [tilespmem:s30+$0x0];
	v10 =	vnsel vm0, $0x0, v11;
	v8 =	vadd.f32 v12, v8  }
.LBB2_44:
0x14e: {  	v11 =	vld [tilespmem:s24+$0x0];
	s24 =	sadd.s32 @p0 $0x10, s29  }
0x14f: {  	s25 =	smov.u32 @p0 s24  }
0x150: {  	v12 =	vor.u32 s25, v1  }
0x151: {  	v9 =	vadd.f32 @p0 v10, v9;
	vm0 =	vge.s32 v12, v5;
	vm1 =	vlt.s32 v12, v6  }
0x152: {  	vm0 =	vmand vm0, vm1  }
0x153: {  	v5 =	vnsel vm0, $0x0, v7;
	v6 =	vnsel vm0, $0x0, v11;
	v7 =	vpsel p0, v9, v4  }
0x154: {  	v4 =	vadd.f32 v5, v8;
	v5 =	vadd.f32 v6, v7  }
.LBB2_45:
0x155: {  	_ = 	snop  }
0x156: {  	[tilespmem:$0xA00] =	vst v5  }
0x157: {  	[tilespmem:$0x1200] =	vst v4  }
.LBB2_46:
0x158: {  	(v2sf) =	vpush v2, $0x5  }
0x159: {  	(v2sf) =	vpush v3, $0x5;
	_ =	sdelay $0xd  }
0x15a: {  	s24 =	spop (v2sf)  }
0x15b: {  	s25 =	spop (v2sf)  }
0x15c: {  	p0 =	sgt.s32 s4, s24;
	s28 =	smov.u32 s24;
	p1 =	slt.s32 s7, s25  }
0x15d: {  	s28 =	smov.u32 @p0 s4;
	s25 =	smov.u32 @p1 s7  }
0x15e: {  	p0 =	sle.s32 s25, s28  }
.Ltmp27:
0x15f: {  	_ = 	snop;
	(pc) =	sbr.rel @p0 .LBB2_55-.Ltmp27, $1  }
0x160: {  	_ =	sdelay $0x3  }
0x161: {  	s26 =	ssub.s32 s28, s4;
	p0 =	slt.s32 s4, s24;
	s24 =	simm.s32 $0x1  }
0x162: {  	s29 =	sshra.s32 s26, $0x1F;
	s24 =	simm.s32 @!p0 $0x0  }
0x163: {  	s30 =	sshrl.u32 s29, $0x1C;
	s24 =	sor.u32 s24, s29;
	s29 =	sand.u32 $0xF, s28  }
0x164: {  	p6 =	sne.s32 s24, $0x1;
	p1 =	sne.s32 s29, $0x0;
	s24 =	sadd.s32 s11, s25  }
0x165: {  	s26 =	sadd.s32 s30, s26;
	p0 =	por !p1, !p6;
	s29 =	sshra.s32 s24, $0x1F  }
0x166: {  	s30 =	simm.s32 $0x1;
	p0 =	por !p0, !p0;
	s29 =	sshrl.u32 s29, $0x1C  }
0x167: {  	s26 =	sshra.s32 s26, $0x4;
	s30 =	simm.s32 @!p0 $0x0;
	s24 =	sadd.s32 s29, s24  }
0x168: {  	s31 =	ssub.s32 s26, s30;
	s26 =	sshra.s32 s24, $0x4  }
0x169: {  	p0 =	sge.s32 s31, s26  }
.Ltmp28:
0x16a: {  	_ = 	snop;
	(pc) =	sbr.rel @p0 .LBB2_54-.Ltmp28, $2  }
0x16b: {  	_ =	sdelay $0x2  }
0x16c: {  	v5 =	vimm.f32 $0.0e+00;
	v4 =	vimm.f32 $0.0e+00  }
0x16d: {  	s30 =	sadd.s32 $0x1, s31  }
0x16e: {  	p1 =	slt.s32 s30, s26  }
.Ltmp29:
0x16f: {  	_ = 	snop;
	(pc) =	sbr.rel @!p1 .LBB2_49-.Ltmp29, $4  }
0x170: {  	s24 =	sshll.u32 s31, $0x6  }
0x171: {  	s24 =	sshra.s32 s24, $0x2  }
0x172: {  	s31 =	sshll.u32 s31, $0x4;
	s29 =	sadd.s32 $0x400, s24  }
0x173: {  	v5 =	vmov s28;
	v6 =	vmov s25;
	v4 =	vimm.f32 $0.0e+00;
	p0 =	por $0x0, $0x0;
	s25 =	sadd.s32 s31, s12;
	v7 =	vld [tilespmem:s29+$0x0]  }
0x174: {  	s28 =	sadd.s32 $0x1, s30  }
0x175: {  	v8 =	vld [tilespmem:s24+$0x0];
	p1 =	slt.s32 s28, s26  }
.Ltmp30:
0x176: {  	v9 =	vor.u32 s25, v1;
	(pc) =	sbr.rel @!p1 .LBB2_51-.Ltmp30, $4  }
0x177: {  	vm0 =	vge.s32 v9, v5;
	vm1 =	vlt.s32 v9, v6  }
0x178: {  	vm0 =	vmand vm0, vm1  }
0x179: {  	s30 =	sadd.s32 $0x10, s29;
	v9 =	vnsel vm0, $0x0, v7  }
0x17a: {  	s24 =	sadd.s32 $0x10, s24;
	p0 =	por $0x1, $0x1;
	s29 =	smov.u32 s25;
	v7 =	vld [tilespmem:s30+$0x0];
	v10 =	vnsel vm0, $0x0, v8;
	v8 =	vadd.f32 v9, v4;
	v9 =	vimm.f32 $0.0e+00  }
.LBB2_52:
0x17b: {  	s28 =	sadd.s32 $0x1, s28  }
0x17c: {  	v11 =	vld [tilespmem:s24+$0x0];
	v9 =	vadd.f32 v10, v9;
	s29 =	sadd.s32 $0x10, s29;
	p1 =	slt.s32 s28, s26  }
.Ltmp31:
0x17d: {  	v10 =	vor.u32 s29, v1;
	(pc) =	sbr.rel @p1 .LBB2_52-.Ltmp31, $4  }
0x17e: {  	vm0 =	vge.s32 v10, v5;
	vm1 =	vlt.s32 v10, v6  }
0x17f: {  	vm0 =	vmand vm0, vm1  }
0x180: {  	s30 =	sadd.s32 $0x10, s30;
	v12 =	vnsel vm0, $0x0, v7  }
0x181: {  	s24 =	sadd.s32 $0x10, s24;
	v7 =	vld [tilespmem:s30+$0x0];
	v10 =	vnsel vm0, $0x0, v11;
	v8 =	vadd.f32 v12, v8  }
.LBB2_53:
0x182: {  	v11 =	vld [tilespmem:s24+$0x0];
	s24 =	sadd.s32 @p0 $0x10, s29  }
0x183: {  	s25 =	smov.u32 @p0 s24  }
0x184: {  	v12 =	vor.u32 s25, v1  }
0x185: {  	v9 =	vadd.f32 @p0 v10, v9;
	vm0 =	vge.s32 v12, v5;
	vm1 =	vlt.s32 v12, v6  }
0x186: {  	vm0 =	vmand vm0, vm1  }
0x187: {  	v5 =	vnsel vm0, $0x0, v7;
	v6 =	vnsel vm0, $0x0, v11;
	v7 =	vpsel p0, v9, v4  }
0x188: {  	v4 =	vadd.f32 v5, v8;
	v5 =	vadd.f32 v6, v7  }
.LBB2_54:
0x189: {  	_ = 	snop  }
0x18a: {  	[tilespmem:$0xA80] =	vst v5  }
0x18b: {  	[tilespmem:$0x1280] =	vst v4  }
.LBB2_55:
0x18c: {  	(v2sf) =	vpush v2, $0x6  }
0x18d: {  	(v2sf) =	vpush v3, $0x6;
	_ =	sdelay $0xd  }
0x18e: {  	s24 =	spop (v2sf)  }
0x18f: {  	s25 =	spop (v2sf)  }
0x190: {  	p0 =	sgt.s32 s4, s24;
	s28 =	smov.u32 s24;
	p1 =	slt.s32 s7, s25  }
0x191: {  	s28 =	smov.u32 @p0 s4;
	s25 =	smov.u32 @p1 s7  }
0x192: {  	p0 =	sle.s32 s25, s28  }
.Ltmp32:
0x193: {  	_ = 	snop;
	(pc) =	sbr.rel @p0 .LBB2_64-.Ltmp32, $1  }
0x194: {  	_ =	sdelay $0x3  }
0x195: {  	s26 =	ssub.s32 s28, s4;
	p0 =	slt.s32 s4, s24;
	s24 =	simm.s32 $0x1  }
0x196: {  	s29 =	sshra.s32 s26, $0x1F;
	s24 =	simm.s32 @!p0 $0x0  }
0x197: {  	s30 =	sshrl.u32 s29, $0x1C;
	s24 =	sor.u32 s24, s29;
	s29 =	sand.u32 $0xF, s28  }
0x198: {  	p6 =	sne.s32 s24, $0x1;
	p1 =	sne.s32 s29, $0x0;
	s24 =	sadd.s32 s11, s25  }
0x199: {  	s26 =	sadd.s32 s30, s26;
	p0 =	por !p1, !p6;
	s29 =	sshra.s32 s24, $0x1F  }
0x19a: {  	s30 =	simm.s32 $0x1;
	p0 =	por !p0, !p0;
	s29 =	sshrl.u32 s29, $0x1C  }
0x19b: {  	s26 =	sshra.s32 s26, $0x4;
	s30 =	simm.s32 @!p0 $0x0;
	s24 =	sadd.s32 s29, s24  }
0x19c: {  	s31 =	ssub.s32 s26, s30;
	s26 =	sshra.s32 s24, $0x4  }
0x19d: {  	p0 =	sge.s32 s31, s26  }
.Ltmp33:
0x19e: {  	_ = 	snop;
	(pc) =	sbr.rel @p0 .LBB2_63-.Ltmp33, $2  }
0x19f: {  	_ =	sdelay $0x2  }
0x1a0: {  	v5 =	vimm.f32 $0.0e+00;
	v4 =	vimm.f32 $0.0e+00  }
0x1a1: {  	s30 =	sadd.s32 $0x1, s31  }
0x1a2: {  	p1 =	slt.s32 s30, s26  }
.Ltmp34:
0x1a3: {  	_ = 	snop;
	(pc) =	sbr.rel @!p1 .LBB2_58-.Ltmp34, $4  }
0x1a4: {  	s24 =	sshll.u32 s31, $0x6  }
0x1a5: {  	s24 =	sshra.s32 s24, $0x2  }
0x1a6: {  	s31 =	sshll.u32 s31, $0x4;
	s29 =	sadd.s32 $0x400, s24  }
0x1a7: {  	v5 =	vmov s28;
	v6 =	vmov s25;
	v4 =	vimm.f32 $0.0e+00;
	p0 =	por $0x0, $0x0;
	s25 =	sadd.s32 s31, s12;
	v7 =	vld [tilespmem:s29+$0x0]  }
0x1a8: {  	s28 =	sadd.s32 $0x1, s30  }
0x1a9: {  	v8 =	vld [tilespmem:s24+$0x0];
	p1 =	slt.s32 s28, s26  }
.Ltmp35:
0x1aa: {  	v9 =	vor.u32 s25, v1;
	(pc) =	sbr.rel @!p1 .LBB2_60-.Ltmp35, $4  }
0x1ab: {  	vm0 =	vge.s32 v9, v5;
	vm1 =	vlt.s32 v9, v6  }
0x1ac: {  	vm0 =	vmand vm0, vm1  }
0x1ad: {  	s30 =	sadd.s32 $0x10, s29;
	v9 =	vnsel vm0, $0x0, v7  }
0x1ae: {  	s24 =	sadd.s32 $0x10, s24;
	p0 =	por $0x1, $0x1;
	s29 =	smov.u32 s25;
	v7 =	vld [tilespmem:s30+$0x0];
	v10 =	vnsel vm0, $0x0, v8;
	v8 =	vadd.f32 v9, v4;
	v9 =	vimm.f32 $0.0e+00  }
.LBB2_61:
0x1af: {  	s28 =	sadd.s32 $0x1, s28  }
0x1b0: {  	v11 =	vld [tilespmem:s24+$0x0];
	v9 =	vadd.f32 v10, v9;
	s29 =	sadd.s32 $0x10, s29;
	p1 =	slt.s32 s28, s26  }
.Ltmp36:
0x1b1: {  	v10 =	vor.u32 s29, v1;
	(pc) =	sbr.rel @p1 .LBB2_61-.Ltmp36, $4  }
0x1b2: {  	vm0 =	vge.s32 v10, v5;
	vm1 =	vlt.s32 v10, v6  }
0x1b3: {  	vm0 =	vmand vm0, vm1  }
0x1b4: {  	s30 =	sadd.s32 $0x10, s30;
	v12 =	vnsel vm0, $0x0, v7  }
0x1b5: {  	s24 =	sadd.s32 $0x10, s24;
	v7 =	vld [tilespmem:s30+$0x0];
	v10 =	vnsel vm0, $0x0, v11;
	v8 =	vadd.f32 v12, v8  }
.LBB2_62:
0x1b6: {  	v11 =	vld [tilespmem:s24+$0x0];
	s24 =	sadd.s32 @p0 $0x10, s29  }
0x1b7: {  	s25 =	smov.u32 @p0 s24  }
0x1b8: {  	v12 =	vor.u32 s25, v1  }
0x1b9: {  	v9 =	vadd.f32 @p0 v10, v9;
	vm0 =	vge.s32 v12, v5;
	vm1 =	vlt.s32 v12, v6  }
0x1ba: {  	vm0 =	vmand vm0, vm1  }
0x1bb: {  	v5 =	vnsel vm0, $0x0, v7;
	v6 =	vnsel vm0, $0x0, v11;
	v7 =	vpsel p0, v9, v4  }
0x1bc: {  	v4 =	vadd.f32 v5, v8;
	v5 =	vadd.f32 v6, v7  }
.LBB2_63:
0x1bd: {  	_ = 	snop  }
0x1be: {  	[tilespmem:$0xB00] =	vst v5  }
0x1bf: {  	[tilespmem:$0x1300] =	vst v4  }
.LBB2_64:
0x1c0: {  	(v2sf) =	vpush v2, $0x7  }
0x1c1: {  	(v2sf) =	vpush v3, $0x7;
	_ =	sdelay $0xd  }
0x1c2: {  	s24 =	spop (v2sf)  }
0x1c3: {  	s25 =	spop (v2sf)  }
0x1c4: {  	p0 =	sgt.s32 s4, s24;
	s28 =	smov.u32 s24;
	p1 =	slt.s32 s7, s25  }
0x1c5: {  	s28 =	smov.u32 @p0 s4;
	s25 =	smov.u32 @p1 s7  }
0x1c6: {  	p0 =	sle.s32 s25, s28  }
.Ltmp37:
0x1c7: {  	_ = 	snop;
	(pc) =	sbr.rel @p0 .LBB2_73-.Ltmp37, $1  }
0x1c8: {  	_ =	sdelay $0x3  }
0x1c9: {  	s26 =	ssub.s32 s28, s4;
	p0 =	slt.s32 s4, s24;
	s24 =	simm.s32 $0x1  }
0x1ca: {  	s29 =	sshra.s32 s26, $0x1F;
	s24 =	simm.s32 @!p0 $0x0  }
0x1cb: {  	s30 =	sshrl.u32 s29, $0x1C;
	s24 =	sor.u32 s24, s29;
	s29 =	sand.u32 $0xF, s28  }
0x1cc: {  	p6 =	sne.s32 s24, $0x1;
	p1 =	sne.s32 s29, $0x0;
	s24 =	sadd.s32 s11, s25  }
0x1cd: {  	s26 =	sadd.s32 s30, s26;
	p0 =	por !p1, !p6;
	s29 =	sshra.s32 s24, $0x1F  }
0x1ce: {  	s30 =	simm.s32 $0x1;
	p0 =	por !p0, !p0;
	s29 =	sshrl.u32 s29, $0x1C  }
0x1cf: {  	s26 =	sshra.s32 s26, $0x4;
	s30 =	simm.s32 @!p0 $0x0;
	s24 =	sadd.s32 s29, s24  }
0x1d0: {  	s31 =	ssub.s32 s26, s30;
	s26 =	sshra.s32 s24, $0x4  }
0x1d1: {  	p0 =	sge.s32 s31, s26  }
.Ltmp38:
0x1d2: {  	_ = 	snop;
	(pc) =	sbr.rel @p0 .LBB2_72-.Ltmp38, $2  }
0x1d3: {  	_ =	sdelay $0x2  }
0x1d4: {  	v5 =	vimm.f32 $0.0e+00;
	v4 =	vimm.f32 $0.0e+00  }
0x1d5: {  	s30 =	sadd.s32 $0x1, s31  }
0x1d6: {  	p1 =	slt.s32 s30, s26  }
.Ltmp39:
0x1d7: {  	_ = 	snop;
	(pc) =	sbr.rel @!p1 .LBB2_67-.Ltmp39, $4  }
0x1d8: {  	s24 =	sshll.u32 s31, $0x6  }
0x1d9: {  	s24 =	sshra.s32 s24, $0x2  }
0x1da: {  	s31 =	sshll.u32 s31, $0x4;
	s29 =	sadd.s32 $0x400, s24  }
0x1db: {  	v5 =	vmov s28;
	v6 =	vmov s25;
	v4 =	vimm.f32 $0.0e+00;
	p0 =	por $0x0, $0x0;
	s25 =	sadd.s32 s31, s12;
	v7 =	vld [tilespmem:s29+$0x0]  }
0x1dc: {  	s28 =	sadd.s32 $0x1, s30  }
0x1dd: {  	v8 =	vld [tilespmem:s24+$0x0];
	p1 =	slt.s32 s28, s26  }
.Ltmp40:
0x1de: {  	v9 =	vor.u32 s25, v1;
	(pc) =	sbr.rel @!p1 .LBB2_69-.Ltmp40, $4  }
0x1df: {  	vm0 =	vge.s32 v9, v5;
	vm1 =	vlt.s32 v9, v6  }
0x1e0: {  	vm0 =	vmand vm0, vm1  }
0x1e1: {  	s30 =	sadd.s32 $0x10, s29;
	v9 =	vnsel vm0, $0x0, v7  }
0x1e2: {  	s24 =	sadd.s32 $0x10, s24;
	p0 =	por $0x1, $0x1;
	s29 =	smov.u32 s25;
	v7 =	vld [tilespmem:s30+$0x0];
	v10 =	vnsel vm0, $0x0, v8;
	v8 =	vadd.f32 v9, v4;
	v9 =	vimm.f32 $0.0e+00  }
.LBB2_70:
0x1e3: {  	s28 =	sadd.s32 $0x1, s28  }
0x1e4: {  	v11 =	vld [tilespmem:s24+$0x0];
	v9 =	vadd.f32 v10, v9;
	s29 =	sadd.s32 $0x10, s29;
	p1 =	slt.s32 s28, s26  }
.Ltmp41:
0x1e5: {  	v10 =	vor.u32 s29, v1;
	(pc) =	sbr.rel @p1 .LBB2_70-.Ltmp41, $4  }
0x1e6: {  	vm0 =	vge.s32 v10, v5;
	vm1 =	vlt.s32 v10, v6  }
0x1e7: {  	vm0 =	vmand vm0, vm1  }
0x1e8: {  	s30 =	sadd.s32 $0x10, s30;
	v12 =	vnsel vm0, $0x0, v7  }
0x1e9: {  	s24 =	sadd.s32 $0x10, s24;
	v7 =	vld [tilespmem:s30+$0x0];
	v10 =	vnsel vm0, $0x0, v11;
	v8 =	vadd.f32 v12, v8  }
.LBB2_71:
0x1ea: {  	v11 =	vld [tilespmem:s24+$0x0];
	s24 =	sadd.s32 @p0 $0x10, s29  }
0x1eb: {  	s25 =	smov.u32 @p0 s24  }
0x1ec: {  	v12 =	vor.u32 s25, v1  }
0x1ed: {  	v9 =	vadd.f32 @p0 v10, v9;
	vm0 =	vge.s32 v12, v5;
	vm1 =	vlt.s32 v12, v6  }
0x1ee: {  	vm0 =	vmand vm0, vm1  }
0x1ef: {  	v5 =	vnsel vm0, $0x0, v7;
	v6 =	vnsel vm0, $0x0, v11;
	v7 =	vpsel p0, v9, v4  }
0x1f0: {  	v4 =	vadd.f32 v5, v8;
	v5 =	vadd.f32 v6, v7  }
.LBB2_72:
0x1f1: {  	_ = 	snop  }
0x1f2: {  	[tilespmem:$0xB80] =	vst v5  }
0x1f3: {  	[tilespmem:$0x1380] =	vst v4  }
.LBB2_73:
0x1f4: {  	(v2sf) =	vpush v2, $0x8  }
0x1f5: {  	(v2sf) =	vpush v3, $0x8;
	_ =	sdelay $0xd  }
0x1f6: {  	s24 =	spop (v2sf)  }
0x1f7: {  	s25 =	spop (v2sf)  }
0x1f8: {  	p0 =	sgt.s32 s4, s24;
	s28 =	smov.u32 s24;
	p1 =	slt.s32 s7, s25  }
0x1f9: {  	s28 =	smov.u32 @p0 s4;
	s25 =	smov.u32 @p1 s7  }
0x1fa: {  	p0 =	sle.s32 s25, s28  }
.Ltmp42:
0x1fb: {  	_ = 	snop;
	(pc) =	sbr.rel @p0 .LBB2_82-.Ltmp42, $1  }
0x1fc: {  	_ =	sdelay $0x3  }
0x1fd: {  	s26 =	ssub.s32 s28, s4;
	p0 =	slt.s32 s4, s24;
	s24 =	simm.s32 $0x1  }
0x1fe: {  	s29 =	sshra.s32 s26, $0x1F;
	s24 =	simm.s32 @!p0 $0x0  }
0x1ff: {  	s30 =	sshrl.u32 s29, $0x1C;
	s24 =	sor.u32 s24, s29;
	s29 =	sand.u32 $0xF, s28  }
0x200: {  	p6 =	sne.s32 s24, $0x1;
	p1 =	sne.s32 s29, $0x0;
	s24 =	sadd.s32 s11, s25  }
0x201: {  	s26 =	sadd.s32 s30, s26;
	p0 =	por !p1, !p6;
	s29 =	sshra.s32 s24, $0x1F  }
0x202: {  	s30 =	simm.s32 $0x1;
	p0 =	por !p0, !p0;
	s29 =	sshrl.u32 s29, $0x1C  }
0x203: {  	s26 =	sshra.s32 s26, $0x4;
	s30 =	simm.s32 @!p0 $0x0;
	s24 =	sadd.s32 s29, s24  }
0x204: {  	s31 =	ssub.s32 s26, s30;
	s26 =	sshra.s32 s24, $0x4  }
0x205: {  	p0 =	sge.s32 s31, s26  }
.Ltmp43:
0x206: {  	_ = 	snop;
	(pc) =	sbr.rel @p0 .LBB2_81-.Ltmp43, $2  }
0x207: {  	_ =	sdelay $0x2  }
0x208: {  	v5 =	vimm.f32 $0.0e+00;
	v4 =	vimm.f32 $0.0e+00  }
0x209: {  	s30 =	sadd.s32 $0x1, s31  }
0x20a: {  	p1 =	slt.s32 s30, s26  }
.Ltmp44:
0x20b: {  	_ = 	snop;
	(pc) =	sbr.rel @!p1 .LBB2_76-.Ltmp44, $4  }
0x20c: {  	s24 =	sshll.u32 s31, $0x6  }
0x20d: {  	s24 =	sshra.s32 s24, $0x2  }
0x20e: {  	s31 =	sshll.u32 s31, $0x4;
	s29 =	sadd.s32 $0x400, s24  }
0x20f: {  	v5 =	vmov s28;
	v6 =	vmov s25;
	v4 =	vimm.f32 $0.0e+00;
	p0 =	por $0x0, $0x0;
	s25 =	sadd.s32 s31, s12;
	v7 =	vld [tilespmem:s29+$0x0]  }
0x210: {  	s28 =	sadd.s32 $0x1, s30  }
0x211: {  	v8 =	vld [tilespmem:s24+$0x0];
	p1 =	slt.s32 s28, s26  }
.Ltmp45:
0x212: {  	v9 =	vor.u32 s25, v1;
	(pc) =	sbr.rel @!p1 .LBB2_78-.Ltmp45, $4  }
0x213: {  	vm0 =	vge.s32 v9, v5;
	vm1 =	vlt.s32 v9, v6  }
0x214: {  	vm0 =	vmand vm0, vm1  }
0x215: {  	s30 =	sadd.s32 $0x10, s29;
	v9 =	vnsel vm0, $0x0, v7  }
0x216: {  	s24 =	sadd.s32 $0x10, s24;
	p0 =	por $0x1, $0x1;
	s29 =	smov.u32 s25;
	v7 =	vld [tilespmem:s30+$0x0];
	v10 =	vnsel vm0, $0x0, v8;
	v8 =	vadd.f32 v9, v4;
	v9 =	vimm.f32 $0.0e+00  }
.LBB2_79:
0x217: {  	s28 =	sadd.s32 $0x1, s28  }
0x218: {  	v11 =	vld [tilespmem:s24+$0x0];
	v9 =	vadd.f32 v10, v9;
	s29 =	sadd.s32 $0x10, s29;
	p1 =	slt.s32 s28, s26  }
.Ltmp46:
0x219: {  	v10 =	vor.u32 s29, v1;
	(pc) =	sbr.rel @p1 .LBB2_79-.Ltmp46, $4  }
0x21a: {  	vm0 =	vge.s32 v10, v5;
	vm1 =	vlt.s32 v10, v6  }
0x21b: {  	vm0 =	vmand vm0, vm1  }
0x21c: {  	s30 =	sadd.s32 $0x10, s30;
	v12 =	vnsel vm0, $0x0, v7  }
0x21d: {  	s24 =	sadd.s32 $0x10, s24;
	v7 =	vld [tilespmem:s30+$0x0];
	v10 =	vnsel vm0, $0x0, v11;
	v8 =	vadd.f32 v12, v8  }
.LBB2_80:
0x21e: {  	v11 =	vld [tilespmem:s24+$0x0];
	s24 =	sadd.s32 @p0 $0x10, s29  }
0x21f: {  	s25 =	smov.u32 @p0 s24  }
0x220: {  	v12 =	vor.u32 s25, v1  }
0x221: {  	v9 =	vadd.f32 @p0 v10, v9;
	vm0 =	vge.s32 v12, v5;
	vm1 =	vlt.s32 v12, v6  }
0x222: {  	vm0 =	vmand vm0, vm1  }
0x223: {  	v5 =	vnsel vm0, $0x0, v7;
	v6 =	vnsel vm0, $0x0, v11;
	v7 =	vpsel p0, v9, v4  }
0x224: {  	v4 =	vadd.f32 v5, v8;
	v5 =	vadd.f32 v6, v7  }
.LBB2_81:
0x225: {  	_ = 	snop  }
0x226: {  	[tilespmem:$0xC00] =	vst v5  }
0x227: {  	[tilespmem:$0x1400] =	vst v4  }
.LBB2_82:
0x228: {  	(v2sf) =	vpush v2, $0x9  }
0x229: {  	(v2sf) =	vpush v3, $0x9;
	_ =	sdelay $0xd  }
0x22a: {  	s24 =	spop (v2sf)  }
0x22b: {  	s25 =	spop (v2sf)  }
0x22c: {  	p0 =	sgt.s32 s4, s24;
	s28 =	smov.u32 s24;
	p1 =	slt.s32 s7, s25  }
0x22d: {  	s28 =	smov.u32 @p0 s4;
	s25 =	smov.u32 @p1 s7  }
0x22e: {  	p0 =	sle.s32 s25, s28  }
.Ltmp47:
0x22f: {  	_ = 	snop;
	(pc) =	sbr.rel @p0 .LBB2_91-.Ltmp47, $1  }
0x230: {  	_ =	sdelay $0x3  }
0x231: {  	s26 =	ssub.s32 s28, s4;
	p0 =	slt.s32 s4, s24;
	s24 =	simm.s32 $0x1  }
0x232: {  	s29 =	sshra.s32 s26, $0x1F;
	s24 =	simm.s32 @!p0 $0x0  }
0x233: {  	s30 =	sshrl.u32 s29, $0x1C;
	s24 =	sor.u32 s24, s29;
	s29 =	sand.u32 $0xF, s28  }
0x234: {  	p6 =	sne.s32 s24, $0x1;
	p1 =	sne.s32 s29, $0x0;
	s24 =	sadd.s32 s11, s25  }
0x235: {  	s26 =	sadd.s32 s30, s26;
	p0 =	por !p1, !p6;
	s29 =	sshra.s32 s24, $0x1F  }
0x236: {  	s30 =	simm.s32 $0x1;
	p0 =	por !p0, !p0;
	s29 =	sshrl.u32 s29, $0x1C  }
0x237: {  	s26 =	sshra.s32 s26, $0x4;
	s30 =	simm.s32 @!p0 $0x0;
	s24 =	sadd.s32 s29, s24  }
0x238: {  	s31 =	ssub.s32 s26, s30;
	s26 =	sshra.s32 s24, $0x4  }
0x239: {  	p0 =	sge.s32 s31, s26  }
.Ltmp48:
0x23a: {  	_ = 	snop;
	(pc) =	sbr.rel @p0 .LBB2_90-.Ltmp48, $2  }
0x23b: {  	_ =	sdelay $0x2  }
0x23c: {  	v5 =	vimm.f32 $0.0e+00;
	v4 =	vimm.f32 $0.0e+00  }
0x23d: {  	s30 =	sadd.s32 $0x1, s31  }
0x23e: {  	p1 =	slt.s32 s30, s26  }
.Ltmp49:
0x23f: {  	_ = 	snop;
	(pc) =	sbr.rel @!p1 .LBB2_85-.Ltmp49, $4  }
0x240: {  	s24 =	sshll.u32 s31, $0x6  }
0x241: {  	s24 =	sshra.s32 s24, $0x2  }
0x242: {  	s31 =	sshll.u32 s31, $0x4;
	s29 =	sadd.s32 $0x400, s24  }
0x243: {  	v5 =	vmov s28;
	v6 =	vmov s25;
	v4 =	vimm.f32 $0.0e+00;
	p0 =	por $0x0, $0x0;
	s25 =	sadd.s32 s31, s12;
	v7 =	vld [tilespmem:s29+$0x0]  }
0x244: {  	s28 =	sadd.s32 $0x1, s30  }
0x245: {  	v8 =	vld [tilespmem:s24+$0x0];
	p1 =	slt.s32 s28, s26  }
.Ltmp50:
0x246: {  	v9 =	vor.u32 s25, v1;
	(pc) =	sbr.rel @!p1 .LBB2_87-.Ltmp50, $4  }
0x247: {  	vm0 =	vge.s32 v9, v5;
	vm1 =	vlt.s32 v9, v6  }
0x248: {  	vm0 =	vmand vm0, vm1  }
0x249: {  	s30 =	sadd.s32 $0x10, s29;
	v9 =	vnsel vm0, $0x0, v7  }
0x24a: {  	s24 =	sadd.s32 $0x10, s24;
	p0 =	por $0x1, $0x1;
	s29 =	smov.u32 s25;
	v7 =	vld [tilespmem:s30+$0x0];
	v10 =	vnsel vm0, $0x0, v8;
	v8 =	vadd.f32 v9, v4;
	v9 =	vimm.f32 $0.0e+00  }
.LBB2_88:
0x24b: {  	s28 =	sadd.s32 $0x1, s28  }
0x24c: {  	v11 =	vld [tilespmem:s24+$0x0];
	v9 =	vadd.f32 v10, v9;
	s29 =	sadd.s32 $0x10, s29;
	p1 =	slt.s32 s28, s26  }
.Ltmp51:
0x24d: {  	v10 =	vor.u32 s29, v1;
	(pc) =	sbr.rel @p1 .LBB2_88-.Ltmp51, $4  }
0x24e: {  	vm0 =	vge.s32 v10, v5;
	vm1 =	vlt.s32 v10, v6  }
0x24f: {  	vm0 =	vmand vm0, vm1  }
0x250: {  	s30 =	sadd.s32 $0x10, s30;
	v12 =	vnsel vm0, $0x0, v7  }
0x251: {  	s24 =	sadd.s32 $0x10, s24;
	v7 =	vld [tilespmem:s30+$0x0];
	v10 =	vnsel vm0, $0x0, v11;
	v8 =	vadd.f32 v12, v8  }
.LBB2_89:
0x252: {  	v11 =	vld [tilespmem:s24+$0x0];
	s24 =	sadd.s32 @p0 $0x10, s29  }
0x253: {  	s25 =	smov.u32 @p0 s24  }
0x254: {  	v12 =	vor.u32 s25, v1  }
0x255: {  	v9 =	vadd.f32 @p0 v10, v9;
	vm0 =	vge.s32 v12, v5;
	vm1 =	vlt.s32 v12, v6  }
0x256: {  	vm0 =	vmand vm0, vm1  }
0x257: {  	v5 =	vnsel vm0, $0x0, v7;
	v6 =	vnsel vm0, $0x0, v11;
	v7 =	vpsel p0, v9, v4  }
0x258: {  	v4 =	vadd.f32 v5, v8;
	v5 =	vadd.f32 v6, v7  }
.LBB2_90:
0x259: {  	_ = 	snop  }
0x25a: {  	[tilespmem:$0xC80] =	vst v5  }
0x25b: {  	[tilespmem:$0x1480] =	vst v4  }
.LBB2_91:
0x25c: {  	(v2sf) =	vpush v2, $0xA  }
0x25d: {  	(v2sf) =	vpush v3, $0xA;
	_ =	sdelay $0xd  }
0x25e: {  	s24 =	spop (v2sf)  }
0x25f: {  	s25 =	spop (v2sf)  }
0x260: {  	p0 =	sgt.s32 s4, s24;
	s28 =	smov.u32 s24;
	p1 =	slt.s32 s7, s25  }
0x261: {  	s28 =	smov.u32 @p0 s4;
	s25 =	smov.u32 @p1 s7  }
0x262: {  	p0 =	sle.s32 s25, s28  }
.Ltmp52:
0x263: {  	_ = 	snop;
	(pc) =	sbr.rel @p0 .LBB2_100-.Ltmp52, $1  }
0x264: {  	_ =	sdelay $0x3  }
0x265: {  	s26 =	ssub.s32 s28, s4;
	p0 =	slt.s32 s4, s24;
	s24 =	simm.s32 $0x1  }
0x266: {  	s29 =	sshra.s32 s26, $0x1F;
	s24 =	simm.s32 @!p0 $0x0  }
0x267: {  	s30 =	sshrl.u32 s29, $0x1C;
	s24 =	sor.u32 s24, s29;
	s29 =	sand.u32 $0xF, s28  }
0x268: {  	p6 =	sne.s32 s24, $0x1;
	p1 =	sne.s32 s29, $0x0;
	s24 =	sadd.s32 s11, s25  }
0x269: {  	s26 =	sadd.s32 s30, s26;
	p0 =	por !p1, !p6;
	s29 =	sshra.s32 s24, $0x1F  }
0x26a: {  	s30 =	simm.s32 $0x1;
	p0 =	por !p0, !p0;
	s29 =	sshrl.u32 s29, $0x1C  }
0x26b: {  	s26 =	sshra.s32 s26, $0x4;
	s30 =	simm.s32 @!p0 $0x0;
	s24 =	sadd.s32 s29, s24  }
0x26c: {  	s31 =	ssub.s32 s26, s30;
	s26 =	sshra.s32 s24, $0x4  }
0x26d: {  	p0 =	sge.s32 s31, s26  }
.Ltmp53:
0x26e: {  	_ = 	snop;
	(pc) =	sbr.rel @p0 .LBB2_99-.Ltmp53, $2  }
0x26f: {  	_ =	sdelay $0x2  }
0x270: {  	v5 =	vimm.f32 $0.0e+00;
	v4 =	vimm.f32 $0.0e+00  }
0x271: {  	s30 =	sadd.s32 $0x1, s31  }
0x272: {  	p1 =	slt.s32 s30, s26  }
.Ltmp54:
0x273: {  	_ = 	snop;
	(pc) =	sbr.rel @!p1 .LBB2_94-.Ltmp54, $4  }
0x274: {  	s24 =	sshll.u32 s31, $0x6  }
0x275: {  	s24 =	sshra.s32 s24, $0x2  }
0x276: {  	s31 =	sshll.u32 s31, $0x4;
	s29 =	sadd.s32 $0x400, s24  }
0x277: {  	v5 =	vmov s28;
	v6 =	vmov s25;
	v4 =	vimm.f32 $0.0e+00;
	p0 =	por $0x0, $0x0;
	s25 =	sadd.s32 s31, s12;
	v7 =	vld [tilespmem:s29+$0x0]  }
0x278: {  	s28 =	sadd.s32 $0x1, s30  }
0x279: {  	v8 =	vld [tilespmem:s24+$0x0];
	p1 =	slt.s32 s28, s26  }
.Ltmp55:
0x27a: {  	v9 =	vor.u32 s25, v1;
	(pc) =	sbr.rel @!p1 .LBB2_96-.Ltmp55, $4  }
0x27b: {  	vm0 =	vge.s32 v9, v5;
	vm1 =	vlt.s32 v9, v6  }
0x27c: {  	vm0 =	vmand vm0, vm1  }
0x27d: {  	s30 =	sadd.s32 $0x10, s29;
	v9 =	vnsel vm0, $0x0, v7  }
0x27e: {  	s24 =	sadd.s32 $0x10, s24;
	p0 =	por $0x1, $0x1;
	s29 =	smov.u32 s25;
	v7 =	vld [tilespmem:s30+$0x0];
	v10 =	vnsel vm0, $0x0, v8;
	v8 =	vadd.f32 v9, v4;
	v9 =	vimm.f32 $0.0e+00  }
.LBB2_97:
0x27f: {  	s28 =	sadd.s32 $0x1, s28  }
0x280: {  	v11 =	vld [tilespmem:s24+$0x0];
	v9 =	vadd.f32 v10, v9;
	s29 =	sadd.s32 $0x10, s29;
	p1 =	slt.s32 s28, s26  }
.Ltmp56:
0x281: {  	v10 =	vor.u32 s29, v1;
	(pc) =	sbr.rel @p1 .LBB2_97-.Ltmp56, $4  }
0x282: {  	vm0 =	vge.s32 v10, v5;
	vm1 =	vlt.s32 v10, v6  }
0x283: {  	vm0 =	vmand vm0, vm1  }
0x284: {  	s30 =	sadd.s32 $0x10, s30;
	v12 =	vnsel vm0, $0x0, v7  }
0x285: {  	s24 =	sadd.s32 $0x10, s24;
	v7 =	vld [tilespmem:s30+$0x0];
	v10 =	vnsel vm0, $0x0, v11;
	v8 =	vadd.f32 v12, v8  }
.LBB2_98:
0x286: {  	v11 =	vld [tilespmem:s24+$0x0];
	s24 =	sadd.s32 @p0 $0x10, s29  }
0x287: {  	s25 =	smov.u32 @p0 s24  }
0x288: {  	v12 =	vor.u32 s25, v1  }
0x289: {  	v9 =	vadd.f32 @p0 v10, v9;
	vm0 =	vge.s32 v12, v5;
	vm1 =	vlt.s32 v12, v6  }
0x28a: {  	vm0 =	vmand vm0, vm1  }
0x28b: {  	v5 =	vnsel vm0, $0x0, v7;
	v6 =	vnsel vm0, $0x0, v11;
	v7 =	vpsel p0, v9, v4  }
0x28c: {  	v4 =	vadd.f32 v5, v8;
	v5 =	vadd.f32 v6, v7  }
.LBB2_99:
0x28d: {  	_ = 	snop  }
0x28e: {  	[tilespmem:$0xD00] =	vst v5  }
0x28f: {  	[tilespmem:$0x1500] =	vst v4  }
.LBB2_100:
0x290: {  	(v2sf) =	vpush v2, $0xB  }
0x291: {  	(v2sf) =	vpush v3, $0xB;
	_ =	sdelay $0xd  }
0x292: {  	s24 =	spop (v2sf)  }
0x293: {  	s25 =	spop (v2sf)  }
0x294: {  	p0 =	sgt.s32 s4, s24;
	s28 =	smov.u32 s24;
	p1 =	slt.s32 s7, s25  }
0x295: {  	s28 =	smov.u32 @p0 s4;
	s25 =	smov.u32 @p1 s7  }
0x296: {  	p0 =	sle.s32 s25, s28  }
.Ltmp57:
0x297: {  	_ = 	snop;
	(pc) =	sbr.rel @p0 .LBB2_109-.Ltmp57, $1  }
0x298: {  	_ =	sdelay $0x3  }
0x299: {  	s26 =	ssub.s32 s28, s4;
	p0 =	slt.s32 s4, s24;
	s24 =	simm.s32 $0x1  }
0x29a: {  	s29 =	sshra.s32 s26, $0x1F;
	s24 =	simm.s32 @!p0 $0x0  }
0x29b: {  	s30 =	sshrl.u32 s29, $0x1C;
	s24 =	sor.u32 s24, s29;
	s29 =	sand.u32 $0xF, s28  }
0x29c: {  	p6 =	sne.s32 s24, $0x1;
	p1 =	sne.s32 s29, $0x0;
	s24 =	sadd.s32 s11, s25  }
0x29d: {  	s26 =	sadd.s32 s30, s26;
	p0 =	por !p1, !p6;
	s29 =	sshra.s32 s24, $0x1F  }
0x29e: {  	s30 =	simm.s32 $0x1;
	p0 =	por !p0, !p0;
	s29 =	sshrl.u32 s29, $0x1C  }
0x29f: {  	s26 =	sshra.s32 s26, $0x4;
	s30 =	simm.s32 @!p0 $0x0;
	s24 =	sadd.s32 s29, s24  }
0x2a0: {  	s31 =	ssub.s32 s26, s30;
	s26 =	sshra.s32 s24, $0x4  }
0x2a1: {  	p0 =	sge.s32 s31, s26  }
.Ltmp58:
0x2a2: {  	_ = 	snop;
	(pc) =	sbr.rel @p0 .LBB2_108-.Ltmp58, $2  }
0x2a3: {  	_ =	sdelay $0x2  }
0x2a4: {  	v5 =	vimm.f32 $0.0e+00;
	v4 =	vimm.f32 $0.0e+00  }
0x2a5: {  	s30 =	sadd.s32 $0x1, s31  }
0x2a6: {  	p1 =	slt.s32 s30, s26  }
.Ltmp59:
0x2a7: {  	_ = 	snop;
	(pc) =	sbr.rel @!p1 .LBB2_103-.Ltmp59, $4  }
0x2a8: {  	s24 =	sshll.u32 s31, $0x6  }
0x2a9: {  	s24 =	sshra.s32 s24, $0x2  }
0x2aa: {  	s31 =	sshll.u32 s31, $0x4;
	s29 =	sadd.s32 $0x400, s24  }
0x2ab: {  	v5 =	vmov s28;
	v6 =	vmov s25;
	v4 =	vimm.f32 $0.0e+00;
	p0 =	por $0x0, $0x0;
	s25 =	sadd.s32 s31, s12;
	v7 =	vld [tilespmem:s29+$0x0]  }
0x2ac: {  	s28 =	sadd.s32 $0x1, s30  }
0x2ad: {  	v8 =	vld [tilespmem:s24+$0x0];
	p1 =	slt.s32 s28, s26  }
.Ltmp60:
0x2ae: {  	v9 =	vor.u32 s25, v1;
	(pc) =	sbr.rel @!p1 .LBB2_105-.Ltmp60, $4  }
0x2af: {  	vm0 =	vge.s32 v9, v5;
	vm1 =	vlt.s32 v9, v6  }
0x2b0: {  	vm0 =	vmand vm0, vm1  }
0x2b1: {  	s30 =	sadd.s32 $0x10, s29;
	v9 =	vnsel vm0, $0x0, v7  }
0x2b2: {  	s24 =	sadd.s32 $0x10, s24;
	p0 =	por $0x1, $0x1;
	s29 =	smov.u32 s25;
	v7 =	vld [tilespmem:s30+$0x0];
	v10 =	vnsel vm0, $0x0, v8;
	v8 =	vadd.f32 v9, v4;
	v9 =	vimm.f32 $0.0e+00  }
.LBB2_106:
0x2b3: {  	s28 =	sadd.s32 $0x1, s28  }
0x2b4: {  	v11 =	vld [tilespmem:s24+$0x0];
	v9 =	vadd.f32 v10, v9;
	s29 =	sadd.s32 $0x10, s29;
	p1 =	slt.s32 s28, s26  }
.Ltmp61:
0x2b5: {  	v10 =	vor.u32 s29, v1;
	(pc) =	sbr.rel @p1 .LBB2_106-.Ltmp61, $4  }
0x2b6: {  	vm0 =	vge.s32 v10, v5;
	vm1 =	vlt.s32 v10, v6  }
0x2b7: {  	vm0 =	vmand vm0, vm1  }
0x2b8: {  	s30 =	sadd.s32 $0x10, s30;
	v12 =	vnsel vm0, $0x0, v7  }
0x2b9: {  	s24 =	sadd.s32 $0x10, s24;
	v7 =	vld [tilespmem:s30+$0x0];
	v10 =	vnsel vm0, $0x0, v11;
	v8 =	vadd.f32 v12, v8  }
.LBB2_107:
0x2ba: {  	v11 =	vld [tilespmem:s24+$0x0];
	s24 =	sadd.s32 @p0 $0x10, s29  }
0x2bb: {  	s25 =	smov.u32 @p0 s24  }
0x2bc: {  	v12 =	vor.u32 s25, v1  }
0x2bd: {  	v9 =	vadd.f32 @p0 v10, v9;
	vm0 =	vge.s32 v12, v5;
	vm1 =	vlt.s32 v12, v6  }
0x2be: {  	vm0 =	vmand vm0, vm1  }
0x2bf: {  	v5 =	vnsel vm0, $0x0, v7;
	v6 =	vnsel vm0, $0x0, v11;
	v7 =	vpsel p0, v9, v4  }
0x2c0: {  	v4 =	vadd.f32 v5, v8;
	v5 =	vadd.f32 v6, v7  }
.LBB2_108:
0x2c1: {  	_ = 	snop  }
0x2c2: {  	[tilespmem:$0xD80] =	vst v5  }
0x2c3: {  	[tilespmem:$0x1580] =	vst v4  }
.LBB2_109:
0x2c4: {  	(v2sf) =	vpush v2, $0xC  }
0x2c5: {  	(v2sf) =	vpush v3, $0xC;
	_ =	sdelay $0xd  }
0x2c6: {  	s24 =	spop (v2sf)  }
0x2c7: {  	s25 =	spop (v2sf)  }
0x2c8: {  	p0 =	sgt.s32 s4, s24;
	s28 =	smov.u32 s24;
	p1 =	slt.s32 s7, s25  }
0x2c9: {  	s28 =	smov.u32 @p0 s4;
	s25 =	smov.u32 @p1 s7  }
0x2ca: {  	p0 =	sle.s32 s25, s28  }
.Ltmp62:
0x2cb: {  	_ = 	snop;
	(pc) =	sbr.rel @p0 .LBB2_118-.Ltmp62, $1  }
0x2cc: {  	_ =	sdelay $0x3  }
0x2cd: {  	s26 =	ssub.s32 s28, s4;
	p0 =	slt.s32 s4, s24;
	s24 =	simm.s32 $0x1  }
0x2ce: {  	s29 =	sshra.s32 s26, $0x1F;
	s24 =	simm.s32 @!p0 $0x0  }
0x2cf: {  	s30 =	sshrl.u32 s29, $0x1C;
	s24 =	sor.u32 s24, s29;
	s29 =	sand.u32 $0xF, s28  }
0x2d0: {  	p6 =	sne.s32 s24, $0x1;
	p1 =	sne.s32 s29, $0x0;
	s24 =	sadd.s32 s11, s25  }
0x2d1: {  	s26 =	sadd.s32 s30, s26;
	p0 =	por !p1, !p6;
	s29 =	sshra.s32 s24, $0x1F  }
0x2d2: {  	s30 =	simm.s32 $0x1;
	p0 =	por !p0, !p0;
	s29 =	sshrl.u32 s29, $0x1C  }
0x2d3: {  	s26 =	sshra.s32 s26, $0x4;
	s30 =	simm.s32 @!p0 $0x0;
	s24 =	sadd.s32 s29, s24  }
0x2d4: {  	s31 =	ssub.s32 s26, s30;
	s26 =	sshra.s32 s24, $0x4  }
0x2d5: {  	p0 =	sge.s32 s31, s26  }
.Ltmp63:
0x2d6: {  	_ = 	snop;
	(pc) =	sbr.rel @p0 .LBB2_117-.Ltmp63, $2  }
0x2d7: {  	_ =	sdelay $0x2  }
0x2d8: {  	v5 =	vimm.f32 $0.0e+00;
	v4 =	vimm.f32 $0.0e+00  }
0x2d9: {  	s30 =	sadd.s32 $0x1, s31  }
0x2da: {  	p1 =	slt.s32 s30, s26  }
.Ltmp64:
0x2db: {  	_ = 	snop;
	(pc) =	sbr.rel @!p1 .LBB2_112-.Ltmp64, $4  }
0x2dc: {  	s24 =	sshll.u32 s31, $0x6  }
0x2dd: {  	s24 =	sshra.s32 s24, $0x2  }
0x2de: {  	s31 =	sshll.u32 s31, $0x4;
	s29 =	sadd.s32 $0x400, s24  }
0x2df: {  	v5 =	vmov s28;
	v6 =	vmov s25;
	v4 =	vimm.f32 $0.0e+00;
	p0 =	por $0x0, $0x0;
	s25 =	sadd.s32 s31, s12;
	v7 =	vld [tilespmem:s29+$0x0]  }
0x2e0: {  	s28 =	sadd.s32 $0x1, s30  }
0x2e1: {  	v8 =	vld [tilespmem:s24+$0x0];
	p1 =	slt.s32 s28, s26  }
.Ltmp65:
0x2e2: {  	v9 =	vor.u32 s25, v1;
	(pc) =	sbr.rel @!p1 .LBB2_114-.Ltmp65, $4  }
0x2e3: {  	vm0 =	vge.s32 v9, v5;
	vm1 =	vlt.s32 v9, v6  }
0x2e4: {  	vm0 =	vmand vm0, vm1  }
0x2e5: {  	s30 =	sadd.s32 $0x10, s29;
	v9 =	vnsel vm0, $0x0, v7  }
0x2e6: {  	s24 =	sadd.s32 $0x10, s24;
	p0 =	por $0x1, $0x1;
	s29 =	smov.u32 s25;
	v7 =	vld [tilespmem:s30+$0x0];
	v10 =	vnsel vm0, $0x0, v8;
	v8 =	vadd.f32 v9, v4;
	v9 =	vimm.f32 $0.0e+00  }
.LBB2_115:
0x2e7: {  	s28 =	sadd.s32 $0x1, s28  }
0x2e8: {  	v11 =	vld [tilespmem:s24+$0x0];
	v9 =	vadd.f32 v10, v9;
	s29 =	sadd.s32 $0x10, s29;
	p1 =	slt.s32 s28, s26  }
.Ltmp66:
0x2e9: {  	v10 =	vor.u32 s29, v1;
	(pc) =	sbr.rel @p1 .LBB2_115-.Ltmp66, $4  }
0x2ea: {  	vm0 =	vge.s32 v10, v5;
	vm1 =	vlt.s32 v10, v6  }
0x2eb: {  	vm0 =	vmand vm0, vm1  }
0x2ec: {  	s30 =	sadd.s32 $0x10, s30;
	v12 =	vnsel vm0, $0x0, v7  }
0x2ed: {  	s24 =	sadd.s32 $0x10, s24;
	v7 =	vld [tilespmem:s30+$0x0];
	v10 =	vnsel vm0, $0x0, v11;
	v8 =	vadd.f32 v12, v8  }
.LBB2_116:
0x2ee: {  	v11 =	vld [tilespmem:s24+$0x0];
	s24 =	sadd.s32 @p0 $0x10, s29  }
0x2ef: {  	s25 =	smov.u32 @p0 s24  }
0x2f0: {  	v12 =	vor.u32 s25, v1  }
0x2f1: {  	v9 =	vadd.f32 @p0 v10, v9;
	vm0 =	vge.s32 v12, v5;
	vm1 =	vlt.s32 v12, v6  }
0x2f2: {  	vm0 =	vmand vm0, vm1  }
0x2f3: {  	v5 =	vnsel vm0, $0x0, v7;
	v6 =	vnsel vm0, $0x0, v11;
	v7 =	vpsel p0, v9, v4  }
0x2f4: {  	v4 =	vadd.f32 v5, v8;
	v5 =	vadd.f32 v6, v7  }
.LBB2_117:
0x2f5: {  	_ = 	snop  }
0x2f6: {  	[tilespmem:$0xE00] =	vst v5  }
0x2f7: {  	[tilespmem:$0x1600] =	vst v4  }
.LBB2_118:
0x2f8: {  	(v2sf) =	vpush v2, $0xD  }
0x2f9: {  	(v2sf) =	vpush v3, $0xD;
	_ =	sdelay $0xd  }
0x2fa: {  	s24 =	spop (v2sf)  }
0x2fb: {  	s25 =	spop (v2sf)  }
0x2fc: {  	p0 =	sgt.s32 s4, s24;
	s28 =	smov.u32 s24;
	p1 =	slt.s32 s7, s25  }
0x2fd: {  	s28 =	smov.u32 @p0 s4;
	s25 =	smov.u32 @p1 s7  }
0x2fe: {  	p0 =	sle.s32 s25, s28  }
.Ltmp67:
0x2ff: {  	_ = 	snop;
	(pc) =	sbr.rel @p0 .LBB2_127-.Ltmp67, $1  }
0x300: {  	_ =	sdelay $0x3  }
0x301: {  	s26 =	ssub.s32 s28, s4;
	p0 =	slt.s32 s4, s24;
	s24 =	simm.s32 $0x1  }
0x302: {  	s29 =	sshra.s32 s26, $0x1F;
	s24 =	simm.s32 @!p0 $0x0  }
0x303: {  	s30 =	sshrl.u32 s29, $0x1C;
	s24 =	sor.u32 s24, s29;
	s29 =	sand.u32 $0xF, s28  }
0x304: {  	p6 =	sne.s32 s24, $0x1;
	p1 =	sne.s32 s29, $0x0;
	s24 =	sadd.s32 s11, s25  }
0x305: {  	s26 =	sadd.s32 s30, s26;
	p0 =	por !p1, !p6;
	s29 =	sshra.s32 s24, $0x1F  }
0x306: {  	s30 =	simm.s32 $0x1;
	p0 =	por !p0, !p0;
	s29 =	sshrl.u32 s29, $0x1C  }
0x307: {  	s26 =	sshra.s32 s26, $0x4;
	s30 =	simm.s32 @!p0 $0x0;
	s24 =	sadd.s32 s29, s24  }
0x308: {  	s31 =	ssub.s32 s26, s30;
	s26 =	sshra.s32 s24, $0x4  }
0x309: {  	p0 =	sge.s32 s31, s26  }
.Ltmp68:
0x30a: {  	_ = 	snop;
	(pc) =	sbr.rel @p0 .LBB2_126-.Ltmp68, $2  }
0x30b: {  	_ =	sdelay $0x2  }
0x30c: {  	v5 =	vimm.f32 $0.0e+00;
	v4 =	vimm.f32 $0.0e+00  }
0x30d: {  	s30 =	sadd.s32 $0x1, s31  }
0x30e: {  	p1 =	slt.s32 s30, s26  }
.Ltmp69:
0x30f: {  	_ = 	snop;
	(pc) =	sbr.rel @!p1 .LBB2_121-.Ltmp69, $4  }
0x310: {  	s24 =	sshll.u32 s31, $0x6  }
0x311: {  	s24 =	sshra.s32 s24, $0x2  }
0x312: {  	s31 =	sshll.u32 s31, $0x4;
	s29 =	sadd.s32 $0x400, s24  }
0x313: {  	v5 =	vmov s28;
	v6 =	vmov s25;
	v4 =	vimm.f32 $0.0e+00;
	p0 =	por $0x0, $0x0;
	s25 =	sadd.s32 s31, s12;
	v7 =	vld [tilespmem:s29+$0x0]  }
0x314: {  	s28 =	sadd.s32 $0x1, s30  }
0x315: {  	v8 =	vld [tilespmem:s24+$0x0];
	p1 =	slt.s32 s28, s26  }
.Ltmp70:
0x316: {  	v9 =	vor.u32 s25, v1;
	(pc) =	sbr.rel @!p1 .LBB2_123-.Ltmp70, $4  }
0x317: {  	vm0 =	vge.s32 v9, v5;
	vm1 =	vlt.s32 v9, v6  }
0x318: {  	vm0 =	vmand vm0, vm1  }
0x319: {  	s30 =	sadd.s32 $0x10, s29;
	v9 =	vnsel vm0, $0x0, v7  }
0x31a: {  	s24 =	sadd.s32 $0x10, s24;
	p0 =	por $0x1, $0x1;
	s29 =	smov.u32 s25;
	v7 =	vld [tilespmem:s30+$0x0];
	v10 =	vnsel vm0, $0x0, v8;
	v8 =	vadd.f32 v9, v4;
	v9 =	vimm.f32 $0.0e+00  }
.LBB2_124:
0x31b: {  	s28 =	sadd.s32 $0x1, s28  }
0x31c: {  	v11 =	vld [tilespmem:s24+$0x0];
	v9 =	vadd.f32 v10, v9;
	s29 =	sadd.s32 $0x10, s29;
	p1 =	slt.s32 s28, s26  }
.Ltmp71:
0x31d: {  	v10 =	vor.u32 s29, v1;
	(pc) =	sbr.rel @p1 .LBB2_124-.Ltmp71, $4  }
0x31e: {  	vm0 =	vge.s32 v10, v5;
	vm1 =	vlt.s32 v10, v6  }
0x31f: {  	vm0 =	vmand vm0, vm1  }
0x320: {  	s30 =	sadd.s32 $0x10, s30;
	v12 =	vnsel vm0, $0x0, v7  }
0x321: {  	s24 =	sadd.s32 $0x10, s24;
	v7 =	vld [tilespmem:s30+$0x0];
	v10 =	vnsel vm0, $0x0, v11;
	v8 =	vadd.f32 v12, v8  }
.LBB2_125:
0x322: {  	v11 =	vld [tilespmem:s24+$0x0];
	s24 =	sadd.s32 @p0 $0x10, s29  }
0x323: {  	s25 =	smov.u32 @p0 s24  }
0x324: {  	v12 =	vor.u32 s25, v1  }
0x325: {  	v9 =	vadd.f32 @p0 v10, v9;
	vm0 =	vge.s32 v12, v5;
	vm1 =	vlt.s32 v12, v6  }
0x326: {  	vm0 =	vmand vm0, vm1  }
0x327: {  	v5 =	vnsel vm0, $0x0, v7;
	v6 =	vnsel vm0, $0x0, v11;
	v7 =	vpsel p0, v9, v4  }
0x328: {  	v4 =	vadd.f32 v5, v8;
	v5 =	vadd.f32 v6, v7  }
.LBB2_126:
0x329: {  	_ = 	snop  }
0x32a: {  	[tilespmem:$0xE80] =	vst v5  }
0x32b: {  	[tilespmem:$0x1680] =	vst v4  }
.LBB2_127:
0x32c: {  	(v2sf) =	vpush v2, $0xE  }
0x32d: {  	(v2sf) =	vpush v3, $0xE;
	_ =	sdelay $0xd  }
0x32e: {  	s24 =	spop (v2sf)  }
0x32f: {  	s25 =	spop (v2sf)  }
0x330: {  	p0 =	sgt.s32 s4, s24;
	s28 =	smov.u32 s24;
	p1 =	slt.s32 s7, s25  }
0x331: {  	s28 =	smov.u32 @p0 s4;
	s25 =	smov.u32 @p1 s7  }
0x332: {  	p0 =	sle.s32 s25, s28  }
.Ltmp72:
0x333: {  	_ = 	snop;
	(pc) =	sbr.rel @p0 .LBB2_136-.Ltmp72, $1  }
0x334: {  	_ =	sdelay $0x3  }
0x335: {  	s26 =	ssub.s32 s28, s4;
	p0 =	slt.s32 s4, s24;
	s24 =	simm.s32 $0x1  }
0x336: {  	s29 =	sshra.s32 s26, $0x1F;
	s24 =	simm.s32 @!p0 $0x0  }
0x337: {  	s30 =	sshrl.u32 s29, $0x1C;
	s24 =	sor.u32 s24, s29;
	s29 =	sand.u32 $0xF, s28  }
0x338: {  	p6 =	sne.s32 s24, $0x1;
	p1 =	sne.s32 s29, $0x0;
	s24 =	sadd.s32 s11, s25  }
0x339: {  	s26 =	sadd.s32 s30, s26;
	p0 =	por !p1, !p6;
	s29 =	sshra.s32 s24, $0x1F  }
0x33a: {  	s30 =	simm.s32 $0x1;
	p0 =	por !p0, !p0;
	s29 =	sshrl.u32 s29, $0x1C  }
0x33b: {  	s26 =	sshra.s32 s26, $0x4;
	s30 =	simm.s32 @!p0 $0x0;
	s24 =	sadd.s32 s29, s24  }
0x33c: {  	s31 =	ssub.s32 s26, s30;
	s26 =	sshra.s32 s24, $0x4  }
0x33d: {  	p0 =	sge.s32 s31, s26  }
.Ltmp73:
0x33e: {  	_ = 	snop;
	(pc) =	sbr.rel @p0 .LBB2_135-.Ltmp73, $2  }
0x33f: {  	_ =	sdelay $0x2  }
0x340: {  	v5 =	vimm.f32 $0.0e+00;
	v4 =	vimm.f32 $0.0e+00  }
0x341: {  	s30 =	sadd.s32 $0x1, s31  }
0x342: {  	p1 =	slt.s32 s30, s26  }
.Ltmp74:
0x343: {  	_ = 	snop;
	(pc) =	sbr.rel @!p1 .LBB2_130-.Ltmp74, $4  }
0x344: {  	s24 =	sshll.u32 s31, $0x6  }
0x345: {  	s24 =	sshra.s32 s24, $0x2  }
0x346: {  	s31 =	sshll.u32 s31, $0x4;
	s29 =	sadd.s32 $0x400, s24  }
0x347: {  	v5 =	vmov s28;
	v6 =	vmov s25;
	v4 =	vimm.f32 $0.0e+00;
	p0 =	por $0x0, $0x0;
	s25 =	sadd.s32 s31, s12;
	v7 =	vld [tilespmem:s29+$0x0]  }
0x348: {  	s28 =	sadd.s32 $0x1, s30  }
0x349: {  	v8 =	vld [tilespmem:s24+$0x0];
	p1 =	slt.s32 s28, s26  }
.Ltmp75:
0x34a: {  	v9 =	vor.u32 s25, v1;
	(pc) =	sbr.rel @!p1 .LBB2_132-.Ltmp75, $4  }
0x34b: {  	vm0 =	vge.s32 v9, v5;
	vm1 =	vlt.s32 v9, v6  }
0x34c: {  	vm0 =	vmand vm0, vm1  }
0x34d: {  	s30 =	sadd.s32 $0x10, s29;
	v9 =	vnsel vm0, $0x0, v7  }
0x34e: {  	s24 =	sadd.s32 $0x10, s24;
	p0 =	por $0x1, $0x1;
	s29 =	smov.u32 s25;
	v7 =	vld [tilespmem:s30+$0x0];
	v10 =	vnsel vm0, $0x0, v8;
	v8 =	vadd.f32 v9, v4;
	v9 =	vimm.f32 $0.0e+00  }
.LBB2_133:
0x34f: {  	s28 =	sadd.s32 $0x1, s28  }
0x350: {  	v11 =	vld [tilespmem:s24+$0x0];
	v9 =	vadd.f32 v10, v9;
	s29 =	sadd.s32 $0x10, s29;
	p1 =	slt.s32 s28, s26  }
.Ltmp76:
0x351: {  	v10 =	vor.u32 s29, v1;
	(pc) =	sbr.rel @p1 .LBB2_133-.Ltmp76, $4  }
0x352: {  	vm0 =	vge.s32 v10, v5;
	vm1 =	vlt.s32 v10, v6  }
0x353: {  	vm0 =	vmand vm0, vm1  }
0x354: {  	s30 =	sadd.s32 $0x10, s30;
	v12 =	vnsel vm0, $0x0, v7  }
0x355: {  	s24 =	sadd.s32 $0x10, s24;
	v7 =	vld [tilespmem:s30+$0x0];
	v10 =	vnsel vm0, $0x0, v11;
	v8 =	vadd.f32 v12, v8  }
.LBB2_134:
0x356: {  	v11 =	vld [tilespmem:s24+$0x0];
	s24 =	sadd.s32 @p0 $0x10, s29  }
0x357: {  	s25 =	smov.u32 @p0 s24  }
0x358: {  	v12 =	vor.u32 s25, v1  }
0x359: {  	v9 =	vadd.f32 @p0 v10, v9;
	vm0 =	vge.s32 v12, v5;
	vm1 =	vlt.s32 v12, v6  }
0x35a: {  	vm0 =	vmand vm0, vm1  }
0x35b: {  	v5 =	vnsel vm0, $0x0, v7;
	v6 =	vnsel vm0, $0x0, v11;
	v7 =	vpsel p0, v9, v4  }
0x35c: {  	v4 =	vadd.f32 v5, v8;
	v5 =	vadd.f32 v6, v7  }
.LBB2_135:
0x35d: {  	_ = 	snop  }
0x35e: {  	[tilespmem:$0xF00] =	vst v5  }
0x35f: {  	[tilespmem:$0x1700] =	vst v4  }
.LBB2_136:
0x360: {  	(v2sf) =	vpush v2, $0xF  }
0x361: {  	(v2sf) =	vpush v3, $0xF;
	_ =	sdelay $0xd  }
0x362: {  	s24 =	spop (v2sf)  }
0x363: {  	s25 =	spop (v2sf)  }
0x364: {  	p0 =	sgt.s32 s4, s24;
	s28 =	smov.u32 s24;
	p1 =	slt.s32 s7, s25  }
0x365: {  	s28 =	smov.u32 @p0 s4;
	s25 =	smov.u32 @p1 s7  }
0x366: {  	p0 =	sle.s32 s25, s28  }
.Ltmp77:
0x367: {  	_ = 	snop;
	(pc) =	sbr.rel @p0 .LBB2_145-.Ltmp77, $1  }
0x368: {  	_ =	sdelay $0x3  }
0x369: {  	s26 =	ssub.s32 s28, s4;
	p0 =	slt.s32 s4, s24;
	s24 =	simm.s32 $0x1  }
0x36a: {  	s29 =	sshra.s32 s26, $0x1F;
	s24 =	simm.s32 @!p0 $0x0  }
0x36b: {  	s30 =	sshrl.u32 s29, $0x1C;
	s24 =	sor.u32 s24, s29;
	s29 =	sand.u32 $0xF, s28  }
0x36c: {  	p6 =	sne.s32 s24, $0x1;
	p1 =	sne.s32 s29, $0x0;
	s24 =	sadd.s32 s11, s25  }
0x36d: {  	s26 =	sadd.s32 s30, s26;
	p0 =	por !p1, !p6;
	s29 =	sshra.s32 s24, $0x1F  }
0x36e: {  	s30 =	simm.s32 $0x1;
	p0 =	por !p0, !p0;
	s29 =	sshrl.u32 s29, $0x1C  }
0x36f: {  	s26 =	sshra.s32 s26, $0x4;
	s30 =	simm.s32 @!p0 $0x0;
	s24 =	sadd.s32 s29, s24  }
0x370: {  	s31 =	ssub.s32 s26, s30;
	s26 =	sshra.s32 s24, $0x4  }
0x371: {  	p0 =	sge.s32 s31, s26  }
.Ltmp78:
0x372: {  	_ = 	snop;
	(pc) =	sbr.rel @p0 .LBB2_144-.Ltmp78, $2  }
0x373: {  	_ =	sdelay $0x2  }
0x374: {  	v3 =	vimm.f32 $0.0e+00;
	v2 =	vimm.f32 $0.0e+00  }
0x375: {  	s30 =	sadd.s32 $0x1, s31  }
0x376: {  	p1 =	slt.s32 s30, s26  }
.Ltmp79:
0x377: {  	_ = 	snop;
	(pc) =	sbr.rel @!p1 .LBB2_139-.Ltmp79, $4  }
0x378: {  	s24 =	sshll.u32 s31, $0x6  }
0x379: {  	s24 =	sshra.s32 s24, $0x2  }
0x37a: {  	s31 =	sshll.u32 s31, $0x4;
	s29 =	sadd.s32 $0x400, s24  }
0x37b: {  	v3 =	vmov s28;
	v4 =	vmov s25;
	v2 =	vimm.f32 $0.0e+00;
	p0 =	por $0x0, $0x0;
	s25 =	sadd.s32 s31, s12;
	v5 =	vld [tilespmem:s29+$0x0]  }
0x37c: {  	s28 =	sadd.s32 $0x1, s30  }
0x37d: {  	v6 =	vld [tilespmem:s24+$0x0];
	p1 =	slt.s32 s28, s26  }
.Ltmp80:
0x37e: {  	v7 =	vor.u32 s25, v1;
	(pc) =	sbr.rel @!p1 .LBB2_141-.Ltmp80, $4  }
0x37f: {  	vm0 =	vge.s32 v7, v3;
	vm1 =	vlt.s32 v7, v4  }
0x380: {  	vm0 =	vmand vm0, vm1  }
0x381: {  	s30 =	sadd.s32 $0x10, s29;
	v7 =	vnsel vm0, $0x0, v5  }
0x382: {  	s24 =	sadd.s32 $0x10, s24;
	p0 =	por $0x1, $0x1;
	s29 =	smov.u32 s25;
	v5 =	vld [tilespmem:s30+$0x0];
	v8 =	vnsel vm0, $0x0, v6;
	v6 =	vadd.f32 v7, v2;
	v7 =	vimm.f32 $0.0e+00  }
.LBB2_142:
0x383: {  	s28 =	sadd.s32 $0x1, s28  }
0x384: {  	v9 =	vld [tilespmem:s24+$0x0];
	v7 =	vadd.f32 v8, v7;
	s29 =	sadd.s32 $0x10, s29;
	p1 =	slt.s32 s28, s26  }
.Ltmp81:
0x385: {  	v8 =	vor.u32 s29, v1;
	(pc) =	sbr.rel @p1 .LBB2_142-.Ltmp81, $4  }
0x386: {  	vm0 =	vge.s32 v8, v3;
	vm1 =	vlt.s32 v8, v4  }
0x387: {  	vm0 =	vmand vm0, vm1  }
0x388: {  	s30 =	sadd.s32 $0x10, s30;
	v10 =	vnsel vm0, $0x0, v5  }
0x389: {  	s24 =	sadd.s32 $0x10, s24;
	v5 =	vld [tilespmem:s30+$0x0];
	v8 =	vnsel vm0, $0x0, v9;
	v6 =	vadd.f32 v10, v6  }
.Ltmp82:
0x38a: {  	_ = 	snop;
	(pc) =	sbr.rel .LBB2_143-.Ltmp82, $1  }
0x38b: {  	_ =	sdelay $0x3  }
.LBB2_4:
.Ltmp83:
0x38c: {  	(pc) =	sbr.rel .LBB2_8-.Ltmp83, $2  }
0x38d: {  	_ =	sdelay $0x2  }
0x38e: {  	v9 =	vimm.f32 $0.0e+00;
	s29 =	smov.u32 s25;
	v8 =	vimm.f32 $0.0e+00  }
.LBB2_13:
.Ltmp84:
0x38f: {  	(pc) =	sbr.rel .LBB2_17-.Ltmp84, $2  }
0x390: {  	_ =	sdelay $0x2  }
0x391: {  	v9 =	vimm.f32 $0.0e+00;
	s29 =	smov.u32 s25;
	v8 =	vimm.f32 $0.0e+00  }
.LBB2_22:
.Ltmp85:
0x392: {  	(pc) =	sbr.rel .LBB2_26-.Ltmp85, $2  }
0x393: {  	_ =	sdelay $0x2  }
0x394: {  	v9 =	vimm.f32 $0.0e+00;
	s29 =	smov.u32 s25;
	v8 =	vimm.f32 $0.0e+00  }
.LBB2_31:
.Ltmp86:
0x395: {  	(pc) =	sbr.rel .LBB2_35-.Ltmp86, $2  }
0x396: {  	_ =	sdelay $0x2  }
0x397: {  	v9 =	vimm.f32 $0.0e+00;
	s29 =	smov.u32 s25;
	v8 =	vimm.f32 $0.0e+00  }
.LBB2_40:
.Ltmp87:
0x398: {  	(pc) =	sbr.rel .LBB2_44-.Ltmp87, $2  }
0x399: {  	_ =	sdelay $0x2  }
0x39a: {  	v9 =	vimm.f32 $0.0e+00;
	s29 =	smov.u32 s25;
	v8 =	vimm.f32 $0.0e+00  }
.LBB2_49:
.Ltmp88:
0x39b: {  	(pc) =	sbr.rel .LBB2_53-.Ltmp88, $2  }
0x39c: {  	_ =	sdelay $0x2  }
0x39d: {  	v9 =	vimm.f32 $0.0e+00;
	s29 =	smov.u32 s25;
	v8 =	vimm.f32 $0.0e+00  }
.LBB2_58:
.Ltmp89:
0x39e: {  	(pc) =	sbr.rel .LBB2_62-.Ltmp89, $2  }
0x39f: {  	_ =	sdelay $0x2  }
0x3a0: {  	v9 =	vimm.f32 $0.0e+00;
	s29 =	smov.u32 s25;
	v8 =	vimm.f32 $0.0e+00  }
.LBB2_67:
.Ltmp90:
0x3a1: {  	(pc) =	sbr.rel .LBB2_71-.Ltmp90, $2  }
0x3a2: {  	_ =	sdelay $0x2  }
0x3a3: {  	v9 =	vimm.f32 $0.0e+00;
	s29 =	smov.u32 s25;
	v8 =	vimm.f32 $0.0e+00  }
.LBB2_76:
.Ltmp91:
0x3a4: {  	(pc) =	sbr.rel .LBB2_80-.Ltmp91, $2  }
0x3a5: {  	_ =	sdelay $0x2  }
0x3a6: {  	v9 =	vimm.f32 $0.0e+00;
	s29 =	smov.u32 s25;
	v8 =	vimm.f32 $0.0e+00  }
.LBB2_85:
.Ltmp92:
0x3a7: {  	(pc) =	sbr.rel .LBB2_89-.Ltmp92, $2  }
0x3a8: {  	_ =	sdelay $0x2  }
0x3a9: {  	v9 =	vimm.f32 $0.0e+00;
	s29 =	smov.u32 s25;
	v8 =	vimm.f32 $0.0e+00  }
.LBB2_94:
.Ltmp93:
0x3aa: {  	(pc) =	sbr.rel .LBB2_98-.Ltmp93, $2  }
0x3ab: {  	_ =	sdelay $0x2  }
0x3ac: {  	v9 =	vimm.f32 $0.0e+00;
	s29 =	smov.u32 s25;
	v8 =	vimm.f32 $0.0e+00  }
.LBB2_103:
.Ltmp94:
0x3ad: {  	(pc) =	sbr.rel .LBB2_107-.Ltmp94, $2  }
0x3ae: {  	_ =	sdelay $0x2  }
0x3af: {  	v9 =	vimm.f32 $0.0e+00;
	s29 =	smov.u32 s25;
	v8 =	vimm.f32 $0.0e+00  }
.LBB2_112:
.Ltmp95:
0x3b0: {  	(pc) =	sbr.rel .LBB2_116-.Ltmp95, $2  }
0x3b1: {  	_ =	sdelay $0x2  }
0x3b2: {  	v9 =	vimm.f32 $0.0e+00;
	s29 =	smov.u32 s25;
	v8 =	vimm.f32 $0.0e+00  }
.LBB2_121:
.Ltmp96:
0x3b3: {  	(pc) =	sbr.rel .LBB2_125-.Ltmp96, $2  }
0x3b4: {  	_ =	sdelay $0x2  }
0x3b5: {  	v9 =	vimm.f32 $0.0e+00;
	s29 =	smov.u32 s25;
	v8 =	vimm.f32 $0.0e+00  }
.LBB2_130:
.Ltmp97:
0x3b6: {  	(pc) =	sbr.rel .LBB2_134-.Ltmp97, $2  }
0x3b7: {  	_ =	sdelay $0x2  }
0x3b8: {  	v9 =	vimm.f32 $0.0e+00;
	s29 =	smov.u32 s25;
	v8 =	vimm.f32 $0.0e+00  }
.LBB2_6:
.Ltmp98:
0x3b9: {  	(pc) =	sbr.rel .LBB2_8-.Ltmp98, $2  }
0x3ba: {  	_ =	sdelay $0x2  }
0x3bb: {  	v9 =	vimm.f32 $0.0e+00;
	s29 =	smov.u32 s25  }
.LBB2_15:
.Ltmp99:
0x3bc: {  	(pc) =	sbr.rel .LBB2_17-.Ltmp99, $2  }
0x3bd: {  	_ =	sdelay $0x2  }
0x3be: {  	v9 =	vimm.f32 $0.0e+00;
	s29 =	smov.u32 s25  }
.LBB2_24:
.Ltmp100:
0x3bf: {  	(pc) =	sbr.rel .LBB2_26-.Ltmp100, $2  }
0x3c0: {  	_ =	sdelay $0x2  }
0x3c1: {  	v9 =	vimm.f32 $0.0e+00;
	s29 =	smov.u32 s25  }
.LBB2_33:
.Ltmp101:
0x3c2: {  	(pc) =	sbr.rel .LBB2_35-.Ltmp101, $2  }
0x3c3: {  	_ =	sdelay $0x2  }
0x3c4: {  	v9 =	vimm.f32 $0.0e+00;
	s29 =	smov.u32 s25  }
.LBB2_42:
.Ltmp102:
0x3c5: {  	(pc) =	sbr.rel .LBB2_44-.Ltmp102, $2  }
0x3c6: {  	_ =	sdelay $0x2  }
0x3c7: {  	v9 =	vimm.f32 $0.0e+00;
	s29 =	smov.u32 s25  }
.LBB2_51:
.Ltmp103:
0x3c8: {  	(pc) =	sbr.rel .LBB2_53-.Ltmp103, $2  }
0x3c9: {  	_ =	sdelay $0x2  }
0x3ca: {  	v9 =	vimm.f32 $0.0e+00;
	s29 =	smov.u32 s25  }
.LBB2_60:
.Ltmp104:
0x3cb: {  	(pc) =	sbr.rel .LBB2_62-.Ltmp104, $2  }
0x3cc: {  	_ =	sdelay $0x2  }
0x3cd: {  	v9 =	vimm.f32 $0.0e+00;
	s29 =	smov.u32 s25  }
.LBB2_69:
.Ltmp105:
0x3ce: {  	(pc) =	sbr.rel .LBB2_71-.Ltmp105, $2  }
0x3cf: {  	_ =	sdelay $0x2  }
0x3d0: {  	v9 =	vimm.f32 $0.0e+00;
	s29 =	smov.u32 s25  }
.LBB2_78:
.Ltmp106:
0x3d1: {  	(pc) =	sbr.rel .LBB2_80-.Ltmp106, $2  }
0x3d2: {  	_ =	sdelay $0x2  }
0x3d3: {  	v9 =	vimm.f32 $0.0e+00;
	s29 =	smov.u32 s25  }
.LBB2_87:
.Ltmp107:
0x3d4: {  	(pc) =	sbr.rel .LBB2_89-.Ltmp107, $2  }
0x3d5: {  	_ =	sdelay $0x2  }
0x3d6: {  	v9 =	vimm.f32 $0.0e+00;
	s29 =	smov.u32 s25  }
.LBB2_96:
.Ltmp108:
0x3d7: {  	(pc) =	sbr.rel .LBB2_98-.Ltmp108, $2  }
0x3d8: {  	_ =	sdelay $0x2  }
0x3d9: {  	v9 =	vimm.f32 $0.0e+00;
	s29 =	smov.u32 s25  }
.LBB2_105:
.Ltmp109:
0x3da: {  	(pc) =	sbr.rel .LBB2_107-.Ltmp109, $2  }
0x3db: {  	_ =	sdelay $0x2  }
0x3dc: {  	v9 =	vimm.f32 $0.0e+00;
	s29 =	smov.u32 s25  }
.LBB2_114:
.Ltmp110:
0x3dd: {  	(pc) =	sbr.rel .LBB2_116-.Ltmp110, $2  }
0x3de: {  	_ =	sdelay $0x2  }
0x3df: {  	v9 =	vimm.f32 $0.0e+00;
	s29 =	smov.u32 s25  }
.LBB2_123:
.Ltmp111:
0x3e0: {  	(pc) =	sbr.rel .LBB2_125-.Ltmp111, $2  }
0x3e1: {  	_ =	sdelay $0x2  }
0x3e2: {  	v9 =	vimm.f32 $0.0e+00;
	s29 =	smov.u32 s25  }
.LBB2_132:
.Ltmp112:
0x3e3: {  	(pc) =	sbr.rel .LBB2_134-.Ltmp112, $2  }
0x3e4: {  	_ =	sdelay $0x2  }
0x3e5: {  	v9 =	vimm.f32 $0.0e+00;
	s29 =	smov.u32 s25  }
.LBB2_141:
.Ltmp113:
0x3e6: {  	(pc) =	sbr.rel .LBB2_143-.Ltmp113, $2  }
0x3e7: {  	_ =	sdelay $0x2  }
0x3e8: {  	v7 =	vimm.f32 $0.0e+00;
	s29 =	smov.u32 s25  }
.LBB2_146:
0x3e9: {  	_ =	sfence.sel $0x180000  }
0x3ea: {  	[bflag:$0x0] =	sbarrier.arrive $0xFFFF  }
0x3eb: {  	p0 =	sne.s32 s1, $0x0;
	_ =	strace $0x90000047  }
0x3ec: {  	s0 =	sadd.s32 @!p0 $0x100000, s0;
	[bflag:$0x2] =	sbarrier.arrive $0xFFFF  }
0x3ed: {  	[sflag:s0] =	ssyncadd.tile.s32 @!p0 $0x1;
	_ =	shalt  }
.Lfunc_end2:
_tile_overlayer_lowered:
.L_overlay_start_2:
0x3ee: {  	(tag) =	ssettag $0x2  }
0x3ef: {  	s0 =	rddreg [dreg:$0x0];
	s2 =	stileid.u32  }
0x3f0: {  	s1 =	rddreg [dreg:$0x1];
	p0 =	sne.s32 s2, $0x0  }
0x3f1: {  	s3 =	rddreg [dreg:$0x2];
	[bflag:$0x3] =	sbarrier.arrive $0xFFFF;
	s2 =	simm.s32 @!p0 $0x1C04  }
0x3f2: {  	[timem:s3], [sflag:s2] =	dma.local @!p0 [hbm:s0], s1  }
0x3f3: {  	s0 =	simm.s32 @!p0 $0x4  }
0x3f4: {  	_ =	swait.ge @!p0 [sflag:s0], s1  }
0x3f5: {  	s1 =	ssub.s32 @!p0 $0x0, s1;
	[sflag:s0] =	ssyncset.done @!p0 $0x0  }
0x3f6: {  	[sflag:s0] =	ssyncadd.s32 @!p0 s1  }
0x3f7: {  	[bflag:$0x3] =	sbarrier.arrive $0xFFFF  }
0x3f8: {  	_ =	shalt  }

</sc_bundles>
